<compile_context>
chip_gen: v7x
topology: tpu7x:2x2x1
jax: 0.10.2.dev20260603
libtpu: 0.0.44.dev20260713+nightly
codegen_flags: <defaults>
</compile_context>

<pallas_src>
import functools

import jax
import jax.numpy as jnp
from jax import lax
from jax.experimental import pallas as pl
from jax.experimental.pallas import tpu as pltpu
from jax.experimental.pallas import tpu_sc as plsc

ALPHA = 0.4
VOCAB_P1 = 100001
VPAD = 100352
B = 16384
LROW = 200
NC, NS, LANES = 2, 16, 16
NW = NC * NS
ROWS_PER_W = B // NW
NCB = ROWS_PER_W // 128
L0, L1 = 104, 96
NCHUNK = NCB * 2


def _fuse_body(w_ref, r_ref, rn_ref, o_ref):
    def half(lo):
        sl = pl.ds(0 if lo else VPAD // 256, VPAD // 256)
        p = (w_ref[sl] + 0.4) * (
            (1.0 - ALPHA) * r_ref[sl] + ALPHA * rn_ref[sl])
        p16 = lax.convert_element_type(
            lax.convert_element_type(p, jnp.bfloat16), jnp.float32)
        return lax.bitcast_convert_type(p16, jnp.int32)

    ilo, ihi = half(True), half(False)
    o_ref[...] = lax.shift_right_logical(ilo, 16) | (ihi & jnp.int32(-65536))


def _fuse_table(w2, r2, rn2):
    return pl.pallas_call(
        _fuse_body,
        out_shape=jax.ShapeDtypeStruct((VPAD // 256, 128), jnp.int32),
    )(w2, r2, rn2)


def _sc_body(tbl_hbm, idxt_hbm, c_hbm, out_hbm,
             tbl_v, idx_v0, idx_v1, out_v, c_v, sem_t, sem0, sem1):
    wid = lax.axis_index("s") * NC + lax.axis_index("c")
    col_base = wid * ROWS_PER_W

    def chunk_refs(k, buf):
        cb, h = k // 2, k % 2
        l0 = h * L0
        ln = L1 if h else L0
        src = idxt_hbm.at[pl.ds(l0, ln), pl.ds(col_base + cb * 128, 128)]
        dst = buf.at[pl.ds(0, ln)]
        return src, dst

    def start_idx(k, buf, sem):
        src, dst = chunk_refs(k, buf)
        pltpu.async_copy(src, dst, sem)

    def wait_idx(k, buf, sem):
        src, dst = chunk_refs(k, buf)
        pltpu.make_async_copy(src, dst, sem).wait()

    h_tbl = pltpu.async_copy(tbl_hbm, tbl_v, sem_t)
    start_idx(0, idx_v0, sem0)
    start_idx(1, idx_v1, sem1)
    pltpu.sync_copy(c_hbm, c_v)
    cvec = c_v[...]
    c0 = cvec[0]
    c1 = cvec[1]
    h_tbl.wait()

    bufs = (idx_v0, idx_v1)
    sems = (sem0, sem1)
    zero = jnp.zeros((LANES,), jnp.float32)
    for cb in range(NCB):
        accs = [zero] * 8
        for h in range(2):
            k = cb * 2 + h
            buf, sem = bufs[k % 2], sems[k % 2]
            wait_idx(k, buf, sem)

            def l_body(l, acc, buf=buf):
                new = []
                for g in range(8):
                    idxv = buf[l, pl.ds(g * LANES, LANES)]
                    hi = idxv >= (VPAD // 2)
                    k = idxv - jnp.where(hi, VPAD // 2, 0)
                    word = plsc.load_gather(tbl_v, [k])
                    bits = jnp.where(hi, word & jnp.int32(-65536),
                                     lax.shift_left(word, 16))
                    vals = plsc.bitcast(bits, jnp.float32)
                    new.append(acc[g] + vals)
                return tuple(new)

            accs = list(lax.fori_loop(0, L1 if h else L0, l_body,
                                      tuple(accs)))
            if k + 2 < NCHUNK:
                start_idx(k + 2, buf, sem)
        row_iota = lax.iota(jnp.int32, LANES)
        for g in range(8):
            s = accs[g]
            opos = cb * 256 + g * LANES + row_iota
            plsc.store_scatter(out_v, [opos], s * c0)
            plsc.store_scatter(out_v, [opos + 128], s * c1)
    pltpu.sync_copy(out_v, out_hbm.at[pl.ds(wid * (ROWS_PER_W * 2),
                                            ROWS_PER_W * 2)])


_sc_gather_sum = functools.partial(
    pl.kernel,
    out_type=jax.ShapeDtypeStruct((B * 2,), jnp.float32),
    mesh=plsc.VectorSubcoreMesh(core_axis_name="c", subcore_axis_name="s"),
    compiler_params=pltpu.CompilerParams(needs_layout_passes=False,
                                         disable_bounds_checks=True),
    scratch_types=[
        pltpu.VMEM((VPAD // 2,), jnp.int32),
        pltpu.VMEM((L0, 128), jnp.int32),
        pltpu.VMEM((L0, 128), jnp.int32),
        pltpu.VMEM((ROWS_PER_W * 2,), jnp.float32),
        pltpu.VMEM((16,), jnp.float32),
        pltpu.SemaphoreType.DMA,
        pltpu.SemaphoreType.DMA,
        pltpu.SemaphoreType.DMA,
    ],
)(_sc_body)


def kernel(feat_idx, w_weight, r_weight, r_noise_weight, fc_weight):
    pad = VPAD - VOCAB_P1
    w2 = jnp.pad(w_weight, ((0, pad), (0, 0)))[:, 0].reshape(VPAD // 128, 128)
    r2 = jnp.pad(r_weight, ((0, pad), (0, 0)))[:, 0].reshape(VPAD // 128, 128)
    rn2 = jnp.pad(r_noise_weight, ((0, pad), (0, 0)))[:, 0].reshape(
        VPAD // 128, 128)
    tbl = _fuse_table(w2, r2, rn2).reshape(VPAD // 2)
    c = fc_weight[:, 0] - fc_weight[:, 1]
    c16 = jnp.pad(c, (0, 14))
    out_flat = _sc_gather_sum(tbl, feat_idx.T, c16)
    return (out_flat.reshape(B // 128, 2, 128)
            .transpose(0, 2, 1).reshape(B, 2))

# --- scband reference (transcript-rebuilt; emitter-appended) ---
"""Pipeline reference for scband-dot-prod-nb-86157043957926 (READ-ONLY COPY).

The authoritative reference and input builder live on the scoring server;
editing this copy changes nothing except your own understanding.
"""

import jax, jax.numpy as jnp
import numpy as np

VOCAB = 100000
ALPHA = 0.4

def setup_inputs(seed: int = 0) -> dict:
    key = jax.random.key(seed)
    k_idx, k_w, k_r, k_rn = jax.random.split(key, 4)
    feat_idx = jax.random.randint(k_idx, (16384, 200), 0, VOCAB + 1)
    # w embedding: uniform(-0.1, 0.1), padding_idx=0 zeroed
    w_weight = jax.random.uniform(k_w, (VOCAB + 1, 1), minval=-0.1, maxval=0.1, dtype=jnp.float32)
    w_weight = w_weight.at[0].set(0.0)
    # r embedding (frozen, e.g. log-count ratios)
    r_weight = jax.random.normal(k_r, (VOCAB + 1, 1), dtype=jnp.float32)
    # r_noise embedding (frozen), padding_idx=0 zeroed
    r_noise_weight = jax.random.normal(k_rn, (VOCAB + 1, 1), dtype=jnp.float32)
    r_noise_weight = r_noise_weight.at[0].set(0.0)
    # fc: Linear(2, 2, bias=False) initialized to identity
    fc_weight = jnp.eye(2, dtype=jnp.float32)
    return {"feat_idx": feat_idx, "w_weight": w_weight, "r_weight": r_weight,
            "r_noise_weight": r_noise_weight, "fc_weight": fc_weight}

def reference(feat_idx, w_weight, r_weight, r_noise_weight, fc_weight):
    # w = self.w(feat_idx) + 0.4                       -> [B, L, 1]
    w = jnp.take(w_weight, feat_idx, axis=0) + 0.4
    # r = self.r(feat_idx)*(1-alpha) + self.r_noise(feat_idx)*alpha
    r = jnp.take(r_weight, feat_idx, axis=0) * (1.0 - ALPHA) \
        + jnp.take(r_noise_weight, feat_idx, axis=0) * ALPHA
    # r = torch.cat([r, -r], dim=-1)                   -> [B, L, 2]
    r = jnp.concatenate([r, -r], axis=-1)
    # x = self.fc((w * r).sum(1))                      -> [B, 2]
    s = (w * r).sum(axis=1)
    x = s @ fc_weight.T
    return x

if __name__ == "__main__":
    import jax
    _d = setup_inputs()
    print(jax.jit(kernel)(*tuple(_d.values())))

</pallas_src>

<mosaic_0001>
#map = affine_map<(d0, d1) -> (0)>
#map1 = affine_map<(d0, d1) -> (0, 0)>
module attributes {stable_mosaic.version = 14 : i64} {
  func.func @_sc_body(%arg0: i32, %arg1: i32, %arg2: memref<50176xi32, #tpu.memory_space<hbm>>, %arg3: memref<200x16384xi32, #tpu.memory_space<hbm>>, %arg4: memref<16xf32, #tpu.memory_space<hbm>>, %arg5: memref<32768xf32, #tpu.memory_space<hbm>>, %arg6: memref<50176xi32, #tpu.memory_space<vmem>>, %arg7: memref<104x128xi32, #tpu.memory_space<vmem>>, %arg8: memref<104x128xi32, #tpu.memory_space<vmem>>, %arg9: memref<1024xf32, #tpu.memory_space<vmem>>, %arg10: memref<16xf32, #tpu.memory_space<vmem>>, %arg11: memref<!tpu.dma_semaphore, #tpu.memory_space<semaphore_mem>>, %arg12: memref<!tpu.dma_semaphore, #tpu.memory_space<semaphore_mem>>, %arg13: memref<!tpu.dma_semaphore, #tpu.memory_space<semaphore_mem>>) attributes {dimension_semantics = [#tpu.dimension_semantics<core_parallel>, #tpu.dimension_semantics<subcore_parallel>], iteration_bounds = array<i64: 2, 16>, scalar_prefetch = 0 : i64, scratch_operands = 8 : i64, tpu.core_type = #tpu.core_type<sc_vector_subcore>, window_params = [{transform_indices = #map}, {transform_indices = #map1}, {transform_indices = #map}, {transform_indices = #map}]} {
    %mul3A = arith.constant 2 : i32
    %mul3A_0 = arith.muli %arg1, %mul3A : i32
    %add3A = arith.addi %mul3A_0, %arg0 : i32
    %mul3A_1 = arith.constant 512 : i32
    %mul3A_2 = arith.muli %add3A, %mul3A_1 : i32
    tpu.enqueue_dma source(%arg2 : memref<50176xi32, #tpu.memory_space<hbm>>) target(%arg6 : memref<50176xi32, #tpu.memory_space<vmem>>) target_semaphore(%arg11 : memref<!tpu.dma_semaphore, #tpu.memory_space<semaphore_mem>>)
    %add3A_3 = arith.constant 0 : i32
    %add3A_4 = arith.addi %mul3A_2, %add3A_3 : i32
    %dma_start3A = arith.constant 0 : i32
    %dma_start3A_5 = arith.constant 0 : i32
    %dma_start3A_6 = tpu.memref_slice %arg7[%dma_start3A, %dma_start3A_5] : memref<104x128xi32, #tpu.memory_space<vmem>> -> memref<104x128xi32, #tpu.memory_space<vmem>>
    %dma_start3A_7 = arith.constant 0 : i32
    %dma_start3A_8 = tpu.memref_slice %arg3[%dma_start3A_7, %add3A_4] : memref<200x16384xi32, #tpu.memory_space<hbm>> -> memref<104x128xi32, #tpu.memory_space<hbm>>
    %dma_start3A_9 = arith.constant 0 : i32
    %dma_start3A_10 = arith.constant 0 : i32
    %dma_start3A_11 = tpu.memref_slice %arg7[%dma_start3A_9, %dma_start3A_10] : memref<104x128xi32, #tpu.memory_space<vmem>> -> memref<104x128xi32, #tpu.memory_space<vmem>>
    %dma_start3A_12 = arith.constant 0 : i32
    %dma_start3A_13 = tpu.memref_slice %arg3[%dma_start3A_12, %add3A_4] : memref<200x16384xi32, #tpu.memory_space<hbm>> -> memref<104x128xi32, #tpu.memory_space<hbm>>
    tpu.enqueue_dma source(%dma_start3A_13 : memref<104x128xi32, #tpu.memory_space<hbm>>) target(%dma_start3A_11 : memref<104x128xi32, #tpu.memory_space<vmem>>) target_semaphore(%arg12 : memref<!tpu.dma_semaphore, #tpu.memory_space<semaphore_mem>>)
    %add3A_14 = arith.constant 0 : i32
    %add3A_15 = arith.addi %mul3A_2, %add3A_14 : i32
    %dma_start3A_16 = arith.constant 0 : i32
    %dma_start3A_17 = arith.constant 0 : i32
    %dma_start3A_18 = tpu.memref_slice %arg8[%dma_start3A_16, %dma_start3A_17] : memref<104x128xi32, #tpu.memory_space<vmem>> -> memref<96x128xi32, #tpu.memory_space<vmem>>
    %dma_start3A_19 = arith.constant 104 : i32
    %dma_start3A_20 = tpu.memref_slice %arg3[%dma_start3A_19, %add3A_15] : memref<200x16384xi32, #tpu.memory_space<hbm>> -> memref<96x128xi32, #tpu.memory_space<hbm>>
    %dma_start3A_21 = arith.constant 0 : i32
    %dma_start3A_22 = arith.constant 0 : i32
    %dma_start3A_23 = tpu.memref_slice %arg8[%dma_start3A_21, %dma_start3A_22] : memref<104x128xi32, #tpu.memory_space<vmem>> -> memref<96x128xi32, #tpu.memory_space<vmem>>
    %dma_start3A_24 = arith.constant 104 : i32
    %dma_start3A_25 = tpu.memref_slice %arg3[%dma_start3A_24, %add3A_15] : memref<200x16384xi32, #tpu.memory_space<hbm>> -> memref<96x128xi32, #tpu.memory_space<hbm>>
    tpu.enqueue_dma source(%dma_start3A_25 : memref<96x128xi32, #tpu.memory_space<hbm>>) target(%dma_start3A_23 : memref<96x128xi32, #tpu.memory_space<vmem>>) target_semaphore(%arg13 : memref<!tpu.dma_semaphore, #tpu.memory_space<semaphore_mem>>)
    "tpu.region"() ({
      %run_scoped3A = tpu.sem_alloc : memref<!tpu.dma_semaphore, #tpu.memory_space<semaphore_mem>>
      tpu.enqueue_dma source(%arg4 : memref<16xf32, #tpu.memory_space<hbm>>) target(%arg10 : memref<16xf32, #tpu.memory_space<vmem>>) target_semaphore(%run_scoped3A : memref<!tpu.dma_semaphore, #tpu.memory_space<semaphore_mem>>)
      tpu.wait_dma2 semaphore(%run_scoped3A : memref<!tpu.dma_semaphore, #tpu.memory_space<semaphore_mem>>) src(%arg4 : memref<16xf32, #tpu.memory_space<hbm>>) dst(%arg10 : memref<16xf32, #tpu.memory_space<vmem>>)
      tpu.yield
    }) : () -> ()
    %get3A = arith.constant 0 : index
    %get3A_26 = tpu.vector_load %arg10[%get3A] {strides = array<i32>} : memref<16xf32, #tpu.memory_space<vmem>>, vector<16xf32>,
    %slice3A = vector.extract_strided_slice %get3A_26 {offsets = [0], sizes = [1], strides = [1]} : vector<16xf32> to vector<1xf32>
    %squeeze3A = vector.extract %slice3A[0] : f32 from vector<1xf32>
    %slice3A_27 = vector.extract_strided_slice %get3A_26 {offsets = [1], sizes = [1], strides = [1]} : vector<16xf32> to vector<1xf32>
    %squeeze3A_28 = vector.extract %slice3A_27[0] : f32 from vector<1xf32>
    tpu.wait_dma2 semaphore(%arg11 : memref<!tpu.dma_semaphore, #tpu.memory_space<semaphore_mem>>) src(%arg2 : memref<50176xi32, #tpu.memory_space<hbm>>) dst(%arg6 : memref<50176xi32, #tpu.memory_space<vmem>>)
    %broadcast_in_dim3A = arith.constant 0.000000e+00 : f32
    %broadcast_in_dim3A_29 = vector.broadcast %broadcast_in_dim3A : f32 to vector<16xf32>
    %add3A_30 = arith.constant 0 : i32
    %add3A_31 = arith.addi %mul3A_2, %add3A_30 : i32
    %dma_wait3A = arith.constant 0 : i32
    %dma_wait3A_32 = arith.constant 0 : i32
    %dma_wait3A_33 = tpu.memref_slice %arg7[%dma_wait3A, %dma_wait3A_32] : memref<104x128xi32, #tpu.memory_space<vmem>> -> memref<104x128xi32, #tpu.memory_space<vmem>>
    %dma_wait3A_34 = arith.constant 0 : i32
    %dma_wait3A_35 = tpu.memref_slice %arg3[%dma_wait3A_34, %add3A_31] : memref<200x16384xi32, #tpu.memory_space<hbm>> -> memref<104x128xi32, #tpu.memory_space<hbm>>
    %dma_wait3A_36 = arith.constant 0 : i32
    %dma_wait3A_37 = arith.constant 0 : i32
    %dma_wait3A_38 = tpu.memref_slice %arg7[%dma_wait3A_36, %dma_wait3A_37] : memref<104x128xi32, #tpu.memory_space<vmem>> -> memref<104x128xi32, #tpu.memory_space<vmem>>
    %dma_wait3A_39 = arith.constant 0 : i32
    %dma_wait3A_40 = tpu.memref_slice %arg3[%dma_wait3A_39, %add3A_31] : memref<200x16384xi32, #tpu.memory_space<hbm>> -> memref<104x128xi32, #tpu.memory_space<hbm>>
    tpu.wait_dma2 semaphore(%arg12 : memref<!tpu.dma_semaphore, #tpu.memory_space<semaphore_mem>>) src(%dma_wait3A_40 : memref<104x128xi32, #tpu.memory_space<hbm>>) dst(%dma_wait3A_38 : memref<104x128xi32, #tpu.memory_space<vmem>>)
    %scan3A = arith.constant 0 : i32
    %scan3A_41 = arith.constant 104 : i32
    %scan3A_42 = arith.addi %scan3A, %scan3A_41 : i32
    %scan3A_43 = arith.constant 1 : i32
    %scan3A_44:8 = scf.for %scan3A_569 = %scan3A to %scan3A_42 step %scan3A_43 iter_args(%scan3A_570 = %broadcast_in_dim3A_29, %scan3A_571 = %broadcast_in_dim3A_29, %scan3A_572 = %broadcast_in_dim3A_29, %scan3A_573 = %broadcast_in_dim3A_29, %scan3A_574 = %broadcast_in_dim3A_29, %scan3A_575 = %broadcast_in_dim3A_29, %scan3A_576 = %broadcast_in_dim3A_29, %scan3A_577 = %broadcast_in_dim3A_29) -> (vector<16xf32>, vector<16xf32>, vector<16xf32>, vector<16xf32>, vector<16xf32>, vector<16xf32>, vector<16xf32>, vector<16xf32>)  : i32 {
      %get3A_578 = arith.index_cast %scan3A_569 : i32 to index
      %get3A_579 = arith.constant 0 : index
      %get3A_580 = tpu.vector_load %arg7[%get3A_578, %get3A_579] {strides = array<i32>} : memref<104x128xi32, #tpu.memory_space<vmem>>, vector<16xi32>,
      %ge3A = arith.constant 50176 : i32
      %ge3A_581 = vector.broadcast %ge3A : i32 to vector<16xi32>
      %ge3A_582 = arith.cmpi sge, %get3A_580, %ge3A_581 : vector<16xi32>
      %jit3A = arith.constant 50176 : i32
      %jit3A_583 = arith.constant 0 : i32
      %broadcast_in_dim3A_584 = vector.broadcast %jit3A : i32 to vector<16xi32>
      %broadcast_in_dim3A_585 = vector.broadcast %jit3A_583 : i32 to vector<16xi32>
      %select_n3A = arith.select %ge3A_582, %broadcast_in_dim3A_584, %broadcast_in_dim3A_585 : vector<16xi1>, vector<16xi32>
      %sub3A = arith.subi %get3A_580, %select_n3A : vector<16xi32>
      %gather3A = tpu.vector_load_idx %arg6[%sub3A] : memref<50176xi32, #tpu.memory_space<vmem>>[vector<16xi32>], vector<16xi32>,
      %and3A = arith.constant -65536 : i32
      %and3A_586 = vector.broadcast %and3A : i32 to vector<16xi32>
      %and3A_587 = arith.andi %gather3A, %and3A_586 : vector<16xi32>
      %shift_left3A = arith.constant 16 : i32
      %shift_left3A_588 = vector.broadcast %shift_left3A : i32 to vector<16xi32>
      %shift_left3A_589 = arith.shli %gather3A, %shift_left3A_588 : vector<16xi32>
      %select_n3A_590 = arith.select %ge3A_582, %and3A_587, %shift_left3A_589 : vector<16xi1>, vector<16xi32>
      %bitcast3A = vector.bitcast %select_n3A_590 : vector<16xi32> to vector<16xf32>
      %add3A_591 = arith.addf %scan3A_570, %bitcast3A : vector<16xf32>
      %get3A_592 = arith.index_cast %scan3A_569 : i32 to index
      %get3A_593 = arith.constant 16 : index
      %get3A_594 = tpu.vector_load %arg7[%get3A_592, %get3A_593] {strides = array<i32>} : memref<104x128xi32, #tpu.memory_space<vmem>>, vector<16xi32>,
      %ge3A_595 = arith.constant 50176 : i32
      %ge3A_596 = vector.broadcast %ge3A_595 : i32 to vector<16xi32>
      %ge3A_597 = arith.cmpi sge, %get3A_594, %ge3A_596 : vector<16xi32>
      %jit3A_598 = arith.constant 50176 : i32
      %jit3A_599 = arith.constant 0 : i32
      %broadcast_in_dim3A_600 = vector.broadcast %jit3A_598 : i32 to vector<16xi32>
      %broadcast_in_dim3A_601 = vector.broadcast %jit3A_599 : i32 to vector<16xi32>
      %select_n3A_602 = arith.select %ge3A_597, %broadcast_in_dim3A_600, %broadcast_in_dim3A_601 : vector<16xi1>, vector<16xi32>
      %sub3A_603 = arith.subi %get3A_594, %select_n3A_602 : vector<16xi32>
      %gather3A_604 = tpu.vector_load_idx %arg6[%sub3A_603] : memref<50176xi32, #tpu.memory_space<vmem>>[vector<16xi32>], vector<16xi32>,
      %and3A_605 = arith.constant -65536 : i32
      %and3A_606 = vector.broadcast %and3A_605 : i32 to vector<16xi32>
      %and3A_607 = arith.andi %gather3A_604, %and3A_606 : vector<16xi32>
      %shift_left3A_608 = arith.constant 16 : i32
      %shift_left3A_609 = vector.broadcast %shift_left3A_608 : i32 to vector<16xi32>
      %shift_left3A_610 = arith.shli %gather3A_604, %shift_left3A_609 : vector<16xi32>
      %select_n3A_611 = arith.select %ge3A_597, %and3A_607, %shift_left3A_610 : vector<16xi1>, vector<16xi32>
      %bitcast3A_612 = vector.bitcast %select_n3A_611 : vector<16xi32> to vector<16xf32>
      %add3A_613 = arith.addf %scan3A_571, %bitcast3A_612 : vector<16xf32>
      %get3A_614 = arith.index_cast %scan3A_569 : i32 to index
      %get3A_615 = arith.constant 32 : index
      %get3A_616 = tpu.vector_load %arg7[%get3A_614, %get3A_615] {strides = array<i32>} : memref<104x128xi32, #tpu.memory_space<vmem>>, vector<16xi32>,
      %ge3A_617 = arith.constant 50176 : i32
      %ge3A_618 = vector.broadcast %ge3A_617 : i32 to vector<16xi32>
      %ge3A_619 = arith.cmpi sge, %get3A_616, %ge3A_618 : vector<16xi32>
      %jit3A_620 = arith.constant 50176 : i32
      %jit3A_621 = arith.constant 0 : i32
      %broadcast_in_dim3A_622 = vector.broadcast %jit3A_620 : i32 to vector<16xi32>
      %broadcast_in_dim3A_623 = vector.broadcast %jit3A_621 : i32 to vector<16xi32>
      %select_n3A_624 = arith.select %ge3A_619, %broadcast_in_dim3A_622, %broadcast_in_dim3A_623 : vector<16xi1>, vector<16xi32>
      %sub3A_625 = arith.subi %get3A_616, %select_n3A_624 : vector<16xi32>
      %gather3A_626 = tpu.vector_load_idx %arg6[%sub3A_625] : memref<50176xi32, #tpu.memory_space<vmem>>[vector<16xi32>], vector<16xi32>,
      %and3A_627 = arith.constant -65536 : i32
      %and3A_628 = vector.broadcast %and3A_627 : i32 to vector<16xi32>
      %and3A_629 = arith.andi %gather3A_626, %and3A_628 : vector<16xi32>
      %shift_left3A_630 = arith.constant 16 : i32
      %shift_left3A_631 = vector.broadcast %shift_left3A_630 : i32 to vector<16xi32>
      %shift_left3A_632 = arith.shli %gather3A_626, %shift_left3A_631 : vector<16xi32>
      %select_n3A_633 = arith.select %ge3A_619, %and3A_629, %shift_left3A_632 : vector<16xi1>, vector<16xi32>
      %bitcast3A_634 = vector.bitcast %select_n3A_633 : vector<16xi32> to vector<16xf32>
      %add3A_635 = arith.addf %scan3A_572, %bitcast3A_634 : vector<16xf32>
      %get3A_636 = arith.index_cast %scan3A_569 : i32 to index
      %get3A_637 = arith.constant 48 : index
      %get3A_638 = tpu.vector_load %arg7[%get3A_636, %get3A_637] {strides = array<i32>} : memref<104x128xi32, #tpu.memory_space<vmem>>, vector<16xi32>,
      %ge3A_639 = arith.constant 50176 : i32
      %ge3A_640 = vector.broadcast %ge3A_639 : i32 to vector<16xi32>
      %ge3A_641 = arith.cmpi sge, %get3A_638, %ge3A_640 : vector<16xi32>
      %jit3A_642 = arith.constant 50176 : i32
      %jit3A_643 = arith.constant 0 : i32
      %broadcast_in_dim3A_644 = vector.broadcast %jit3A_642 : i32 to vector<16xi32>
      %broadcast_in_dim3A_645 = vector.broadcast %jit3A_643 : i32 to vector<16xi32>
      %select_n3A_646 = arith.select %ge3A_641, %broadcast_in_dim3A_644, %broadcast_in_dim3A_645 : vector<16xi1>, vector<16xi32>
      %sub3A_647 = arith.subi %get3A_638, %select_n3A_646 : vector<16xi32>
      %gather3A_648 = tpu.vector_load_idx %arg6[%sub3A_647] : memref<50176xi32, #tpu.memory_space<vmem>>[vector<16xi32>], vector<16xi32>,
      %and3A_649 = arith.constant -65536 : i32
      %and3A_650 = vector.broadcast %and3A_649 : i32 to vector<16xi32>
      %and3A_651 = arith.andi %gather3A_648, %and3A_650 : vector<16xi32>
      %shift_left3A_652 = arith.constant 16 : i32
      %shift_left3A_653 = vector.broadcast %shift_left3A_652 : i32 to vector<16xi32>
      %shift_left3A_654 = arith.shli %gather3A_648, %shift_left3A_653 : vector<16xi32>
      %select_n3A_655 = arith.select %ge3A_641, %and3A_651, %shift_left3A_654 : vector<16xi1>, vector<16xi32>
      %bitcast3A_656 = vector.bitcast %select_n3A_655 : vector<16xi32> to vector<16xf32>
      %add3A_657 = arith.addf %scan3A_573, %bitcast3A_656 : vector<16xf32>
      %get3A_658 = arith.index_cast %scan3A_569 : i32 to index
      %get3A_659 = arith.constant 64 : index
      %get3A_660 = tpu.vector_load %arg7[%get3A_658, %get3A_659] {strides = array<i32>} : memref<104x128xi32, #tpu.memory_space<vmem>>, vector<16xi32>,
      %ge3A_661 = arith.constant 50176 : i32
      %ge3A_662 = vector.broadcast %ge3A_661 : i32 to vector<16xi32>
      %ge3A_663 = arith.cmpi sge, %get3A_660, %ge3A_662 : vector<16xi32>
      %jit3A_664 = arith.constant 50176 : i32
      %jit3A_665 = arith.constant 0 : i32
      %broadcast_in_dim3A_666 = vector.broadcast %jit3A_664 : i32 to vector<16xi32>
      %broadcast_in_dim3A_667 = vector.broadcast %jit3A_665 : i32 to vector<16xi32>
      %select_n3A_668 = arith.select %ge3A_663, %broadcast_in_dim3A_666, %broadcast_in_dim3A_667 : vector<16xi1>, vector<16xi32>
      %sub3A_669 = arith.subi %get3A_660, %select_n3A_668 : vector<16xi32>
      %gather3A_670 = tpu.vector_load_idx %arg6[%sub3A_669] : memref<50176xi32, #tpu.memory_space<vmem>>[vector<16xi32>], vector<16xi32>,
      %and3A_671 = arith.constant -65536 : i32
      %and3A_672 = vector.broadcast %and3A_671 : i32 to vector<16xi32>
      %and3A_673 = arith.andi %gather3A_670, %and3A_672 : vector<16xi32>
      %shift_left3A_674 = arith.constant 16 : i32
      %shift_left3A_675 = vector.broadcast %shift_left3A_674 : i32 to vector<16xi32>
      %shift_left3A_676 = arith.shli %gather3A_670, %shift_left3A_675 : vector<16xi32>
      %select_n3A_677 = arith.select %ge3A_663, %and3A_673, %shift_left3A_676 : vector<16xi1>, vector<16xi32>
      %bitcast3A_678 = vector.bitcast %select_n3A_677 : vector<16xi32> to vector<16xf32>
      %add3A_679 = arith.addf %scan3A_574, %bitcast3A_678 : vector<16xf32>
      %get3A_680 = arith.index_cast %scan3A_569 : i32 to index
      %get3A_681 = arith.constant 80 : index
      %get3A_682 = tpu.vector_load %arg7[%get3A_680, %get3A_681] {strides = array<i32>} : memref<104x128xi32, #tpu.memory_space<vmem>>, vector<16xi32>,
      %ge3A_683 = arith.constant 50176 : i32
      %ge3A_684 = vector.broadcast %ge3A_683 : i32 to vector<16xi32>
      %ge3A_685 = arith.cmpi sge, %get3A_682, %ge3A_684 : vector<16xi32>
      %jit3A_686 = arith.constant 50176 : i32
      %jit3A_687 = arith.constant 0 : i32
      %broadcast_in_dim3A_688 = vector.broadcast %jit3A_686 : i32 to vector<16xi32>
      %broadcast_in_dim3A_689 = vector.broadcast %jit3A_687 : i32 to vector<16xi32>
      %select_n3A_690 = arith.select %ge3A_685, %broadcast_in_dim3A_688, %broadcast_in_dim3A_689 : vector<16xi1>, vector<16xi32>
      %sub3A_691 = arith.subi %get3A_682, %select_n3A_690 : vector<16xi32>
      %gather3A_692 = tpu.vector_load_idx %arg6[%sub3A_691] : memref<50176xi32, #tpu.memory_space<vmem>>[vector<16xi32>], vector<16xi32>,
      %and3A_693 = arith.constant -65536 : i32
      %and3A_694 = vector.broadcast %and3A_693 : i32 to vector<16xi32>
      %and3A_695 = arith.andi %gather3A_692, %and3A_694 : vector<16xi32>
      %shift_left3A_696 = arith.constant 16 : i32
      %shift_left3A_697 = vector.broadcast %shift_left3A_696 : i32 to vector<16xi32>
      %shift_left3A_698 = arith.shli %gather3A_692, %shift_left3A_697 : vector<16xi32>
      %select_n3A_699 = arith.select %ge3A_685, %and3A_695, %shift_left3A_698 : vector<16xi1>, vector<16xi32>
      %bitcast3A_700 = vector.bitcast %select_n3A_699 : vector<16xi32> to vector<16xf32>
      %add3A_701 = arith.addf %scan3A_575, %bitcast3A_700 : vector<16xf32>
      %get3A_702 = arith.index_cast %scan3A_569 : i32 to index
      %get3A_703 = arith.constant 96 : index
      %get3A_704 = tpu.vector_load %arg7[%get3A_702, %get3A_703] {strides = array<i32>} : memref<104x128xi32, #tpu.memory_space<vmem>>, vector<16xi32>,
      %ge3A_705 = arith.constant 50176 : i32
      %ge3A_706 = vector.broadcast %ge3A_705 : i32 to vector<16xi32>
      %ge3A_707 = arith.cmpi sge, %get3A_704, %ge3A_706 : vector<16xi32>
      %jit3A_708 = arith.constant 50176 : i32
      %jit3A_709 = arith.constant 0 : i32
      %broadcast_in_dim3A_710 = vector.broadcast %jit3A_708 : i32 to vector<16xi32>
      %broadcast_in_dim3A_711 = vector.broadcast %jit3A_709 : i32 to vector<16xi32>
      %select_n3A_712 = arith.select %ge3A_707, %broadcast_in_dim3A_710, %broadcast_in_dim3A_711 : vector<16xi1>, vector<16xi32>
      %sub3A_713 = arith.subi %get3A_704, %select_n3A_712 : vector<16xi32>
      %gather3A_714 = tpu.vector_load_idx %arg6[%sub3A_713] : memref<50176xi32, #tpu.memory_space<vmem>>[vector<16xi32>], vector<16xi32>,
      %and3A_715 = arith.constant -65536 : i32
      %and3A_716 = vector.broadcast %and3A_715 : i32 to vector<16xi32>
      %and3A_717 = arith.andi %gather3A_714, %and3A_716 : vector<16xi32>
      %shift_left3A_718 = arith.constant 16 : i32
      %shift_left3A_719 = vector.broadcast %shift_left3A_718 : i32 to vector<16xi32>
      %shift_left3A_720 = arith.shli %gather3A_714, %shift_left3A_719 : vector<16xi32>
      %select_n3A_721 = arith.select %ge3A_707, %and3A_717, %shift_left3A_720 : vector<16xi1>, vector<16xi32>
      %bitcast3A_722 = vector.bitcast %select_n3A_721 : vector<16xi32> to vector<16xf32>
      %add3A_723 = arith.addf %scan3A_576, %bitcast3A_722 : vector<16xf32>
      %get3A_724 = arith.index_cast %scan3A_569 : i32 to index
      %get3A_725 = arith.constant 112 : index
      %get3A_726 = tpu.vector_load %arg7[%get3A_724, %get3A_725] {strides = array<i32>} : memref<104x128xi32, #tpu.memory_space<vmem>>, vector<16xi32>,
      %ge3A_727 = arith.constant 50176 : i32
      %ge3A_728 = vector.broadcast %ge3A_727 : i32 to vector<16xi32>
      %ge3A_729 = arith.cmpi sge, %get3A_726, %ge3A_728 : vector<16xi32>
      %jit3A_730 = arith.constant 50176 : i32
      %jit3A_731 = arith.constant 0 : i32
      %broadcast_in_dim3A_732 = vector.broadcast %jit3A_730 : i32 to vector<16xi32>
      %broadcast_in_dim3A_733 = vector.broadcast %jit3A_731 : i32 to vector<16xi32>
      %select_n3A_734 = arith.select %ge3A_729, %broadcast_in_dim3A_732, %broadcast_in_dim3A_733 : vector<16xi1>, vector<16xi32>
      %sub3A_735 = arith.subi %get3A_726, %select_n3A_734 : vector<16xi32>
      %gather3A_736 = tpu.vector_load_idx %arg6[%sub3A_735] : memref<50176xi32, #tpu.memory_space<vmem>>[vector<16xi32>], vector<16xi32>,
      %and3A_737 = arith.constant -65536 : i32
      %and3A_738 = vector.broadcast %and3A_737 : i32 to vector<16xi32>
      %and3A_739 = arith.andi %gather3A_736, %and3A_738 : vector<16xi32>
      %shift_left3A_740 = arith.constant 16 : i32
      %shift_left3A_741 = vector.broadcast %shift_left3A_740 : i32 to vector<16xi32>
      %shift_left3A_742 = arith.shli %gather3A_736, %shift_left3A_741 : vector<16xi32>
      %select_n3A_743 = arith.select %ge3A_729, %and3A_739, %shift_left3A_742 : vector<16xi1>, vector<16xi32>
      %bitcast3A_744 = vector.bitcast %select_n3A_743 : vector<16xi32> to vector<16xf32>
      %add3A_745 = arith.addf %scan3A_577, %bitcast3A_744 : vector<16xf32>
      scf.yield %add3A_591, %add3A_613, %add3A_635, %add3A_657, %add3A_679, %add3A_701, %add3A_723, %add3A_745 : vector<16xf32>, vector<16xf32>, vector<16xf32>, vector<16xf32>, vector<16xf32>, vector<16xf32>, vector<16xf32>, vector<16xf32>
    }
    %scan3A_45 = arith.constant 104 : i32
    %add3A_46 = arith.constant 128 : i32
    %add3A_47 = arith.addi %mul3A_2, %add3A_46 : i32
    %dma_start3A_48 = arith.constant 0 : i32
    %dma_start3A_49 = arith.constant 0 : i32
    %dma_start3A_50 = tpu.memref_slice %arg7[%dma_start3A_48, %dma_start3A_49] : memref<104x128xi32, #tpu.memory_space<vmem>> -> memref<104x128xi32, #tpu.memory_space<vmem>>
    %dma_start3A_51 = arith.constant 0 : i32
    %dma_start3A_52 = tpu.memref_slice %arg3[%dma_start3A_51, %add3A_47] : memref<200x16384xi32, #tpu.memory_space<hbm>> -> memref<104x128xi32, #tpu.memory_space<hbm>>
    %dma_start3A_53 = arith.constant 0 : i32
    %dma_start3A_54 = arith.constant 0 : i32
    %dma_start3A_55 = tpu.memref_slice %arg7[%dma_start3A_53, %dma_start3A_54] : memref<104x128xi32, #tpu.memory_space<vmem>> -> memref<104x128xi32, #tpu.memory_space<vmem>>
    %dma_start3A_56 = arith.constant 0 : i32
    %dma_start3A_57 = tpu.memref_slice %arg3[%dma_start3A_56, %add3A_47] : memref<200x16384xi32, #tpu.memory_space<hbm>> -> memref<104x128xi32, #tpu.memory_space<hbm>>
    tpu.enqueue_dma source(%dma_start3A_57 : memref<104x128xi32, #tpu.memory_space<hbm>>) target(%dma_start3A_55 : memref<104x128xi32, #tpu.memory_space<vmem>>) target_semaphore(%arg12 : memref<!tpu.dma_semaphore, #tpu.memory_space<semaphore_mem>>)
    %add3A_58 = arith.constant 0 : i32
    %add3A_59 = arith.addi %mul3A_2, %add3A_58 : i32
    %dma_wait3A_60 = arith.constant 0 : i32
    %dma_wait3A_61 = arith.constant 0 : i32
    %dma_wait3A_62 = tpu.memref_slice %arg8[%dma_wait3A_60, %dma_wait3A_61] : memref<104x128xi32, #tpu.memory_space<vmem>> -> memref<96x128xi32, #tpu.memory_space<vmem>>
    %dma_wait3A_63 = arith.constant 104 : i32
    %dma_wait3A_64 = tpu.memref_slice %arg3[%dma_wait3A_63, %add3A_59] : memref<200x16384xi32, #tpu.memory_space<hbm>> -> memref<96x128xi32, #tpu.memory_space<hbm>>
    %dma_wait3A_65 = arith.constant 0 : i32
    %dma_wait3A_66 = arith.constant 0 : i32
    %dma_wait3A_67 = tpu.memref_slice %arg8[%dma_wait3A_65, %dma_wait3A_66] : memref<104x128xi32, #tpu.memory_space<vmem>> -> memref<96x128xi32, #tpu.memory_space<vmem>>
    %dma_wait3A_68 = arith.constant 104 : i32
    %dma_wait3A_69 = tpu.memref_slice %arg3[%dma_wait3A_68, %add3A_59] : memref<200x16384xi32, #tpu.memory_space<hbm>> -> memref<96x128xi32, #tpu.memory_space<hbm>>
    tpu.wait_dma2 semaphore(%arg13 : memref<!tpu.dma_semaphore, #tpu.memory_space<semaphore_mem>>) src(%dma_wait3A_69 : memref<96x128xi32, #tpu.memory_space<hbm>>) dst(%dma_wait3A_67 : memref<96x128xi32, #tpu.memory_space<vmem>>)
    %scan3A_70 = arith.constant 0 : i32
    %scan3A_71 = arith.constant 96 : i32
    %scan3A_72 = arith.addi %scan3A_70, %scan3A_71 : i32
    %scan3A_73 = arith.constant 1 : i32
    %scan3A_74:8 = scf.for %scan3A_569 = %scan3A_70 to %scan3A_72 step %scan3A_73 iter_args(%scan3A_570 = %scan3A_44#0, %scan3A_571 = %scan3A_44#1, %scan3A_572 = %scan3A_44#2, %scan3A_573 = %scan3A_44#3, %scan3A_574 = %scan3A_44#4, %scan3A_575 = %scan3A_44#5, %scan3A_576 = %scan3A_44#6, %scan3A_577 = %scan3A_44#7) -> (vector<16xf32>, vector<16xf32>, vector<16xf32>, vector<16xf32>, vector<16xf32>, vector<16xf32>, vector<16xf32>, vector<16xf32>)  : i32 {
      %get3A_578 = arith.index_cast %scan3A_569 : i32 to index
      %get3A_579 = arith.constant 0 : index
      %get3A_580 = tpu.vector_load %arg8[%get3A_578, %get3A_579] {strides = array<i32>} : memref<104x128xi32, #tpu.memory_space<vmem>>, vector<16xi32>,
      %ge3A = arith.constant 50176 : i32
      %ge3A_581 = vector.broadcast %ge3A : i32 to vector<16xi32>
      %ge3A_582 = arith.cmpi sge, %get3A_580, %ge3A_581 : vector<16xi32>
      %jit3A = arith.constant 50176 : i32
      %jit3A_583 = arith.constant 0 : i32
      %broadcast_in_dim3A_584 = vector.broadcast %jit3A : i32 to vector<16xi32>
      %broadcast_in_dim3A_585 = vector.broadcast %jit3A_583 : i32 to vector<16xi32>
      %select_n3A = arith.select %ge3A_582, %broadcast_in_dim3A_584, %broadcast_in_dim3A_585 : vector<16xi1>, vector<16xi32>
      %sub3A = arith.subi %get3A_580, %select_n3A : vector<16xi32>
      %gather3A = tpu.vector_load_idx %arg6[%sub3A] : memref<50176xi32, #tpu.memory_space<vmem>>[vector<16xi32>], vector<16xi32>,
      %and3A = arith.constant -65536 : i32
      %and3A_586 = vector.broadcast %and3A : i32 to vector<16xi32>
      %and3A_587 = arith.andi %gather3A, %and3A_586 : vector<16xi32>
      %shift_left3A = arith.constant 16 : i32
      %shift_left3A_588 = vector.broadcast %shift_left3A : i32 to vector<16xi32>
      %shift_left3A_589 = arith.shli %gather3A, %shift_left3A_588 : vector<16xi32>
      %select_n3A_590 = arith.select %ge3A_582, %and3A_587, %shift_left3A_589 : vector<16xi1>, vector<16xi32>
      %bitcast3A = vector.bitcast %select_n3A_590 : vector<16xi32> to vector<16xf32>
      %add3A_591 = arith.addf %scan3A_570, %bitcast3A : vector<16xf32>
      %get3A_592 = arith.index_cast %scan3A_569 : i32 to index
      %get3A_593 = arith.constant 16 : index
      %get3A_594 = tpu.vector_load %arg8[%get3A_592, %get3A_593] {strides = array<i32>} : memref<104x128xi32, #tpu.memory_space<vmem>>, vector<16xi32>,
      %ge3A_595 = arith.constant 50176 : i32
      %ge3A_596 = vector.broadcast %ge3A_595 : i32 to vector<16xi32>
      %ge3A_597 = arith.cmpi sge, %get3A_594, %ge3A_596 : vector<16xi32>
      %jit3A_598 = arith.constant 50176 : i32
      %jit3A_599 = arith.constant 0 : i32
      %broadcast_in_dim3A_600 = vector.broadcast %jit3A_598 : i32 to vector<16xi32>
      %broadcast_in_dim3A_601 = vector.broadcast %jit3A_599 : i32 to vector<16xi32>
      %select_n3A_602 = arith.select %ge3A_597, %broadcast_in_dim3A_600, %broadcast_in_dim3A_601 : vector<16xi1>, vector<16xi32>
      %sub3A_603 = arith.subi %get3A_594, %select_n3A_602 : vector<16xi32>
      %gather3A_604 = tpu.vector_load_idx %arg6[%sub3A_603] : memref<50176xi32, #tpu.memory_space<vmem>>[vector<16xi32>], vector<16xi32>,
      %and3A_605 = arith.constant -65536 : i32
      %and3A_606 = vector.broadcast %and3A_605 : i32 to vector<16xi32>
      %and3A_607 = arith.andi %gather3A_604, %and3A_606 : vector<16xi32>
      %shift_left3A_608 = arith.constant 16 : i32
      %shift_left3A_609 = vector.broadcast %shift_left3A_608 : i32 to vector<16xi32>
      %shift_left3A_610 = arith.shli %gather3A_604, %shift_left3A_609 : vector<16xi32>
      %select_n3A_611 = arith.select %ge3A_597, %and3A_607, %shift_left3A_610 : vector<16xi1>, vector<16xi32>
      %bitcast3A_612 = vector.bitcast %select_n3A_611 : vector<16xi32> to vector<16xf32>
      %add3A_613 = arith.addf %scan3A_571, %bitcast3A_612 : vector<16xf32>
      %get3A_614 = arith.index_cast %scan3A_569 : i32 to index
      %get3A_615 = arith.constant 32 : index
      %get3A_616 = tpu.vector_load %arg8[%get3A_614, %get3A_615] {strides = array<i32>} : memref<104x128xi32, #tpu.memory_space<vmem>>, vector<16xi32>,
      %ge3A_617 = arith.constant 50176 : i32
      %ge3A_618 = vector.broadcast %ge3A_617 : i32 to vector<16xi32>
      %ge3A_619 = arith.cmpi sge, %get3A_616, %ge3A_618 : vector<16xi32>
      %jit3A_620 = arith.constant 50176 : i32
      %jit3A_621 = arith.constant 0 : i32
      %broadcast_in_dim3A_622 = vector.broadcast %jit3A_620 : i32 to vector<16xi32>
      %broadcast_in_dim3A_623 = vector.broadcast %jit3A_621 : i32 to vector<16xi32>
      %select_n3A_624 = arith.select %ge3A_619, %broadcast_in_dim3A_622, %broadcast_in_dim3A_623 : vector<16xi1>, vector<16xi32>
      %sub3A_625 = arith.subi %get3A_616, %select_n3A_624 : vector<16xi32>
      %gather3A_626 = tpu.vector_load_idx %arg6[%sub3A_625] : memref<50176xi32, #tpu.memory_space<vmem>>[vector<16xi32>], vector<16xi32>,
      %and3A_627 = arith.constant -65536 : i32
      %and3A_628 = vector.broadcast %and3A_627 : i32 to vector<16xi32>
      %and3A_629 = arith.andi %gather3A_626, %and3A_628 : vector<16xi32>
      %shift_left3A_630 = arith.constant 16 : i32
      %shift_left3A_631 = vector.broadcast %shift_left3A_630 : i32 to vector<16xi32>
      %shift_left3A_632 = arith.shli %gather3A_626, %shift_left3A_631 : vector<16xi32>
      %select_n3A_633 = arith.select %ge3A_619, %and3A_629, %shift_left3A_632 : vector<16xi1>, vector<16xi32>
      %bitcast3A_634 = vector.bitcast %select_n3A_633 : vector<16xi32> to vector<16xf32>
      %add3A_635 = arith.addf %scan3A_572, %bitcast3A_634 : vector<16xf32>
      %get3A_636 = arith.index_cast %scan3A_569 : i32 to index
      %get3A_637 = arith.constant 48 : index
      %get3A_638 = tpu.vector_load %arg8[%get3A_636, %get3A_637] {strides = array<i32>} : memref<104x128xi32, #tpu.memory_space<vmem>>, vector<16xi32>,
      %ge3A_639 = arith.constant 50176 : i32
      %ge3A_640 = vector.broadcast %ge3A_639 : i32 to vector<16xi32>
      %ge3A_641 = arith.cmpi sge, %get3A_638, %ge3A_640 : vector<16xi32>
      %jit3A_642 = arith.constant 50176 : i32
      %jit3A_643 = arith.constant 0 : i32
      %broadcast_in_dim3A_644 = vector.broadcast %jit3A_642 : i32 to vector<16xi32>
      %broadcast_in_dim3A_645 = vector.broadcast %jit3A_643 : i32 to vector<16xi32>
      %select_n3A_646 = arith.select %ge3A_641, %broadcast_in_dim3A_644, %broadcast_in_dim3A_645 : vector<16xi1>, vector<16xi32>
      %sub3A_647 = arith.subi %get3A_638, %select_n3A_646 : vector<16xi32>
      %gather3A_648 = tpu.vector_load_idx %arg6[%sub3A_647] : memref<50176xi32, #tpu.memory_space<vmem>>[vector<16xi32>], vector<16xi32>,
      %and3A_649 = arith.constant -65536 : i32
      %and3A_650 = vector.broadcast %and3A_649 : i32 to vector<16xi32>
      %and3A_651 = arith.andi %gather3A_648, %and3A_650 : vector<16xi32>
      %shift_left3A_652 = arith.constant 16 : i32
      %shift_left3A_653 = vector.broadcast %shift_left3A_652 : i32 to vector<16xi32>
      %shift_left3A_654 = arith.shli %gather3A_648, %shift_left3A_653 : vector<16xi32>
      %select_n3A_655 = arith.select %ge3A_641, %and3A_651, %shift_left3A_654 : vector<16xi1>, vector<16xi32>
      %bitcast3A_656 = vector.bitcast %select_n3A_655 : vector<16xi32> to vector<16xf32>
      %add3A_657 = arith.addf %scan3A_573, %bitcast3A_656 : vector<16xf32>
      %get3A_658 = arith.index_cast %scan3A_569 : i32 to index
      %get3A_659 = arith.constant 64 : index
      %get3A_660 = tpu.vector_load %arg8[%get3A_658, %get3A_659] {strides = array<i32>} : memref<104x128xi32, #tpu.memory_space<vmem>>, vector<16xi32>,
      %ge3A_661 = arith.constant 50176 : i32
      %ge3A_662 = vector.broadcast %ge3A_661 : i32 to vector<16xi32>
      %ge3A_663 = arith.cmpi sge, %get3A_660, %ge3A_662 : vector<16xi32>
      %jit3A_664 = arith.constant 50176 : i32
      %jit3A_665 = arith.constant 0 : i32
      %broadcast_in_dim3A_666 = vector.broadcast %jit3A_664 : i32 to vector<16xi32>
      %broadcast_in_dim3A_667 = vector.broadcast %jit3A_665 : i32 to vector<16xi32>
      %select_n3A_668 = arith.select %ge3A_663, %broadcast_in_dim3A_666, %broadcast_in_dim3A_667 : vector<16xi1>, vector<16xi32>
      %sub3A_669 = arith.subi %get3A_660, %select_n3A_668 : vector<16xi32>
      %gather3A_670 = tpu.vector_load_idx %arg6[%sub3A_669] : memref<50176xi32, #tpu.memory_space<vmem>>[vector<16xi32>], vector<16xi32>,
      %and3A_671 = arith.constant -65536 : i32
      %and3A_672 = vector.broadcast %and3A_671 : i32 to vector<16xi32>
      %and3A_673 = arith.andi %gather3A_670, %and3A_672 : vector<16xi32>
      %shift_left3A_674 = arith.constant 16 : i32
      %shift_left3A_675 = vector.broadcast %shift_left3A_674 : i32 to vector<16xi32>
      %shift_left3A_676 = arith.shli %gather3A_670, %shift_left3A_675 : vector<16xi32>
      %select_n3A_677 = arith.select %ge3A_663, %and3A_673, %shift_left3A_676 : vector<16xi1>, vector<16xi32>
      %bitcast3A_678 = vector.bitcast %select_n3A_677 : vector<16xi32> to vector<16xf32>
      %add3A_679 = arith.addf %scan3A_574, %bitcast3A_678 : vector<16xf32>
      %get3A_680 = arith.index_cast %scan3A_569 : i32 to index
      %get3A_681 = arith.constant 80 : index
      %get3A_682 = tpu.vector_load %arg8[%get3A_680, %get3A_681] {strides = array<i32>} : memref<104x128xi32, #tpu.memory_space<vmem>>, vector<16xi32>,
      %ge3A_683 = arith.constant 50176 : i32
      %ge3A_684 = vector.broadcast %ge3A_683 : i32 to vector<16xi32>
      %ge3A_685 = arith.cmpi sge, %get3A_682, %ge3A_684 : vector<16xi32>
      %jit3A_686 = arith.constant 50176 : i32
      %jit3A_687 = arith.constant 0 : i32
      %broadcast_in_dim3A_688 = vector.broadcast %jit3A_686 : i32 to vector<16xi32>
      %broadcast_in_dim3A_689 = vector.broadcast %jit3A_687 : i32 to vector<16xi32>
      %select_n3A_690 = arith.select %ge3A_685, %broadcast_in_dim3A_688, %broadcast_in_dim3A_689 : vector<16xi1>, vector<16xi32>
      %sub3A_691 = arith.subi %get3A_682, %select_n3A_690 : vector<16xi32>
      %gather3A_692 = tpu.vector_load_idx %arg6[%sub3A_691] : memref<50176xi32, #tpu.memory_space<vmem>>[vector<16xi32>], vector<16xi32>,
      %and3A_693 = arith.constant -65536 : i32
      %and3A_694 = vector.broadcast %and3A_693 : i32 to vector<16xi32>
      %and3A_695 = arith.andi %gather3A_692, %and3A_694 : vector<16xi32>
      %shift_left3A_696 = arith.constant 16 : i32
      %shift_left3A_697 = vector.broadcast %shift_left3A_696 : i32 to vector<16xi32>
      %shift_left3A_698 = arith.shli %gather3A_692, %shift_left3A_697 : vector<16xi32>
      %select_n3A_699 = arith.select %ge3A_685, %and3A_695, %shift_left3A_698 : vector<16xi1>, vector<16xi32>
      %bitcast3A_700 = vector.bitcast %select_n3A_699 : vector<16xi32> to vector<16xf32>
      %add3A_701 = arith.addf %scan3A_575, %bitcast3A_700 : vector<16xf32>
      %get3A_702 = arith.index_cast %scan3A_569 : i32 to index
      %get3A_703 = arith.constant 96 : index
      %get3A_704 = tpu.vector_load %arg8[%get3A_702, %get3A_703] {strides = array<i32>} : memref<104x128xi32, #tpu.memory_space<vmem>>, vector<16xi32>,
      %ge3A_705 = arith.constant 50176 : i32
      %ge3A_706 = vector.broadcast %ge3A_705 : i32 to vector<16xi32>
      %ge3A_707 = arith.cmpi sge, %get3A_704, %ge3A_706 : vector<16xi32>
      %jit3A_708 = arith.constant 50176 : i32
      %jit3A_709 = arith.constant 0 : i32
      %broadcast_in_dim3A_710 = vector.broadcast %jit3A_708 : i32 to vector<16xi32>
      %broadcast_in_dim3A_711 = vector.broadcast %jit3A_709 : i32 to vector<16xi32>
      %select_n3A_712 = arith.select %ge3A_707, %broadcast_in_dim3A_710, %broadcast_in_dim3A_711 : vector<16xi1>, vector<16xi32>
      %sub3A_713 = arith.subi %get3A_704, %select_n3A_712 : vector<16xi32>
      %gather3A_714 = tpu.vector_load_idx %arg6[%sub3A_713] : memref<50176xi32, #tpu.memory_space<vmem>>[vector<16xi32>], vector<16xi32>,
      %and3A_715 = arith.constant -65536 : i32
      %and3A_716 = vector.broadcast %and3A_715 : i32 to vector<16xi32>
      %and3A_717 = arith.andi %gather3A_714, %and3A_716 : vector<16xi32>
      %shift_left3A_718 = arith.constant 16 : i32
      %shift_left3A_719 = vector.broadcast %shift_left3A_718 : i32 to vector<16xi32>
      %shift_left3A_720 = arith.shli %gather3A_714, %shift_left3A_719 : vector<16xi32>
      %select_n3A_721 = arith.select %ge3A_707, %and3A_717, %shift_left3A_720 : vector<16xi1>, vector<16xi32>
      %bitcast3A_722 = vector.bitcast %select_n3A_721 : vector<16xi32> to vector<16xf32>
      %add3A_723 = arith.addf %scan3A_576, %bitcast3A_722 : vector<16xf32>
      %get3A_724 = arith.index_cast %scan3A_569 : i32 to index
      %get3A_725 = arith.constant 112 : index
      %get3A_726 = tpu.vector_load %arg8[%get3A_724, %get3A_725] {strides = array<i32>} : memref<104x128xi32, #tpu.memory_space<vmem>>, vector<16xi32>,
      %ge3A_727 = arith.constant 50176 : i32
      %ge3A_728 = vector.broadcast %ge3A_727 : i32 to vector<16xi32>
      %ge3A_729 = arith.cmpi sge, %get3A_726, %ge3A_728 : vector<16xi32>
      %jit3A_730 = arith.constant 50176 : i32
      %jit3A_731 = arith.constant 0 : i32
      %broadcast_in_dim3A_732 = vector.broadcast %jit3A_730 : i32 to vector<16xi32>
      %broadcast_in_dim3A_733 = vector.broadcast %jit3A_731 : i32 to vector<16xi32>
      %select_n3A_734 = arith.select %ge3A_729, %broadcast_in_dim3A_732, %broadcast_in_dim3A_733 : vector<16xi1>, vector<16xi32>
      %sub3A_735 = arith.subi %get3A_726, %select_n3A_734 : vector<16xi32>
      %gather3A_736 = tpu.vector_load_idx %arg6[%sub3A_735] : memref<50176xi32, #tpu.memory_space<vmem>>[vector<16xi32>], vector<16xi32>,
      %and3A_737 = arith.constant -65536 : i32
      %and3A_738 = vector.broadcast %and3A_737 : i32 to vector<16xi32>
      %and3A_739 = arith.andi %gather3A_736, %and3A_738 : vector<16xi32>
      %shift_left3A_740 = arith.constant 16 : i32
      %shift_left3A_741 = vector.broadcast %shift_left3A_740 : i32 to vector<16xi32>
      %shift_left3A_742 = arith.shli %gather3A_736, %shift_left3A_741 : vector<16xi32>
      %select_n3A_743 = arith.select %ge3A_729, %and3A_739, %shift_left3A_742 : vector<16xi1>, vector<16xi32>
      %bitcast3A_744 = vector.bitcast %select_n3A_743 : vector<16xi32> to vector<16xf32>
      %add3A_745 = arith.addf %scan3A_577, %bitcast3A_744 : vector<16xf32>
      scf.yield %add3A_591, %add3A_613, %add3A_635, %add3A_657, %add3A_679, %add3A_701, %add3A_723, %add3A_745 : vector<16xf32>, vector<16xf32>, vector<16xf32>, vector<16xf32>, vector<16xf32>, vector<16xf32>, vector<16xf32>, vector<16xf32>
    }
    %scan3A_75 = arith.constant 96 : i32
    %add3A_76 = arith.constant 128 : i32
    %add3A_77 = arith.addi %mul3A_2, %add3A_76 : i32
    %dma_start3A_78 = arith.constant 0 : i32
    %dma_start3A_79 = arith.constant 0 : i32
    %dma_start3A_80 = tpu.memref_slice %arg8[%dma_start3A_78, %dma_start3A_79] : memref<104x128xi32, #tpu.memory_space<vmem>> -> memref<96x128xi32, #tpu.memory_space<vmem>>
    %dma_start3A_81 = arith.constant 104 : i32
    %dma_start3A_82 = tpu.memref_slice %arg3[%dma_start3A_81, %add3A_77] : memref<200x16384xi32, #tpu.memory_space<hbm>> -> memref<96x128xi32, #tpu.memory_space<hbm>>
    %dma_start3A_83 = arith.constant 0 : i32
    %dma_start3A_84 = arith.constant 0 : i32
    %dma_start3A_85 = tpu.memref_slice %arg8[%dma_start3A_83, %dma_start3A_84] : memref<104x128xi32, #tpu.memory_space<vmem>> -> memref<96x128xi32, #tpu.memory_space<vmem>>
    %dma_start3A_86 = arith.constant 104 : i32
    %dma_start3A_87 = tpu.memref_slice %arg3[%dma_start3A_86, %add3A_77] : memref<200x16384xi32, #tpu.memory_space<hbm>> -> memref<96x128xi32, #tpu.memory_space<hbm>>
    tpu.enqueue_dma source(%dma_start3A_87 : memref<96x128xi32, #tpu.memory_space<hbm>>) target(%dma_start3A_85 : memref<96x128xi32, #tpu.memory_space<vmem>>) target_semaphore(%arg13 : memref<!tpu.dma_semaphore, #tpu.memory_space<semaphore_mem>>)
    %iota3A = tpu.iota {dimensions = array<i32: 0>} : vector<16xi32>
    %add3A_88 = arith.constant 0 : i32
    %add3A_89 = vector.broadcast %add3A_88 : i32 to vector<16xi32>
    %add3A_90 = arith.addi %add3A_89, %iota3A : vector<16xi32>
    %mul3A_91 = vector.broadcast %squeeze3A : f32 to vector<16xf32>
    %mul3A_92 = arith.mulf %scan3A_74#0, %mul3A_91 : vector<16xf32>
    tpu.vector_store_idx %arg9[%add3A_90], %mul3A_92 : memref<1024xf32, #tpu.memory_space<vmem>>[vector<16xi32>], vector<16xf32>,
    %add3A_93 = arith.constant 128 : i32
    %add3A_94 = vector.broadcast %add3A_93 : i32 to vector<16xi32>
    %add3A_95 = arith.addi %add3A_90, %add3A_94 : vector<16xi32>
    %mul3A_96 = vector.broadcast %squeeze3A_28 : f32 to vector<16xf32>
    %mul3A_97 = arith.mulf %scan3A_74#0, %mul3A_96 : vector<16xf32>
    tpu.vector_store_idx %arg9[%add3A_95], %mul3A_97 : memref<1024xf32, #tpu.memory_space<vmem>>[vector<16xi32>], vector<16xf32>,
    %add3A_98 = arith.constant 16 : i32
    %add3A_99 = vector.broadcast %add3A_98 : i32 to vector<16xi32>
    %add3A_100 = arith.addi %add3A_99, %iota3A : vector<16xi32>
    %mul3A_101 = vector.broadcast %squeeze3A : f32 to vector<16xf32>
    %mul3A_102 = arith.mulf %scan3A_74#1, %mul3A_101 : vector<16xf32>
    tpu.vector_store_idx %arg9[%add3A_100], %mul3A_102 : memref<1024xf32, #tpu.memory_space<vmem>>[vector<16xi32>], vector<16xf32>,
    %add3A_103 = arith.constant 128 : i32
    %add3A_104 = vector.broadcast %add3A_103 : i32 to vector<16xi32>
    %add3A_105 = arith.addi %add3A_100, %add3A_104 : vector<16xi32>
    %mul3A_106 = vector.broadcast %squeeze3A_28 : f32 to vector<16xf32>
    %mul3A_107 = arith.mulf %scan3A_74#1, %mul3A_106 : vector<16xf32>
    tpu.vector_store_idx %arg9[%add3A_105], %mul3A_107 : memref<1024xf32, #tpu.memory_space<vmem>>[vector<16xi32>], vector<16xf32>,
    %add3A_108 = arith.constant 32 : i32
    %add3A_109 = vector.broadcast %add3A_108 : i32 to vector<16xi32>
    %add3A_110 = arith.addi %add3A_109, %iota3A : vector<16xi32>
    %mul3A_111 = vector.broadcast %squeeze3A : f32 to vector<16xf32>
    %mul3A_112 = arith.mulf %scan3A_74#2, %mul3A_111 : vector<16xf32>
    tpu.vector_store_idx %arg9[%add3A_110], %mul3A_112 : memref<1024xf32, #tpu.memory_space<vmem>>[vector<16xi32>], vector<16xf32>,
    %add3A_113 = arith.constant 128 : i32
    %add3A_114 = vector.broadcast %add3A_113 : i32 to vector<16xi32>
    %add3A_115 = arith.addi %add3A_110, %add3A_114 : vector<16xi32>
    %mul3A_116 = vector.broadcast %squeeze3A_28 : f32 to vector<16xf32>
    %mul3A_117 = arith.mulf %scan3A_74#2, %mul3A_116 : vector<16xf32>
    tpu.vector_store_idx %arg9[%add3A_115], %mul3A_117 : memref<1024xf32, #tpu.memory_space<vmem>>[vector<16xi32>], vector<16xf32>,
    %add3A_118 = arith.constant 48 : i32
    %add3A_119 = vector.broadcast %add3A_118 : i32 to vector<16xi32>
    %add3A_120 = arith.addi %add3A_119, %iota3A : vector<16xi32>
    %mul3A_121 = vector.broadcast %squeeze3A : f32 to vector<16xf32>
    %mul3A_122 = arith.mulf %scan3A_74#3, %mul3A_121 : vector<16xf32>
    tpu.vector_store_idx %arg9[%add3A_120], %mul3A_122 : memref<1024xf32, #tpu.memory_space<vmem>>[vector<16xi32>], vector<16xf32>,
    %add3A_123 = arith.constant 128 : i32
    %add3A_124 = vector.broadcast %add3A_123 : i32 to vector<16xi32>
    %add3A_125 = arith.addi %add3A_120, %add3A_124 : vector<16xi32>
    %mul3A_126 = vector.broadcast %squeeze3A_28 : f32 to vector<16xf32>
    %mul3A_127 = arith.mulf %scan3A_74#3, %mul3A_126 : vector<16xf32>
    tpu.vector_store_idx %arg9[%add3A_125], %mul3A_127 : memref<1024xf32, #tpu.memory_space<vmem>>[vector<16xi32>], vector<16xf32>,
    %add3A_128 = arith.constant 64 : i32
    %add3A_129 = vector.broadcast %add3A_128 : i32 to vector<16xi32>
    %add3A_130 = arith.addi %add3A_129, %iota3A : vector<16xi32>
    %mul3A_131 = vector.broadcast %squeeze3A : f32 to vector<16xf32>
    %mul3A_132 = arith.mulf %scan3A_74#4, %mul3A_131 : vector<16xf32>
    tpu.vector_store_idx %arg9[%add3A_130], %mul3A_132 : memref<1024xf32, #tpu.memory_space<vmem>>[vector<16xi32>], vector<16xf32>,
    %add3A_133 = arith.constant 128 : i32
    %add3A_134 = vector.broadcast %add3A_133 : i32 to vector<16xi32>
    %add3A_135 = arith.addi %add3A_130, %add3A_134 : vector<16xi32>
    %mul3A_136 = vector.broadcast %squeeze3A_28 : f32 to vector<16xf32>
    %mul3A_137 = arith.mulf %scan3A_74#4, %mul3A_136 : vector<16xf32>
    tpu.vector_store_idx %arg9[%add3A_135], %mul3A_137 : memref<1024xf32, #tpu.memory_space<vmem>>[vector<16xi32>], vector<16xf32>,
    %add3A_138 = arith.constant 80 : i32
    %add3A_139 = vector.broadcast %add3A_138 : i32 to vector<16xi32>
    %add3A_140 = arith.addi %add3A_139, %iota3A : vector<16xi32>
    %mul3A_141 = vector.broadcast %squeeze3A : f32 to vector<16xf32>
    %mul3A_142 = arith.mulf %scan3A_74#5, %mul3A_141 : vector<16xf32>
    tpu.vector_store_idx %arg9[%add3A_140], %mul3A_142 : memref<1024xf32, #tpu.memory_space<vmem>>[vector<16xi32>], vector<16xf32>,
    %add3A_143 = arith.constant 128 : i32
    %add3A_144 = vector.broadcast %add3A_143 : i32 to vector<16xi32>
    %add3A_145 = arith.addi %add3A_140, %add3A_144 : vector<16xi32>
    %mul3A_146 = vector.broadcast %squeeze3A_28 : f32 to vector<16xf32>
    %mul3A_147 = arith.mulf %scan3A_74#5, %mul3A_146 : vector<16xf32>
    tpu.vector_store_idx %arg9[%add3A_145], %mul3A_147 : memref<1024xf32, #tpu.memory_space<vmem>>[vector<16xi32>], vector<16xf32>,
    %add3A_148 = arith.constant 96 : i32
    %add3A_149 = vector.broadcast %add3A_148 : i32 to vector<16xi32>
    %add3A_150 = arith.addi %add3A_149, %iota3A : vector<16xi32>
    %mul3A_151 = vector.broadcast %squeeze3A : f32 to vector<16xf32>
    %mul3A_152 = arith.mulf %scan3A_74#6, %mul3A_151 : vector<16xf32>
    tpu.vector_store_idx %arg9[%add3A_150], %mul3A_152 : memref<1024xf32, #tpu.memory_space<vmem>>[vector<16xi32>], vector<16xf32>,
    %add3A_153 = arith.constant 128 : i32
    %add3A_154 = vector.broadcast %add3A_153 : i32 to vector<16xi32>
    %add3A_155 = arith.addi %add3A_150, %add3A_154 : vector<16xi32>
    %mul3A_156 = vector.broadcast %squeeze3A_28 : f32 to vector<16xf32>
    %mul3A_157 = arith.mulf %scan3A_74#6, %mul3A_156 : vector<16xf32>
    tpu.vector_store_idx %arg9[%add3A_155], %mul3A_157 : memref<1024xf32, #tpu.memory_space<vmem>>[vector<16xi32>], vector<16xf32>,
    %add3A_158 = arith.constant 112 : i32
    %add3A_159 = vector.broadcast %add3A_158 : i32 to vector<16xi32>
    %add3A_160 = arith.addi %add3A_159, %iota3A : vector<16xi32>
    %mul3A_161 = vector.broadcast %squeeze3A : f32 to vector<16xf32>
    %mul3A_162 = arith.mulf %scan3A_74#7, %mul3A_161 : vector<16xf32>
    tpu.vector_store_idx %arg9[%add3A_160], %mul3A_162 : memref<1024xf32, #tpu.memory_space<vmem>>[vector<16xi32>], vector<16xf32>,
    %add3A_163 = arith.constant 128 : i32
    %add3A_164 = vector.broadcast %add3A_163 : i32 to vector<16xi32>
    %add3A_165 = arith.addi %add3A_160, %add3A_164 : vector<16xi32>
    %mul3A_166 = vector.broadcast %squeeze3A_28 : f32 to vector<16xf32>
    %mul3A_167 = arith.mulf %scan3A_74#7, %mul3A_166 : vector<16xf32>
    tpu.vector_store_idx %arg9[%add3A_165], %mul3A_167 : memref<1024xf32, #tpu.memory_space<vmem>>[vector<16xi32>], vector<16xf32>,
    %add3A_168 = arith.constant 128 : i32
    %add3A_169 = arith.addi %mul3A_2, %add3A_168 : i32
    %dma_wait3A_170 = arith.constant 0 : i32
    %dma_wait3A_171 = arith.constant 0 : i32
    %dma_wait3A_172 = tpu.memref_slice %arg7[%dma_wait3A_170, %dma_wait3A_171] : memref<104x128xi32, #tpu.memory_space<vmem>> -> memref<104x128xi32, #tpu.memory_space<vmem>>
    %dma_wait3A_173 = arith.constant 0 : i32
    %dma_wait3A_174 = tpu.memref_slice %arg3[%dma_wait3A_173, %add3A_169] : memref<200x16384xi32, #tpu.memory_space<hbm>> -> memref<104x128xi32, #tpu.memory_space<hbm>>
    %dma_wait3A_175 = arith.constant 0 : i32
    %dma_wait3A_176 = arith.constant 0 : i32
    %dma_wait3A_177 = tpu.memref_slice %arg7[%dma_wait3A_175, %dma_wait3A_176] : memref<104x128xi32, #tpu.memory_space<vmem>> -> memref<104x128xi32, #tpu.memory_space<vmem>>
    %dma_wait3A_178 = arith.constant 0 : i32
    %dma_wait3A_179 = tpu.memref_slice %arg3[%dma_wait3A_178, %add3A_169] : memref<200x16384xi32, #tpu.memory_space<hbm>> -> memref<104x128xi32, #tpu.memory_space<hbm>>
    tpu.wait_dma2 semaphore(%arg12 : memref<!tpu.dma_semaphore, #tpu.memory_space<semaphore_mem>>) src(%dma_wait3A_179 : memref<104x128xi32, #tpu.memory_space<hbm>>) dst(%dma_wait3A_177 : memref<104x128xi32, #tpu.memory_space<vmem>>)
    %scan3A_180 = arith.constant 0 : i32
    %scan3A_181 = arith.constant 104 : i32
    %scan3A_182 = arith.addi %scan3A_180, %scan3A_181 : i32
    %scan3A_183 = arith.constant 1 : i32
    %scan3A_184:8 = scf.for %scan3A_569 = %scan3A_180 to %scan3A_182 step %scan3A_183 iter_args(%scan3A_570 = %broadcast_in_dim3A_29, %scan3A_571 = %broadcast_in_dim3A_29, %scan3A_572 = %broadcast_in_dim3A_29, %scan3A_573 = %broadcast_in_dim3A_29, %scan3A_574 = %broadcast_in_dim3A_29, %scan3A_575 = %broadcast_in_dim3A_29, %scan3A_576 = %broadcast_in_dim3A_29, %scan3A_577 = %broadcast_in_dim3A_29) -> (vector<16xf32>, vector<16xf32>, vector<16xf32>, vector<16xf32>, vector<16xf32>, vector<16xf32>, vector<16xf32>, vector<16xf32>)  : i32 {
      %get3A_578 = arith.index_cast %scan3A_569 : i32 to index
      %get3A_579 = arith.constant 0 : index
      %get3A_580 = tpu.vector_load %arg7[%get3A_578, %get3A_579] {strides = array<i32>} : memref<104x128xi32, #tpu.memory_space<vmem>>, vector<16xi32>,
      %ge3A = arith.constant 50176 : i32
      %ge3A_581 = vector.broadcast %ge3A : i32 to vector<16xi32>
      %ge3A_582 = arith.cmpi sge, %get3A_580, %ge3A_581 : vector<16xi32>
      %jit3A = arith.constant 50176 : i32
      %jit3A_583 = arith.constant 0 : i32
      %broadcast_in_dim3A_584 = vector.broadcast %jit3A : i32 to vector<16xi32>
      %broadcast_in_dim3A_585 = vector.broadcast %jit3A_583 : i32 to vector<16xi32>
      %select_n3A = arith.select %ge3A_582, %broadcast_in_dim3A_584, %broadcast_in_dim3A_585 : vector<16xi1>, vector<16xi32>
      %sub3A = arith.subi %get3A_580, %select_n3A : vector<16xi32>
      %gather3A = tpu.vector_load_idx %arg6[%sub3A] : memref<50176xi32, #tpu.memory_space<vmem>>[vector<16xi32>], vector<16xi32>,
      %and3A = arith.constant -65536 : i32
      %and3A_586 = vector.broadcast %and3A : i32 to vector<16xi32>
      %and3A_587 = arith.andi %gather3A, %and3A_586 : vector<16xi32>
      %shift_left3A = arith.constant 16 : i32
      %shift_left3A_588 = vector.broadcast %shift_left3A : i32 to vector<16xi32>
      %shift_left3A_589 = arith.shli %gather3A, %shift_left3A_588 : vector<16xi32>
      %select_n3A_590 = arith.select %ge3A_582, %and3A_587, %shift_left3A_589 : vector<16xi1>, vector<16xi32>
      %bitcast3A = vector.bitcast %select_n3A_590 : vector<16xi32> to vector<16xf32>
      %add3A_591 = arith.addf %scan3A_570, %bitcast3A : vector<16xf32>
      %get3A_592 = arith.index_cast %scan3A_569 : i32 to index
      %get3A_593 = arith.constant 16 : index
      %get3A_594 = tpu.vector_load %arg7[%get3A_592, %get3A_593] {strides = array<i32>} : memref<104x128xi32, #tpu.memory_space<vmem>>, vector<16xi32>,
      %ge3A_595 = arith.constant 50176 : i32
      %ge3A_596 = vector.broadcast %ge3A_595 : i32 to vector<16xi32>
      %ge3A_597 = arith.cmpi sge, %get3A_594, %ge3A_596 : vector<16xi32>
      %jit3A_598 = arith.constant 50176 : i32
      %jit3A_599 = arith.constant 0 : i32
      %broadcast_in_dim3A_600 = vector.broadcast %jit3A_598 : i32 to vector<16xi32>
      %broadcast_in_dim3A_601 = vector.broadcast %jit3A_599 : i32 to vector<16xi32>
      %select_n3A_602 = arith.select %ge3A_597, %broadcast_in_dim3A_600, %broadcast_in_dim3A_601 : vector<16xi1>, vector<16xi32>
      %sub3A_603 = arith.subi %get3A_594, %select_n3A_602 : vector<16xi32>
      %gather3A_604 = tpu.vector_load_idx %arg6[%sub3A_603] : memref<50176xi32, #tpu.memory_space<vmem>>[vector<16xi32>], vector<16xi32>,
      %and3A_605 = arith.constant -65536 : i32
      %and3A_606 = vector.broadcast %and3A_605 : i32 to vector<16xi32>
      %and3A_607 = arith.andi %gather3A_604, %and3A_606 : vector<16xi32>
      %shift_left3A_608 = arith.constant 16 : i32
      %shift_left3A_609 = vector.broadcast %shift_left3A_608 : i32 to vector<16xi32>
      %shift_left3A_610 = arith.shli %gather3A_604, %shift_left3A_609 : vector<16xi32>
      %select_n3A_611 = arith.select %ge3A_597, %and3A_607, %shift_left3A_610 : vector<16xi1>, vector<16xi32>
      %bitcast3A_612 = vector.bitcast %select_n3A_611 : vector<16xi32> to vector<16xf32>
      %add3A_613 = arith.addf %scan3A_571, %bitcast3A_612 : vector<16xf32>
      %get3A_614 = arith.index_cast %scan3A_569 : i32 to index
      %get3A_615 = arith.constant 32 : index
      %get3A_616 = tpu.vector_load %arg7[%get3A_614, %get3A_615] {strides = array<i32>} : memref<104x128xi32, #tpu.memory_space<vmem>>, vector<16xi32>,
      %ge3A_617 = arith.constant 50176 : i32
      %ge3A_618 = vector.broadcast %ge3A_617 : i32 to vector<16xi32>
      %ge3A_619 = arith.cmpi sge, %get3A_616, %ge3A_618 : vector<16xi32>
      %jit3A_620 = arith.constant 50176 : i32
      %jit3A_621 = arith.constant 0 : i32
      %broadcast_in_dim3A_622 = vector.broadcast %jit3A_620 : i32 to vector<16xi32>
      %broadcast_in_dim3A_623 = vector.broadcast %jit3A_621 : i32 to vector<16xi32>
      %select_n3A_624 = arith.select %ge3A_619, %broadcast_in_dim3A_622, %broadcast_in_dim3A_623 : vector<16xi1>, vector<16xi32>
      %sub3A_625 = arith.subi %get3A_616, %select_n3A_624 : vector<16xi32>
      %gather3A_626 = tpu.vector_load_idx %arg6[%sub3A_625] : memref<50176xi32, #tpu.memory_space<vmem>>[vector<16xi32>], vector<16xi32>,
      %and3A_627 = arith.constant -65536 : i32
      %and3A_628 = vector.broadcast %and3A_627 : i32 to vector<16xi32>
      %and3A_629 = arith.andi %gather3A_626, %and3A_628 : vector<16xi32>
      %shift_left3A_630 = arith.constant 16 : i32
      %shift_left3A_631 = vector.broadcast %shift_left3A_630 : i32 to vector<16xi32>
      %shift_left3A_632 = arith.shli %gather3A_626, %shift_left3A_631 : vector<16xi32>
      %select_n3A_633 = arith.select %ge3A_619, %and3A_629, %shift_left3A_632 : vector<16xi1>, vector<16xi32>
      %bitcast3A_634 = vector.bitcast %select_n3A_633 : vector<16xi32> to vector<16xf32>
      %add3A_635 = arith.addf %scan3A_572, %bitcast3A_634 : vector<16xf32>
      %get3A_636 = arith.index_cast %scan3A_569 : i32 to index
      %get3A_637 = arith.constant 48 : index
      %get3A_638 = tpu.vector_load %arg7[%get3A_636, %get3A_637] {strides = array<i32>} : memref<104x128xi32, #tpu.memory_space<vmem>>, vector<16xi32>,
      %ge3A_639 = arith.constant 50176 : i32
      %ge3A_640 = vector.broadcast %ge3A_639 : i32 to vector<16xi32>
      %ge3A_641 = arith.cmpi sge, %get3A_638, %ge3A_640 : vector<16xi32>
      %jit3A_642 = arith.constant 50176 : i32
      %jit3A_643 = arith.constant 0 : i32
      %broadcast_in_dim3A_644 = vector.broadcast %jit3A_642 : i32 to vector<16xi32>
      %broadcast_in_dim3A_645 = vector.broadcast %jit3A_643 : i32 to vector<16xi32>
      %select_n3A_646 = arith.select %ge3A_641, %broadcast_in_dim3A_644, %broadcast_in_dim3A_645 : vector<16xi1>, vector<16xi32>
      %sub3A_647 = arith.subi %get3A_638, %select_n3A_646 : vector<16xi32>
      %gather3A_648 = tpu.vector_load_idx %arg6[%sub3A_647] : memref<50176xi32, #tpu.memory_space<vmem>>[vector<16xi32>], vector<16xi32>,
      %and3A_649 = arith.constant -65536 : i32
      %and3A_650 = vector.broadcast %and3A_649 : i32 to vector<16xi32>
      %and3A_651 = arith.andi %gather3A_648, %and3A_650 : vector<16xi32>
      %shift_left3A_652 = arith.constant 16 : i32
      %shift_left3A_653 = vector.broadcast %shift_left3A_652 : i32 to vector<16xi32>
      %shift_left3A_654 = arith.shli %gather3A_648, %shift_left3A_653 : vector<16xi32>
      %select_n3A_655 = arith.select %ge3A_641, %and3A_651, %shift_left3A_654 : vector<16xi1>, vector<16xi32>
      %bitcast3A_656 = vector.bitcast %select_n3A_655 : vector<16xi32> to vector<16xf32>
      %add3A_657 = arith.addf %scan3A_573, %bitcast3A_656 : vector<16xf32>
      %get3A_658 = arith.index_cast %scan3A_569 : i32 to index
      %get3A_659 = arith.constant 64 : index
      %get3A_660 = tpu.vector_load %arg7[%get3A_658, %get3A_659] {strides = array<i32>} : memref<104x128xi32, #tpu.memory_space<vmem>>, vector<16xi32>,
      %ge3A_661 = arith.constant 50176 : i32
      %ge3A_662 = vector.broadcast %ge3A_661 : i32 to vector<16xi32>
      %ge3A_663 = arith.cmpi sge, %get3A_660, %ge3A_662 : vector<16xi32>
      %jit3A_664 = arith.constant 50176 : i32
      %jit3A_665 = arith.constant 0 : i32
      %broadcast_in_dim3A_666 = vector.broadcast %jit3A_664 : i32 to vector<16xi32>
      %broadcast_in_dim3A_667 = vector.broadcast %jit3A_665 : i32 to vector<16xi32>
      %select_n3A_668 = arith.select %ge3A_663, %broadcast_in_dim3A_666, %broadcast_in_dim3A_667 : vector<16xi1>, vector<16xi32>
      %sub3A_669 = arith.subi %get3A_660, %select_n3A_668 : vector<16xi32>
      %gather3A_670 = tpu.vector_load_idx %arg6[%sub3A_669] : memref<50176xi32, #tpu.memory_space<vmem>>[vector<16xi32>], vector<16xi32>,
      %and3A_671 = arith.constant -65536 : i32
      %and3A_672 = vector.broadcast %and3A_671 : i32 to vector<16xi32>
      %and3A_673 = arith.andi %gather3A_670, %and3A_672 : vector<16xi32>
      %shift_left3A_674 = arith.constant 16 : i32
      %shift_left3A_675 = vector.broadcast %shift_left3A_674 : i32 to vector<16xi32>
      %shift_left3A_676 = arith.shli %gather3A_670, %shift_left3A_675 : vector<16xi32>
      %select_n3A_677 = arith.select %ge3A_663, %and3A_673, %shift_left3A_676 : vector<16xi1>, vector<16xi32>
      %bitcast3A_678 = vector.bitcast %select_n3A_677 : vector<16xi32> to vector<16xf32>
      %add3A_679 = arith.addf %scan3A_574, %bitcast3A_678 : vector<16xf32>
      %get3A_680 = arith.index_cast %scan3A_569 : i32 to index
      %get3A_681 = arith.constant 80 : index
      %get3A_682 = tpu.vector_load %arg7[%get3A_680, %get3A_681] {strides = array<i32>} : memref<104x128xi32, #tpu.memory_space<vmem>>, vector<16xi32>,
      %ge3A_683 = arith.constant 50176 : i32
      %ge3A_684 = vector.broadcast %ge3A_683 : i32 to vector<16xi32>
      %ge3A_685 = arith.cmpi sge, %get3A_682, %ge3A_684 : vector<16xi32>
      %jit3A_686 = arith.constant 50176 : i32
      %jit3A_687 = arith.constant 0 : i32
      %broadcast_in_dim3A_688 = vector.broadcast %jit3A_686 : i32 to vector<16xi32>
      %broadcast_in_dim3A_689 = vector.broadcast %jit3A_687 : i32 to vector<16xi32>
      %select_n3A_690 = arith.select %ge3A_685, %broadcast_in_dim3A_688, %broadcast_in_dim3A_689 : vector<16xi1>, vector<16xi32>
      %sub3A_691 = arith.subi %get3A_682, %select_n3A_690 : vector<16xi32>
      %gather3A_692 = tpu.vector_load_idx %arg6[%sub3A_691] : memref<50176xi32, #tpu.memory_space<vmem>>[vector<16xi32>], vector<16xi32>,
      %and3A_693 = arith.constant -65536 : i32
      %and3A_694 = vector.broadcast %and3A_693 : i32 to vector<16xi32>
      %and3A_695 = arith.andi %gather3A_692, %and3A_694 : vector<16xi32>
      %shift_left3A_696 = arith.constant 16 : i32
      %shift_left3A_697 = vector.broadcast %shift_left3A_696 : i32 to vector<16xi32>
      %shift_left3A_698 = arith.shli %gather3A_692, %shift_left3A_697 : vector<16xi32>
      %select_n3A_699 = arith.select %ge3A_685, %and3A_695, %shift_left3A_698 : vector<16xi1>, vector<16xi32>
      %bitcast3A_700 = vector.bitcast %select_n3A_699 : vector<16xi32> to vector<16xf32>
      %add3A_701 = arith.addf %scan3A_575, %bitcast3A_700 : vector<16xf32>
      %get3A_702 = arith.index_cast %scan3A_569 : i32 to index
      %get3A_703 = arith.constant 96 : index
      %get3A_704 = tpu.vector_load %arg7[%get3A_702, %get3A_703] {strides = array<i32>} : memref<104x128xi32, #tpu.memory_space<vmem>>, vector<16xi32>,
      %ge3A_705 = arith.constant 50176 : i32
      %ge3A_706 = vector.broadcast %ge3A_705 : i32 to vector<16xi32>
      %ge3A_707 = arith.cmpi sge, %get3A_704, %ge3A_706 : vector<16xi32>
      %jit3A_708 = arith.constant 50176 : i32
      %jit3A_709 = arith.constant 0 : i32
      %broadcast_in_dim3A_710 = vector.broadcast %jit3A_708 : i32 to vector<16xi32>
      %broadcast_in_dim3A_711 = vector.broadcast %jit3A_709 : i32 to vector<16xi32>
      %select_n3A_712 = arith.select %ge3A_707, %broadcast_in_dim3A_710, %broadcast_in_dim3A_711 : vector<16xi1>, vector<16xi32>
      %sub3A_713 = arith.subi %get3A_704, %select_n3A_712 : vector<16xi32>
      %gather3A_714 = tpu.vector_load_idx %arg6[%sub3A_713] : memref<50176xi32, #tpu.memory_space<vmem>>[vector<16xi32>], vector<16xi32>,
      %and3A_715 = arith.constant -65536 : i32
      %and3A_716 = vector.broadcast %and3A_715 : i32 to vector<16xi32>
      %and3A_717 = arith.andi %gather3A_714, %and3A_716 : vector<16xi32>
      %shift_left3A_718 = arith.constant 16 : i32
      %shift_left3A_719 = vector.broadcast %shift_left3A_718 : i32 to vector<16xi32>
      %shift_left3A_720 = arith.shli %gather3A_714, %shift_left3A_719 : vector<16xi32>
      %select_n3A_721 = arith.select %ge3A_707, %and3A_717, %shift_left3A_720 : vector<16xi1>, vector<16xi32>
      %bitcast3A_722 = vector.bitcast %select_n3A_721 : vector<16xi32> to vector<16xf32>
      %add3A_723 = arith.addf %scan3A_576, %bitcast3A_722 : vector<16xf32>
      %get3A_724 = arith.index_cast %scan3A_569 : i32 to index
      %get3A_725 = arith.constant 112 : index
      %get3A_726 = tpu.vector_load %arg7[%get3A_724, %get3A_725] {strides = array<i32>} : memref<104x128xi32, #tpu.memory_space<vmem>>, vector<16xi32>,
      %ge3A_727 = arith.constant 50176 : i32
      %ge3A_728 = vector.broadcast %ge3A_727 : i32 to vector<16xi32>
      %ge3A_729 = arith.cmpi sge, %get3A_726, %ge3A_728 : vector<16xi32>
      %jit3A_730 = arith.constant 50176 : i32
      %jit3A_731 = arith.constant 0 : i32
      %broadcast_in_dim3A_732 = vector.broadcast %jit3A_730 : i32 to vector<16xi32>
      %broadcast_in_dim3A_733 = vector.broadcast %jit3A_731 : i32 to vector<16xi32>
      %select_n3A_734 = arith.select %ge3A_729, %broadcast_in_dim3A_732, %broadcast_in_dim3A_733 : vector<16xi1>, vector<16xi32>
      %sub3A_735 = arith.subi %get3A_726, %select_n3A_734 : vector<16xi32>
      %gather3A_736 = tpu.vector_load_idx %arg6[%sub3A_735] : memref<50176xi32, #tpu.memory_space<vmem>>[vector<16xi32>], vector<16xi32>,
      %and3A_737 = arith.constant -65536 : i32
      %and3A_738 = vector.broadcast %and3A_737 : i32 to vector<16xi32>
      %and3A_739 = arith.andi %gather3A_736, %and3A_738 : vector<16xi32>
      %shift_left3A_740 = arith.constant 16 : i32
      %shift_left3A_741 = vector.broadcast %shift_left3A_740 : i32 to vector<16xi32>
      %shift_left3A_742 = arith.shli %gather3A_736, %shift_left3A_741 : vector<16xi32>
      %select_n3A_743 = arith.select %ge3A_729, %and3A_739, %shift_left3A_742 : vector<16xi1>, vector<16xi32>
      %bitcast3A_744 = vector.bitcast %select_n3A_743 : vector<16xi32> to vector<16xf32>
      %add3A_745 = arith.addf %scan3A_577, %bitcast3A_744 : vector<16xf32>
      scf.yield %add3A_591, %add3A_613, %add3A_635, %add3A_657, %add3A_679, %add3A_701, %add3A_723, %add3A_745 : vector<16xf32>, vector<16xf32>, vector<16xf32>, vector<16xf32>, vector<16xf32>, vector<16xf32>, vector<16xf32>, vector<16xf32>
    }
    %scan3A_185 = arith.constant 104 : i32
    %add3A_186 = arith.constant 256 : i32
    %add3A_187 = arith.addi %mul3A_2, %add3A_186 : i32
    %dma_start3A_188 = arith.constant 0 : i32
    %dma_start3A_189 = arith.constant 0 : i32
    %dma_start3A_190 = tpu.memref_slice %arg7[%dma_start3A_188, %dma_start3A_189] : memref<104x128xi32, #tpu.memory_space<vmem>> -> memref<104x128xi32, #tpu.memory_space<vmem>>
    %dma_start3A_191 = arith.constant 0 : i32
    %dma_start3A_192 = tpu.memref_slice %arg3[%dma_start3A_191, %add3A_187] : memref<200x16384xi32, #tpu.memory_space<hbm>> -> memref<104x128xi32, #tpu.memory_space<hbm>>
    %dma_start3A_193 = arith.constant 0 : i32
    %dma_start3A_194 = arith.constant 0 : i32
    %dma_start3A_195 = tpu.memref_slice %arg7[%dma_start3A_193, %dma_start3A_194] : memref<104x128xi32, #tpu.memory_space<vmem>> -> memref<104x128xi32, #tpu.memory_space<vmem>>
    %dma_start3A_196 = arith.constant 0 : i32
    %dma_start3A_197 = tpu.memref_slice %arg3[%dma_start3A_196, %add3A_187] : memref<200x16384xi32, #tpu.memory_space<hbm>> -> memref<104x128xi32, #tpu.memory_space<hbm>>
    tpu.enqueue_dma source(%dma_start3A_197 : memref<104x128xi32, #tpu.memory_space<hbm>>) target(%dma_start3A_195 : memref<104x128xi32, #tpu.memory_space<vmem>>) target_semaphore(%arg12 : memref<!tpu.dma_semaphore, #tpu.memory_space<semaphore_mem>>)
    %add3A_198 = arith.constant 128 : i32
    %add3A_199 = arith.addi %mul3A_2, %add3A_198 : i32
    %dma_wait3A_200 = arith.constant 0 : i32
    %dma_wait3A_201 = arith.constant 0 : i32
    %dma_wait3A_202 = tpu.memref_slice %arg8[%dma_wait3A_200, %dma_wait3A_201] : memref<104x128xi32, #tpu.memory_space<vmem>> -> memref<96x128xi32, #tpu.memory_space<vmem>>
    %dma_wait3A_203 = arith.constant 104 : i32
    %dma_wait3A_204 = tpu.memref_slice %arg3[%dma_wait3A_203, %add3A_199] : memref<200x16384xi32, #tpu.memory_space<hbm>> -> memref<96x128xi32, #tpu.memory_space<hbm>>
    %dma_wait3A_205 = arith.constant 0 : i32
    %dma_wait3A_206 = arith.constant 0 : i32
    %dma_wait3A_207 = tpu.memref_slice %arg8[%dma_wait3A_205, %dma_wait3A_206] : memref<104x128xi32, #tpu.memory_space<vmem>> -> memref<96x128xi32, #tpu.memory_space<vmem>>
    %dma_wait3A_208 = arith.constant 104 : i32
    %dma_wait3A_209 = tpu.memref_slice %arg3[%dma_wait3A_208, %add3A_199] : memref<200x16384xi32, #tpu.memory_space<hbm>> -> memref<96x128xi32, #tpu.memory_space<hbm>>
    tpu.wait_dma2 semaphore(%arg13 : memref<!tpu.dma_semaphore, #tpu.memory_space<semaphore_mem>>) src(%dma_wait3A_209 : memref<96x128xi32, #tpu.memory_space<hbm>>) dst(%dma_wait3A_207 : memref<96x128xi32, #tpu.memory_space<vmem>>)
    %scan3A_210 = arith.constant 0 : i32
    %scan3A_211 = arith.constant 96 : i32
    %scan3A_212 = arith.addi %scan3A_210, %scan3A_211 : i32
    %scan3A_213 = arith.constant 1 : i32
    %scan3A_214:8 = scf.for %scan3A_569 = %scan3A_210 to %scan3A_212 step %scan3A_213 iter_args(%scan3A_570 = %scan3A_184#0, %scan3A_571 = %scan3A_184#1, %scan3A_572 = %scan3A_184#2, %scan3A_573 = %scan3A_184#3, %scan3A_574 = %scan3A_184#4, %scan3A_575 = %scan3A_184#5, %scan3A_576 = %scan3A_184#6, %scan3A_577 = %scan3A_184#7) -> (vector<16xf32>, vector<16xf32>, vector<16xf32>, vector<16xf32>, vector<16xf32>, vector<16xf32>, vector<16xf32>, vector<16xf32>)  : i32 {
      %get3A_578 = arith.index_cast %scan3A_569 : i32 to index
      %get3A_579 = arith.constant 0 : index
      %get3A_580 = tpu.vector_load %arg8[%get3A_578, %get3A_579] {strides = array<i32>} : memref<104x128xi32, #tpu.memory_space<vmem>>, vector<16xi32>,
      %ge3A = arith.constant 50176 : i32
      %ge3A_581 = vector.broadcast %ge3A : i32 to vector<16xi32>
      %ge3A_582 = arith.cmpi sge, %get3A_580, %ge3A_581 : vector<16xi32>
      %jit3A = arith.constant 50176 : i32
      %jit3A_583 = arith.constant 0 : i32
      %broadcast_in_dim3A_584 = vector.broadcast %jit3A : i32 to vector<16xi32>
      %broadcast_in_dim3A_585 = vector.broadcast %jit3A_583 : i32 to vector<16xi32>
      %select_n3A = arith.select %ge3A_582, %broadcast_in_dim3A_584, %broadcast_in_dim3A_585 : vector<16xi1>, vector<16xi32>
      %sub3A = arith.subi %get3A_580, %select_n3A : vector<16xi32>
      %gather3A = tpu.vector_load_idx %arg6[%sub3A] : memref<50176xi32, #tpu.memory_space<vmem>>[vector<16xi32>], vector<16xi32>,
      %and3A = arith.constant -65536 : i32
      %and3A_586 = vector.broadcast %and3A : i32 to vector<16xi32>
      %and3A_587 = arith.andi %gather3A, %and3A_586 : vector<16xi32>
      %shift_left3A = arith.constant 16 : i32
      %shift_left3A_588 = vector.broadcast %shift_left3A : i32 to vector<16xi32>
      %shift_left3A_589 = arith.shli %gather3A, %shift_left3A_588 : vector<16xi32>
      %select_n3A_590 = arith.select %ge3A_582, %and3A_587, %shift_left3A_589 : vector<16xi1>, vector<16xi32>
      %bitcast3A = vector.bitcast %select_n3A_590 : vector<16xi32> to vector<16xf32>
      %add3A_591 = arith.addf %scan3A_570, %bitcast3A : vector<16xf32>
      %get3A_592 = arith.index_cast %scan3A_569 : i32 to index
      %get3A_593 = arith.constant 16 : index
      %get3A_594 = tpu.vector_load %arg8[%get3A_592, %get3A_593] {strides = array<i32>} : memref<104x128xi32, #tpu.memory_space<vmem>>, vector<16xi32>,
      %ge3A_595 = arith.constant 50176 : i32
      %ge3A_596 = vector.broadcast %ge3A_595 : i32 to vector<16xi32>
      %ge3A_597 = arith.cmpi sge, %get3A_594, %ge3A_596 : vector<16xi32>
      %jit3A_598 = arith.constant 50176 : i32
      %jit3A_599 = arith.constant 0 : i32
      %broadcast_in_dim3A_600 = vector.broadcast %jit3A_598 : i32 to vector<16xi32>
      %broadcast_in_dim3A_601 = vector.broadcast %jit3A_599 : i32 to vector<16xi32>
      %select_n3A_602 = arith.select %ge3A_597, %broadcast_in_dim3A_600, %broadcast_in_dim3A_601 : vector<16xi1>, vector<16xi32>
      %sub3A_603 = arith.subi %get3A_594, %select_n3A_602 : vector<16xi32>
      %gather3A_604 = tpu.vector_load_idx %arg6[%sub3A_603] : memref<50176xi32, #tpu.memory_space<vmem>>[vector<16xi32>], vector<16xi32>,
      %and3A_605 = arith.constant -65536 : i32
      %and3A_606 = vector.broadcast %and3A_605 : i32 to vector<16xi32>
      %and3A_607 = arith.andi %gather3A_604, %and3A_606 : vector<16xi32>
      %shift_left3A_608 = arith.constant 16 : i32
      %shift_left3A_609 = vector.broadcast %shift_left3A_608 : i32 to vector<16xi32>
      %shift_left3A_610 = arith.shli %gather3A_604, %shift_left3A_609 : vector<16xi32>
      %select_n3A_611 = arith.select %ge3A_597, %and3A_607, %shift_left3A_610 : vector<16xi1>, vector<16xi32>
      %bitcast3A_612 = vector.bitcast %select_n3A_611 : vector<16xi32> to vector<16xf32>
      %add3A_613 = arith.addf %scan3A_571, %bitcast3A_612 : vector<16xf32>
      %get3A_614 = arith.index_cast %scan3A_569 : i32 to index
      %get3A_615 = arith.constant 32 : index
      %get3A_616 = tpu.vector_load %arg8[%get3A_614, %get3A_615] {strides = array<i32>} : memref<104x128xi32, #tpu.memory_space<vmem>>, vector<16xi32>,
      %ge3A_617 = arith.constant 50176 : i32
      %ge3A_618 = vector.broadcast %ge3A_617 : i32 to vector<16xi32>
      %ge3A_619 = arith.cmpi sge, %get3A_616, %ge3A_618 : vector<16xi32>
      %jit3A_620 = arith.constant 50176 : i32
      %jit3A_621 = arith.constant 0 : i32
      %broadcast_in_dim3A_622 = vector.broadcast %jit3A_620 : i32 to vector<16xi32>
      %broadcast_in_dim3A_623 = vector.broadcast %jit3A_621 : i32 to vector<16xi32>
      %select_n3A_624 = arith.select %ge3A_619, %broadcast_in_dim3A_622, %broadcast_in_dim3A_623 : vector<16xi1>, vector<16xi32>
      %sub3A_625 = arith.subi %get3A_616, %select_n3A_624 : vector<16xi32>
      %gather3A_626 = tpu.vector_load_idx %arg6[%sub3A_625] : memref<50176xi32, #tpu.memory_space<vmem>>[vector<16xi32>], vector<16xi32>,
      %and3A_627 = arith.constant -65536 : i32
      %and3A_628 = vector.broadcast %and3A_627 : i32 to vector<16xi32>
      %and3A_629 = arith.andi %gather3A_626, %and3A_628 : vector<16xi32>
      %shift_left3A_630 = arith.constant 16 : i32
      %shift_left3A_631 = vector.broadcast %shift_left3A_630 : i32 to vector<16xi32>
      %shift_left3A_632 = arith.shli %gather3A_626, %shift_left3A_631 : vector<16xi32>
      %select_n3A_633 = arith.select %ge3A_619, %and3A_629, %shift_left3A_632 : vector<16xi1>, vector<16xi32>
      %bitcast3A_634 = vector.bitcast %select_n3A_633 : vector<16xi32> to vector<16xf32>
      %add3A_635 = arith.addf %scan3A_572, %bitcast3A_634 : vector<16xf32>
      %get3A_636 = arith.index_cast %scan3A_569 : i32 to index
      %get3A_637 = arith.constant 48 : index
      %get3A_638 = tpu.vector_load %arg8[%get3A_636, %get3A_637] {strides = array<i32>} : memref<104x128xi32, #tpu.memory_space<vmem>>, vector<16xi32>,
      %ge3A_639 = arith.constant 50176 : i32
      %ge3A_640 = vector.broadcast %ge3A_639 : i32 to vector<16xi32>
      %ge3A_641 = arith.cmpi sge, %get3A_638, %ge3A_640 : vector<16xi32>
      %jit3A_642 = arith.constant 50176 : i32
      %jit3A_643 = arith.constant 0 : i32
      %broadcast_in_dim3A_644 = vector.broadcast %jit3A_642 : i32 to vector<16xi32>
      %broadcast_in_dim3A_645 = vector.broadcast %jit3A_643 : i32 to vector<16xi32>
      %select_n3A_646 = arith.select %ge3A_641, %broadcast_in_dim3A_644, %broadcast_in_dim3A_645 : vector<16xi1>, vector<16xi32>
      %sub3A_647 = arith.subi %get3A_638, %select_n3A_646 : vector<16xi32>
      %gather3A_648 = tpu.vector_load_idx %arg6[%sub3A_647] : memref<50176xi32, #tpu.memory_space<vmem>>[vector<16xi32>], vector<16xi32>,
      %and3A_649 = arith.constant -65536 : i32
      %and3A_650 = vector.broadcast %and3A_649 : i32 to vector<16xi32>
      %and3A_651 = arith.andi %gather3A_648, %and3A_650 : vector<16xi32>
      %shift_left3A_652 = arith.constant 16 : i32
      %shift_left3A_653 = vector.broadcast %shift_left3A_652 : i32 to vector<16xi32>
      %shift_left3A_654 = arith.shli %gather3A_648, %shift_left3A_653 : vector<16xi32>
      %select_n3A_655 = arith.select %ge3A_641, %and3A_651, %shift_left3A_654 : vector<16xi1>, vector<16xi32>
      %bitcast3A_656 = vector.bitcast %select_n3A_655 : vector<16xi32> to vector<16xf32>
      %add3A_657 = arith.addf %scan3A_573, %bitcast3A_656 : vector<16xf32>
      %get3A_658 = arith.index_cast %scan3A_569 : i32 to index
      %get3A_659 = arith.constant 64 : index
      %get3A_660 = tpu.vector_load %arg8[%get3A_658, %get3A_659] {strides = array<i32>} : memref<104x128xi32, #tpu.memory_space<vmem>>, vector<16xi32>,
      %ge3A_661 = arith.constant 50176 : i32
      %ge3A_662 = vector.broadcast %ge3A_661 : i32 to vector<16xi32>
      %ge3A_663 = arith.cmpi sge, %get3A_660, %ge3A_662 : vector<16xi32>
      %jit3A_664 = arith.constant 50176 : i32
      %jit3A_665 = arith.constant 0 : i32
      %broadcast_in_dim3A_666 = vector.broadcast %jit3A_664 : i32 to vector<16xi32>
      %broadcast_in_dim3A_667 = vector.broadcast %jit3A_665 : i32 to vector<16xi32>
      %select_n3A_668 = arith.select %ge3A_663, %broadcast_in_dim3A_666, %broadcast_in_dim3A_667 : vector<16xi1>, vector<16xi32>
      %sub3A_669 = arith.subi %get3A_660, %select_n3A_668 : vector<16xi32>
      %gather3A_670 = tpu.vector_load_idx %arg6[%sub3A_669] : memref<50176xi32, #tpu.memory_space<vmem>>[vector<16xi32>], vector<16xi32>,
      %and3A_671 = arith.constant -65536 : i32
      %and3A_672 = vector.broadcast %and3A_671 : i32 to vector<16xi32>
      %and3A_673 = arith.andi %gather3A_670, %and3A_672 : vector<16xi32>
      %shift_left3A_674 = arith.constant 16 : i32
      %shift_left3A_675 = vector.broadcast %shift_left3A_674 : i32 to vector<16xi32>
      %shift_left3A_676 = arith.shli %gather3A_670, %shift_left3A_675 : vector<16xi32>
      %select_n3A_677 = arith.select %ge3A_663, %and3A_673, %shift_left3A_676 : vector<16xi1>, vector<16xi32>
      %bitcast3A_678 = vector.bitcast %select_n3A_677 : vector<16xi32> to vector<16xf32>
      %add3A_679 = arith.addf %scan3A_574, %bitcast3A_678 : vector<16xf32>
      %get3A_680 = arith.index_cast %scan3A_569 : i32 to index
      %get3A_681 = arith.constant 80 : index
      %get3A_682 = tpu.vector_load %arg8[%get3A_680, %get3A_681] {strides = array<i32>} : memref<104x128xi32, #tpu.memory_space<vmem>>, vector<16xi32>,
      %ge3A_683 = arith.constant 50176 : i32
      %ge3A_684 = vector.broadcast %ge3A_683 : i32 to vector<16xi32>
      %ge3A_685 = arith.cmpi sge, %get3A_682, %ge3A_684 : vector<16xi32>
      %jit3A_686 = arith.constant 50176 : i32
      %jit3A_687 = arith.constant 0 : i32
      %broadcast_in_dim3A_688 = vector.broadcast %jit3A_686 : i32 to vector<16xi32>
      %broadcast_in_dim3A_689 = vector.broadcast %jit3A_687 : i32 to vector<16xi32>
      %select_n3A_690 = arith.select %ge3A_685, %broadcast_in_dim3A_688, %broadcast_in_dim3A_689 : vector<16xi1>, vector<16xi32>
      %sub3A_691 = arith.subi %get3A_682, %select_n3A_690 : vector<16xi32>
      %gather3A_692 = tpu.vector_load_idx %arg6[%sub3A_691] : memref<50176xi32, #tpu.memory_space<vmem>>[vector<16xi32>], vector<16xi32>,
      %and3A_693 = arith.constant -65536 : i32
      %and3A_694 = vector.broadcast %and3A_693 : i32 to vector<16xi32>
      %and3A_695 = arith.andi %gather3A_692, %and3A_694 : vector<16xi32>
      %shift_left3A_696 = arith.constant 16 : i32
      %shift_left3A_697 = vector.broadcast %shift_left3A_696 : i32 to vector<16xi32>
      %shift_left3A_698 = arith.shli %gather3A_692, %shift_left3A_697 : vector<16xi32>
      %select_n3A_699 = arith.select %ge3A_685, %and3A_695, %shift_left3A_698 : vector<16xi1>, vector<16xi32>
      %bitcast3A_700 = vector.bitcast %select_n3A_699 : vector<16xi32> to vector<16xf32>
      %add3A_701 = arith.addf %scan3A_575, %bitcast3A_700 : vector<16xf32>
      %get3A_702 = arith.index_cast %scan3A_569 : i32 to index
      %get3A_703 = arith.constant 96 : index
      %get3A_704 = tpu.vector_load %arg8[%get3A_702, %get3A_703] {strides = array<i32>} : memref<104x128xi32, #tpu.memory_space<vmem>>, vector<16xi32>,
      %ge3A_705 = arith.constant 50176 : i32
      %ge3A_706 = vector.broadcast %ge3A_705 : i32 to vector<16xi32>
      %ge3A_707 = arith.cmpi sge, %get3A_704, %ge3A_706 : vector<16xi32>
      %jit3A_708 = arith.constant 50176 : i32
      %jit3A_709 = arith.constant 0 : i32
      %broadcast_in_dim3A_710 = vector.broadcast %jit3A_708 : i32 to vector<16xi32>
      %broadcast_in_dim3A_711 = vector.broadcast %jit3A_709 : i32 to vector<16xi32>
      %select_n3A_712 = arith.select %ge3A_707, %broadcast_in_dim3A_710, %broadcast_in_dim3A_711 : vector<16xi1>, vector<16xi32>
      %sub3A_713 = arith.subi %get3A_704, %select_n3A_712 : vector<16xi32>
      %gather3A_714 = tpu.vector_load_idx %arg6[%sub3A_713] : memref<50176xi32, #tpu.memory_space<vmem>>[vector<16xi32>], vector<16xi32>,
      %and3A_715 = arith.constant -65536 : i32
      %and3A_716 = vector.broadcast %and3A_715 : i32 to vector<16xi32>
      %and3A_717 = arith.andi %gather3A_714, %and3A_716 : vector<16xi32>
      %shift_left3A_718 = arith.constant 16 : i32
      %shift_left3A_719 = vector.broadcast %shift_left3A_718 : i32 to vector<16xi32>
      %shift_left3A_720 = arith.shli %gather3A_714, %shift_left3A_719 : vector<16xi32>
      %select_n3A_721 = arith.select %ge3A_707, %and3A_717, %shift_left3A_720 : vector<16xi1>, vector<16xi32>
      %bitcast3A_722 = vector.bitcast %select_n3A_721 : vector<16xi32> to vector<16xf32>
      %add3A_723 = arith.addf %scan3A_576, %bitcast3A_722 : vector<16xf32>
      %get3A_724 = arith.index_cast %scan3A_569 : i32 to index
      %get3A_725 = arith.constant 112 : index
      %get3A_726 = tpu.vector_load %arg8[%get3A_724, %get3A_725] {strides = array<i32>} : memref<104x128xi32, #tpu.memory_space<vmem>>, vector<16xi32>,
      %ge3A_727 = arith.constant 50176 : i32
      %ge3A_728 = vector.broadcast %ge3A_727 : i32 to vector<16xi32>
      %ge3A_729 = arith.cmpi sge, %get3A_726, %ge3A_728 : vector<16xi32>
      %jit3A_730 = arith.constant 50176 : i32
      %jit3A_731 = arith.constant 0 : i32
      %broadcast_in_dim3A_732 = vector.broadcast %jit3A_730 : i32 to vector<16xi32>
      %broadcast_in_dim3A_733 = vector.broadcast %jit3A_731 : i32 to vector<16xi32>
      %select_n3A_734 = arith.select %ge3A_729, %broadcast_in_dim3A_732, %broadcast_in_dim3A_733 : vector<16xi1>, vector<16xi32>
      %sub3A_735 = arith.subi %get3A_726, %select_n3A_734 : vector<16xi32>
      %gather3A_736 = tpu.vector_load_idx %arg6[%sub3A_735] : memref<50176xi32, #tpu.memory_space<vmem>>[vector<16xi32>], vector<16xi32>,
      %and3A_737 = arith.constant -65536 : i32
      %and3A_738 = vector.broadcast %and3A_737 : i32 to vector<16xi32>
      %and3A_739 = arith.andi %gather3A_736, %and3A_738 : vector<16xi32>
      %shift_left3A_740 = arith.constant 16 : i32
      %shift_left3A_741 = vector.broadcast %shift_left3A_740 : i32 to vector<16xi32>
      %shift_left3A_742 = arith.shli %gather3A_736, %shift_left3A_741 : vector<16xi32>
      %select_n3A_743 = arith.select %ge3A_729, %and3A_739, %shift_left3A_742 : vector<16xi1>, vector<16xi32>
      %bitcast3A_744 = vector.bitcast %select_n3A_743 : vector<16xi32> to vector<16xf32>
      %add3A_745 = arith.addf %scan3A_577, %bitcast3A_744 : vector<16xf32>
      scf.yield %add3A_591, %add3A_613, %add3A_635, %add3A_657, %add3A_679, %add3A_701, %add3A_723, %add3A_745 : vector<16xf32>, vector<16xf32>, vector<16xf32>, vector<16xf32>, vector<16xf32>, vector<16xf32>, vector<16xf32>, vector<16xf32>
    }
    %scan3A_215 = arith.constant 96 : i32
    %add3A_216 = arith.constant 256 : i32
    %add3A_217 = arith.addi %mul3A_2, %add3A_216 : i32
    %dma_start3A_218 = arith.constant 0 : i32
    %dma_start3A_219 = arith.constant 0 : i32
    %dma_start3A_220 = tpu.memref_slice %arg8[%dma_start3A_218, %dma_start3A_219] : memref<104x128xi32, #tpu.memory_space<vmem>> -> memref<96x128xi32, #tpu.memory_space<vmem>>
    %dma_start3A_221 = arith.constant 104 : i32
    %dma_start3A_222 = tpu.memref_slice %arg3[%dma_start3A_221, %add3A_217] : memref<200x16384xi32, #tpu.memory_space<hbm>> -> memref<96x128xi32, #tpu.memory_space<hbm>>
    %dma_start3A_223 = arith.constant 0 : i32
    %dma_start3A_224 = arith.constant 0 : i32
    %dma_start3A_225 = tpu.memref_slice %arg8[%dma_start3A_223, %dma_start3A_224] : memref<104x128xi32, #tpu.memory_space<vmem>> -> memref<96x128xi32, #tpu.memory_space<vmem>>
    %dma_start3A_226 = arith.constant 104 : i32
    %dma_start3A_227 = tpu.memref_slice %arg3[%dma_start3A_226, %add3A_217] : memref<200x16384xi32, #tpu.memory_space<hbm>> -> memref<96x128xi32, #tpu.memory_space<hbm>>
    tpu.enqueue_dma source(%dma_start3A_227 : memref<96x128xi32, #tpu.memory_space<hbm>>) target(%dma_start3A_225 : memref<96x128xi32, #tpu.memory_space<vmem>>) target_semaphore(%arg13 : memref<!tpu.dma_semaphore, #tpu.memory_space<semaphore_mem>>)
    %iota3A_228 = tpu.iota {dimensions = array<i32: 0>} : vector<16xi32>
    %add3A_229 = arith.constant 256 : i32
    %add3A_230 = vector.broadcast %add3A_229 : i32 to vector<16xi32>
    %add3A_231 = arith.addi %add3A_230, %iota3A_228 : vector<16xi32>
    %mul3A_232 = vector.broadcast %squeeze3A : f32 to vector<16xf32>
    %mul3A_233 = arith.mulf %scan3A_214#0, %mul3A_232 : vector<16xf32>
    tpu.vector_store_idx %arg9[%add3A_231], %mul3A_233 : memref<1024xf32, #tpu.memory_space<vmem>>[vector<16xi32>], vector<16xf32>,
    %add3A_234 = arith.constant 128 : i32
    %add3A_235 = vector.broadcast %add3A_234 : i32 to vector<16xi32>
    %add3A_236 = arith.addi %add3A_231, %add3A_235 : vector<16xi32>
    %mul3A_237 = vector.broadcast %squeeze3A_28 : f32 to vector<16xf32>
    %mul3A_238 = arith.mulf %scan3A_214#0, %mul3A_237 : vector<16xf32>
    tpu.vector_store_idx %arg9[%add3A_236], %mul3A_238 : memref<1024xf32, #tpu.memory_space<vmem>>[vector<16xi32>], vector<16xf32>,
    %add3A_239 = arith.constant 272 : i32
    %add3A_240 = vector.broadcast %add3A_239 : i32 to vector<16xi32>
    %add3A_241 = arith.addi %add3A_240, %iota3A_228 : vector<16xi32>
    %mul3A_242 = vector.broadcast %squeeze3A : f32 to vector<16xf32>
    %mul3A_243 = arith.mulf %scan3A_214#1, %mul3A_242 : vector<16xf32>
    tpu.vector_store_idx %arg9[%add3A_241], %mul3A_243 : memref<1024xf32, #tpu.memory_space<vmem>>[vector<16xi32>], vector<16xf32>,
    %add3A_244 = arith.constant 128 : i32
    %add3A_245 = vector.broadcast %add3A_244 : i32 to vector<16xi32>
    %add3A_246 = arith.addi %add3A_241, %add3A_245 : vector<16xi32>
    %mul3A_247 = vector.broadcast %squeeze3A_28 : f32 to vector<16xf32>
    %mul3A_248 = arith.mulf %scan3A_214#1, %mul3A_247 : vector<16xf32>
    tpu.vector_store_idx %arg9[%add3A_246], %mul3A_248 : memref<1024xf32, #tpu.memory_space<vmem>>[vector<16xi32>], vector<16xf32>,
    %add3A_249 = arith.constant 288 : i32
    %add3A_250 = vector.broadcast %add3A_249 : i32 to vector<16xi32>
    %add3A_251 = arith.addi %add3A_250, %iota3A_228 : vector<16xi32>
    %mul3A_252 = vector.broadcast %squeeze3A : f32 to vector<16xf32>
    %mul3A_253 = arith.mulf %scan3A_214#2, %mul3A_252 : vector<16xf32>
    tpu.vector_store_idx %arg9[%add3A_251], %mul3A_253 : memref<1024xf32, #tpu.memory_space<vmem>>[vector<16xi32>], vector<16xf32>,
    %add3A_254 = arith.constant 128 : i32
    %add3A_255 = vector.broadcast %add3A_254 : i32 to vector<16xi32>
    %add3A_256 = arith.addi %add3A_251, %add3A_255 : vector<16xi32>
    %mul3A_257 = vector.broadcast %squeeze3A_28 : f32 to vector<16xf32>
    %mul3A_258 = arith.mulf %scan3A_214#2, %mul3A_257 : vector<16xf32>
    tpu.vector_store_idx %arg9[%add3A_256], %mul3A_258 : memref<1024xf32, #tpu.memory_space<vmem>>[vector<16xi32>], vector<16xf32>,
    %add3A_259 = arith.constant 304 : i32
    %add3A_260 = vector.broadcast %add3A_259 : i32 to vector<16xi32>
    %add3A_261 = arith.addi %add3A_260, %iota3A_228 : vector<16xi32>
    %mul3A_262 = vector.broadcast %squeeze3A : f32 to vector<16xf32>
    %mul3A_263 = arith.mulf %scan3A_214#3, %mul3A_262 : vector<16xf32>
    tpu.vector_store_idx %arg9[%add3A_261], %mul3A_263 : memref<1024xf32, #tpu.memory_space<vmem>>[vector<16xi32>], vector<16xf32>,
    %add3A_264 = arith.constant 128 : i32
    %add3A_265 = vector.broadcast %add3A_264 : i32 to vector<16xi32>
    %add3A_266 = arith.addi %add3A_261, %add3A_265 : vector<16xi32>
    %mul3A_267 = vector.broadcast %squeeze3A_28 : f32 to vector<16xf32>
    %mul3A_268 = arith.mulf %scan3A_214#3, %mul3A_267 : vector<16xf32>
    tpu.vector_store_idx %arg9[%add3A_266], %mul3A_268 : memref<1024xf32, #tpu.memory_space<vmem>>[vector<16xi32>], vector<16xf32>,
    %add3A_269 = arith.constant 320 : i32
    %add3A_270 = vector.broadcast %add3A_269 : i32 to vector<16xi32>
    %add3A_271 = arith.addi %add3A_270, %iota3A_228 : vector<16xi32>
    %mul3A_272 = vector.broadcast %squeeze3A : f32 to vector<16xf32>
    %mul3A_273 = arith.mulf %scan3A_214#4, %mul3A_272 : vector<16xf32>
    tpu.vector_store_idx %arg9[%add3A_271], %mul3A_273 : memref<1024xf32, #tpu.memory_space<vmem>>[vector<16xi32>], vector<16xf32>,
    %add3A_274 = arith.constant 128 : i32
    %add3A_275 = vector.broadcast %add3A_274 : i32 to vector<16xi32>
    %add3A_276 = arith.addi %add3A_271, %add3A_275 : vector<16xi32>
    %mul3A_277 = vector.broadcast %squeeze3A_28 : f32 to vector<16xf32>
    %mul3A_278 = arith.mulf %scan3A_214#4, %mul3A_277 : vector<16xf32>
    tpu.vector_store_idx %arg9[%add3A_276], %mul3A_278 : memref<1024xf32, #tpu.memory_space<vmem>>[vector<16xi32>], vector<16xf32>,
    %add3A_279 = arith.constant 336 : i32
    %add3A_280 = vector.broadcast %add3A_279 : i32 to vector<16xi32>
    %add3A_281 = arith.addi %add3A_280, %iota3A_228 : vector<16xi32>
    %mul3A_282 = vector.broadcast %squeeze3A : f32 to vector<16xf32>
    %mul3A_283 = arith.mulf %scan3A_214#5, %mul3A_282 : vector<16xf32>
    tpu.vector_store_idx %arg9[%add3A_281], %mul3A_283 : memref<1024xf32, #tpu.memory_space<vmem>>[vector<16xi32>], vector<16xf32>,
    %add3A_284 = arith.constant 128 : i32
    %add3A_285 = vector.broadcast %add3A_284 : i32 to vector<16xi32>
    %add3A_286 = arith.addi %add3A_281, %add3A_285 : vector<16xi32>
    %mul3A_287 = vector.broadcast %squeeze3A_28 : f32 to vector<16xf32>
    %mul3A_288 = arith.mulf %scan3A_214#5, %mul3A_287 : vector<16xf32>
    tpu.vector_store_idx %arg9[%add3A_286], %mul3A_288 : memref<1024xf32, #tpu.memory_space<vmem>>[vector<16xi32>], vector<16xf32>,
    %add3A_289 = arith.constant 352 : i32
    %add3A_290 = vector.broadcast %add3A_289 : i32 to vector<16xi32>
    %add3A_291 = arith.addi %add3A_290, %iota3A_228 : vector<16xi32>
    %mul3A_292 = vector.broadcast %squeeze3A : f32 to vector<16xf32>
    %mul3A_293 = arith.mulf %scan3A_214#6, %mul3A_292 : vector<16xf32>
    tpu.vector_store_idx %arg9[%add3A_291], %mul3A_293 : memref<1024xf32, #tpu.memory_space<vmem>>[vector<16xi32>], vector<16xf32>,
    %add3A_294 = arith.constant 128 : i32
    %add3A_295 = vector.broadcast %add3A_294 : i32 to vector<16xi32>
    %add3A_296 = arith.addi %add3A_291, %add3A_295 : vector<16xi32>
    %mul3A_297 = vector.broadcast %squeeze3A_28 : f32 to vector<16xf32>
    %mul3A_298 = arith.mulf %scan3A_214#6, %mul3A_297 : vector<16xf32>
    tpu.vector_store_idx %arg9[%add3A_296], %mul3A_298 : memref<1024xf32, #tpu.memory_space<vmem>>[vector<16xi32>], vector<16xf32>,
    %add3A_299 = arith.constant 368 : i32
    %add3A_300 = vector.broadcast %add3A_299 : i32 to vector<16xi32>
    %add3A_301 = arith.addi %add3A_300, %iota3A_228 : vector<16xi32>
    %mul3A_302 = vector.broadcast %squeeze3A : f32 to vector<16xf32>
    %mul3A_303 = arith.mulf %scan3A_214#7, %mul3A_302 : vector<16xf32>
    tpu.vector_store_idx %arg9[%add3A_301], %mul3A_303 : memref<1024xf32, #tpu.memory_space<vmem>>[vector<16xi32>], vector<16xf32>,
    %add3A_304 = arith.constant 128 : i32
    %add3A_305 = vector.broadcast %add3A_304 : i32 to vector<16xi32>
    %add3A_306 = arith.addi %add3A_301, %add3A_305 : vector<16xi32>
    %mul3A_307 = vector.broadcast %squeeze3A_28 : f32 to vector<16xf32>
    %mul3A_308 = arith.mulf %scan3A_214#7, %mul3A_307 : vector<16xf32>
    tpu.vector_store_idx %arg9[%add3A_306], %mul3A_308 : memref<1024xf32, #tpu.memory_space<vmem>>[vector<16xi32>], vector<16xf32>,
    %add3A_309 = arith.constant 256 : i32
    %add3A_310 = arith.addi %mul3A_2, %add3A_309 : i32
    %dma_wait3A_311 = arith.constant 0 : i32
    %dma_wait3A_312 = arith.constant 0 : i32
    %dma_wait3A_313 = tpu.memref_slice %arg7[%dma_wait3A_311, %dma_wait3A_312] : memref<104x128xi32, #tpu.memory_space<vmem>> -> memref<104x128xi32, #tpu.memory_space<vmem>>
    %dma_wait3A_314 = arith.constant 0 : i32
    %dma_wait3A_315 = tpu.memref_slice %arg3[%dma_wait3A_314, %add3A_310] : memref<200x16384xi32, #tpu.memory_space<hbm>> -> memref<104x128xi32, #tpu.memory_space<hbm>>
    %dma_wait3A_316 = arith.constant 0 : i32
    %dma_wait3A_317 = arith.constant 0 : i32
    %dma_wait3A_318 = tpu.memref_slice %arg7[%dma_wait3A_316, %dma_wait3A_317] : memref<104x128xi32, #tpu.memory_space<vmem>> -> memref<104x128xi32, #tpu.memory_space<vmem>>
    %dma_wait3A_319 = arith.constant 0 : i32
    %dma_wait3A_320 = tpu.memref_slice %arg3[%dma_wait3A_319, %add3A_310] : memref<200x16384xi32, #tpu.memory_space<hbm>> -> memref<104x128xi32, #tpu.memory_space<hbm>>
    tpu.wait_dma2 semaphore(%arg12 : memref<!tpu.dma_semaphore, #tpu.memory_space<semaphore_mem>>) src(%dma_wait3A_320 : memref<104x128xi32, #tpu.memory_space<hbm>>) dst(%dma_wait3A_318 : memref<104x128xi32, #tpu.memory_space<vmem>>)
    %scan3A_321 = arith.constant 0 : i32
    %scan3A_322 = arith.constant 104 : i32
    %scan3A_323 = arith.addi %scan3A_321, %scan3A_322 : i32
    %scan3A_324 = arith.constant 1 : i32
    %scan3A_325:8 = scf.for %scan3A_569 = %scan3A_321 to %scan3A_323 step %scan3A_324 iter_args(%scan3A_570 = %broadcast_in_dim3A_29, %scan3A_571 = %broadcast_in_dim3A_29, %scan3A_572 = %broadcast_in_dim3A_29, %scan3A_573 = %broadcast_in_dim3A_29, %scan3A_574 = %broadcast_in_dim3A_29, %scan3A_575 = %broadcast_in_dim3A_29, %scan3A_576 = %broadcast_in_dim3A_29, %scan3A_577 = %broadcast_in_dim3A_29) -> (vector<16xf32>, vector<16xf32>, vector<16xf32>, vector<16xf32>, vector<16xf32>, vector<16xf32>, vector<16xf32>, vector<16xf32>)  : i32 {
      %get3A_578 = arith.index_cast %scan3A_569 : i32 to index
      %get3A_579 = arith.constant 0 : index
      %get3A_580 = tpu.vector_load %arg7[%get3A_578, %get3A_579] {strides = array<i32>} : memref<104x128xi32, #tpu.memory_space<vmem>>, vector<16xi32>,
      %ge3A = arith.constant 50176 : i32
      %ge3A_581 = vector.broadcast %ge3A : i32 to vector<16xi32>
      %ge3A_582 = arith.cmpi sge, %get3A_580, %ge3A_581 : vector<16xi32>
      %jit3A = arith.constant 50176 : i32
      %jit3A_583 = arith.constant 0 : i32
      %broadcast_in_dim3A_584 = vector.broadcast %jit3A : i32 to vector<16xi32>
      %broadcast_in_dim3A_585 = vector.broadcast %jit3A_583 : i32 to vector<16xi32>
      %select_n3A = arith.select %ge3A_582, %broadcast_in_dim3A_584, %broadcast_in_dim3A_585 : vector<16xi1>, vector<16xi32>
      %sub3A = arith.subi %get3A_580, %select_n3A : vector<16xi32>
      %gather3A = tpu.vector_load_idx %arg6[%sub3A] : memref<50176xi32, #tpu.memory_space<vmem>>[vector<16xi32>], vector<16xi32>,
      %and3A = arith.constant -65536 : i32
      %and3A_586 = vector.broadcast %and3A : i32 to vector<16xi32>
      %and3A_587 = arith.andi %gather3A, %and3A_586 : vector<16xi32>
      %shift_left3A = arith.constant 16 : i32
      %shift_left3A_588 = vector.broadcast %shift_left3A : i32 to vector<16xi32>
      %shift_left3A_589 = arith.shli %gather3A, %shift_left3A_588 : vector<16xi32>
      %select_n3A_590 = arith.select %ge3A_582, %and3A_587, %shift_left3A_589 : vector<16xi1>, vector<16xi32>
      %bitcast3A = vector.bitcast %select_n3A_590 : vector<16xi32> to vector<16xf32>
      %add3A_591 = arith.addf %scan3A_570, %bitcast3A : vector<16xf32>
      %get3A_592 = arith.index_cast %scan3A_569 : i32 to index
      %get3A_593 = arith.constant 16 : index
      %get3A_594 = tpu.vector_load %arg7[%get3A_592, %get3A_593] {strides = array<i32>} : memref<104x128xi32, #tpu.memory_space<vmem>>, vector<16xi32>,
      %ge3A_595 = arith.constant 50176 : i32
      %ge3A_596 = vector.broadcast %ge3A_595 : i32 to vector<16xi32>
      %ge3A_597 = arith.cmpi sge, %get3A_594, %ge3A_596 : vector<16xi32>
      %jit3A_598 = arith.constant 50176 : i32
      %jit3A_599 = arith.constant 0 : i32
      %broadcast_in_dim3A_600 = vector.broadcast %jit3A_598 : i32 to vector<16xi32>
      %broadcast_in_dim3A_601 = vector.broadcast %jit3A_599 : i32 to vector<16xi32>
      %select_n3A_602 = arith.select %ge3A_597, %broadcast_in_dim3A_600, %broadcast_in_dim3A_601 : vector<16xi1>, vector<16xi32>
      %sub3A_603 = arith.subi %get3A_594, %select_n3A_602 : vector<16xi32>
      %gather3A_604 = tpu.vector_load_idx %arg6[%sub3A_603] : memref<50176xi32, #tpu.memory_space<vmem>>[vector<16xi32>], vector<16xi32>,
      %and3A_605 = arith.constant -65536 : i32
      %and3A_606 = vector.broadcast %and3A_605 : i32 to vector<16xi32>
      %and3A_607 = arith.andi %gather3A_604, %and3A_606 : vector<16xi32>
      %shift_left3A_608 = arith.constant 16 : i32
      %shift_left3A_609 = vector.broadcast %shift_left3A_608 : i32 to vector<16xi32>
      %shift_left3A_610 = arith.shli %gather3A_604, %shift_left3A_609 : vector<16xi32>
      %select_n3A_611 = arith.select %ge3A_597, %and3A_607, %shift_left3A_610 : vector<16xi1>, vector<16xi32>
      %bitcast3A_612 = vector.bitcast %select_n3A_611 : vector<16xi32> to vector<16xf32>
      %add3A_613 = arith.addf %scan3A_571, %bitcast3A_612 : vector<16xf32>
      %get3A_614 = arith.index_cast %scan3A_569 : i32 to index
      %get3A_615 = arith.constant 32 : index
      %get3A_616 = tpu.vector_load %arg7[%get3A_614, %get3A_615] {strides = array<i32>} : memref<104x128xi32, #tpu.memory_space<vmem>>, vector<16xi32>,
      %ge3A_617 = arith.constant 50176 : i32
      %ge3A_618 = vector.broadcast %ge3A_617 : i32 to vector<16xi32>
      %ge3A_619 = arith.cmpi sge, %get3A_616, %ge3A_618 : vector<16xi32>
      %jit3A_620 = arith.constant 50176 : i32
      %jit3A_621 = arith.constant 0 : i32
      %broadcast_in_dim3A_622 = vector.broadcast %jit3A_620 : i32 to vector<16xi32>
      %broadcast_in_dim3A_623 = vector.broadcast %jit3A_621 : i32 to vector<16xi32>
      %select_n3A_624 = arith.select %ge3A_619, %broadcast_in_dim3A_622, %broadcast_in_dim3A_623 : vector<16xi1>, vector<16xi32>
      %sub3A_625 = arith.subi %get3A_616, %select_n3A_624 : vector<16xi32>
      %gather3A_626 = tpu.vector_load_idx %arg6[%sub3A_625] : memref<50176xi32, #tpu.memory_space<vmem>>[vector<16xi32>], vector<16xi32>,
      %and3A_627 = arith.constant -65536 : i32
      %and3A_628 = vector.broadcast %and3A_627 : i32 to vector<16xi32>
      %and3A_629 = arith.andi %gather3A_626, %and3A_628 : vector<16xi32>
      %shift_left3A_630 = arith.constant 16 : i32
      %shift_left3A_631 = vector.broadcast %shift_left3A_630 : i32 to vector<16xi32>
      %shift_left3A_632 = arith.shli %gather3A_626, %shift_left3A_631 : vector<16xi32>
      %select_n3A_633 = arith.select %ge3A_619, %and3A_629, %shift_left3A_632 : vector<16xi1>, vector<16xi32>
      %bitcast3A_634 = vector.bitcast %select_n3A_633 : vector<16xi32> to vector<16xf32>
      %add3A_635 = arith.addf %scan3A_572, %bitcast3A_634 : vector<16xf32>
      %get3A_636 = arith.index_cast %scan3A_569 : i32 to index
      %get3A_637 = arith.constant 48 : index
      %get3A_638 = tpu.vector_load %arg7[%get3A_636, %get3A_637] {strides = array<i32>} : memref<104x128xi32, #tpu.memory_space<vmem>>, vector<16xi32>,
      %ge3A_639 = arith.constant 50176 : i32
      %ge3A_640 = vector.broadcast %ge3A_639 : i32 to vector<16xi32>
      %ge3A_641 = arith.cmpi sge, %get3A_638, %ge3A_640 : vector<16xi32>
      %jit3A_642 = arith.constant 50176 : i32
      %jit3A_643 = arith.constant 0 : i32
      %broadcast_in_dim3A_644 = vector.broadcast %jit3A_642 : i32 to vector<16xi32>
      %broadcast_in_dim3A_645 = vector.broadcast %jit3A_643 : i32 to vector<16xi32>
      %select_n3A_646 = arith.select %ge3A_641, %broadcast_in_dim3A_644, %broadcast_in_dim3A_645 : vector<16xi1>, vector<16xi32>
      %sub3A_647 = arith.subi %get3A_638, %select_n3A_646 : vector<16xi32>
      %gather3A_648 = tpu.vector_load_idx %arg6[%sub3A_647] : memref<50176xi32, #tpu.memory_space<vmem>>[vector<16xi32>], vector<16xi32>,
      %and3A_649 = arith.constant -65536 : i32
      %and3A_650 = vector.broadcast %and3A_649 : i32 to vector<16xi32>
      %and3A_651 = arith.andi %gather3A_648, %and3A_650 : vector<16xi32>
      %shift_left3A_652 = arith.constant 16 : i32
      %shift_left3A_653 = vector.broadcast %shift_left3A_652 : i32 to vector<16xi32>
      %shift_left3A_654 = arith.shli %gather3A_648, %shift_left3A_653 : vector<16xi32>
      %select_n3A_655 = arith.select %ge3A_641, %and3A_651, %shift_left3A_654 : vector<16xi1>, vector<16xi32>
      %bitcast3A_656 = vector.bitcast %select_n3A_655 : vector<16xi32> to vector<16xf32>
      %add3A_657 = arith.addf %scan3A_573, %bitcast3A_656 : vector<16xf32>
      %get3A_658 = arith.index_cast %scan3A_569 : i32 to index
      %get3A_659 = arith.constant 64 : index
      %get3A_660 = tpu.vector_load %arg7[%get3A_658, %get3A_659] {strides = array<i32>} : memref<104x128xi32, #tpu.memory_space<vmem>>, vector<16xi32>,
      %ge3A_661 = arith.constant 50176 : i32
      %ge3A_662 = vector.broadcast %ge3A_661 : i32 to vector<16xi32>
      %ge3A_663 = arith.cmpi sge, %get3A_660, %ge3A_662 : vector<16xi32>
      %jit3A_664 = arith.constant 50176 : i32
      %jit3A_665 = arith.constant 0 : i32
      %broadcast_in_dim3A_666 = vector.broadcast %jit3A_664 : i32 to vector<16xi32>
      %broadcast_in_dim3A_667 = vector.broadcast %jit3A_665 : i32 to vector<16xi32>
      %select_n3A_668 = arith.select %ge3A_663, %broadcast_in_dim3A_666, %broadcast_in_dim3A_667 : vector<16xi1>, vector<16xi32>
      %sub3A_669 = arith.subi %get3A_660, %select_n3A_668 : vector<16xi32>
      %gather3A_670 = tpu.vector_load_idx %arg6[%sub3A_669] : memref<50176xi32, #tpu.memory_space<vmem>>[vector<16xi32>], vector<16xi32>,
      %and3A_671 = arith.constant -65536 : i32
      %and3A_672 = vector.broadcast %and3A_671 : i32 to vector<16xi32>
      %and3A_673 = arith.andi %gather3A_670, %and3A_672 : vector<16xi32>
      %shift_left3A_674 = arith.constant 16 : i32
      %shift_left3A_675 = vector.broadcast %shift_left3A_674 : i32 to vector<16xi32>
      %shift_left3A_676 = arith.shli %gather3A_670, %shift_left3A_675 : vector<16xi32>
      %select_n3A_677 = arith.select %ge3A_663, %and3A_673, %shift_left3A_676 : vector<16xi1>, vector<16xi32>
      %bitcast3A_678 = vector.bitcast %select_n3A_677 : vector<16xi32> to vector<16xf32>
      %add3A_679 = arith.addf %scan3A_574, %bitcast3A_678 : vector<16xf32>
      %get3A_680 = arith.index_cast %scan3A_569 : i32 to index
      %get3A_681 = arith.constant 80 : index
      %get3A_682 = tpu.vector_load %arg7[%get3A_680, %get3A_681] {strides = array<i32>} : memref<104x128xi32, #tpu.memory_space<vmem>>, vector<16xi32>,
      %ge3A_683 = arith.constant 50176 : i32
      %ge3A_684 = vector.broadcast %ge3A_683 : i32 to vector<16xi32>
      %ge3A_685 = arith.cmpi sge, %get3A_682, %ge3A_684 : vector<16xi32>
      %jit3A_686 = arith.constant 50176 : i32
      %jit3A_687 = arith.constant 0 : i32
      %broadcast_in_dim3A_688 = vector.broadcast %jit3A_686 : i32 to vector<16xi32>
      %broadcast_in_dim3A_689 = vector.broadcast %jit3A_687 : i32 to vector<16xi32>
      %select_n3A_690 = arith.select %ge3A_685, %broadcast_in_dim3A_688, %broadcast_in_dim3A_689 : vector<16xi1>, vector<16xi32>
      %sub3A_691 = arith.subi %get3A_682, %select_n3A_690 : vector<16xi32>
      %gather3A_692 = tpu.vector_load_idx %arg6[%sub3A_691] : memref<50176xi32, #tpu.memory_space<vmem>>[vector<16xi32>], vector<16xi32>,
      %and3A_693 = arith.constant -65536 : i32
      %and3A_694 = vector.broadcast %and3A_693 : i32 to vector<16xi32>
      %and3A_695 = arith.andi %gather3A_692, %and3A_694 : vector<16xi32>
      %shift_left3A_696 = arith.constant 16 : i32
      %shift_left3A_697 = vector.broadcast %shift_left3A_696 : i32 to vector<16xi32>
      %shift_left3A_698 = arith.shli %gather3A_692, %shift_left3A_697 : vector<16xi32>
      %select_n3A_699 = arith.select %ge3A_685, %and3A_695, %shift_left3A_698 : vector<16xi1>, vector<16xi32>
      %bitcast3A_700 = vector.bitcast %select_n3A_699 : vector<16xi32> to vector<16xf32>
      %add3A_701 = arith.addf %scan3A_575, %bitcast3A_700 : vector<16xf32>
      %get3A_702 = arith.index_cast %scan3A_569 : i32 to index
      %get3A_703 = arith.constant 96 : index
      %get3A_704 = tpu.vector_load %arg7[%get3A_702, %get3A_703] {strides = array<i32>} : memref<104x128xi32, #tpu.memory_space<vmem>>, vector<16xi32>,
      %ge3A_705 = arith.constant 50176 : i32
      %ge3A_706 = vector.broadcast %ge3A_705 : i32 to vector<16xi32>
      %ge3A_707 = arith.cmpi sge, %get3A_704, %ge3A_706 : vector<16xi32>
      %jit3A_708 = arith.constant 50176 : i32
      %jit3A_709 = arith.constant 0 : i32
      %broadcast_in_dim3A_710 = vector.broadcast %jit3A_708 : i32 to vector<16xi32>
      %broadcast_in_dim3A_711 = vector.broadcast %jit3A_709 : i32 to vector<16xi32>
      %select_n3A_712 = arith.select %ge3A_707, %broadcast_in_dim3A_710, %broadcast_in_dim3A_711 : vector<16xi1>, vector<16xi32>
      %sub3A_713 = arith.subi %get3A_704, %select_n3A_712 : vector<16xi32>
      %gather3A_714 = tpu.vector_load_idx %arg6[%sub3A_713] : memref<50176xi32, #tpu.memory_space<vmem>>[vector<16xi32>], vector<16xi32>,
      %and3A_715 = arith.constant -65536 : i32
      %and3A_716 = vector.broadcast %and3A_715 : i32 to vector<16xi32>
      %and3A_717 = arith.andi %gather3A_714, %and3A_716 : vector<16xi32>
      %shift_left3A_718 = arith.constant 16 : i32
      %shift_left3A_719 = vector.broadcast %shift_left3A_718 : i32 to vector<16xi32>
      %shift_left3A_720 = arith.shli %gather3A_714, %shift_left3A_719 : vector<16xi32>
      %select_n3A_721 = arith.select %ge3A_707, %and3A_717, %shift_left3A_720 : vector<16xi1>, vector<16xi32>
      %bitcast3A_722 = vector.bitcast %select_n3A_721 : vector<16xi32> to vector<16xf32>
      %add3A_723 = arith.addf %scan3A_576, %bitcast3A_722 : vector<16xf32>
      %get3A_724 = arith.index_cast %scan3A_569 : i32 to index
      %get3A_725 = arith.constant 112 : index
      %get3A_726 = tpu.vector_load %arg7[%get3A_724, %get3A_725] {strides = array<i32>} : memref<104x128xi32, #tpu.memory_space<vmem>>, vector<16xi32>,
      %ge3A_727 = arith.constant 50176 : i32
      %ge3A_728 = vector.broadcast %ge3A_727 : i32 to vector<16xi32>
      %ge3A_729 = arith.cmpi sge, %get3A_726, %ge3A_728 : vector<16xi32>
      %jit3A_730 = arith.constant 50176 : i32
      %jit3A_731 = arith.constant 0 : i32
      %broadcast_in_dim3A_732 = vector.broadcast %jit3A_730 : i32 to vector<16xi32>
      %broadcast_in_dim3A_733 = vector.broadcast %jit3A_731 : i32 to vector<16xi32>
      %select_n3A_734 = arith.select %ge3A_729, %broadcast_in_dim3A_732, %broadcast_in_dim3A_733 : vector<16xi1>, vector<16xi32>
      %sub3A_735 = arith.subi %get3A_726, %select_n3A_734 : vector<16xi32>
      %gather3A_736 = tpu.vector_load_idx %arg6[%sub3A_735] : memref<50176xi32, #tpu.memory_space<vmem>>[vector<16xi32>], vector<16xi32>,
      %and3A_737 = arith.constant -65536 : i32
      %and3A_738 = vector.broadcast %and3A_737 : i32 to vector<16xi32>
      %and3A_739 = arith.andi %gather3A_736, %and3A_738 : vector<16xi32>
      %shift_left3A_740 = arith.constant 16 : i32
      %shift_left3A_741 = vector.broadcast %shift_left3A_740 : i32 to vector<16xi32>
      %shift_left3A_742 = arith.shli %gather3A_736, %shift_left3A_741 : vector<16xi32>
      %select_n3A_743 = arith.select %ge3A_729, %and3A_739, %shift_left3A_742 : vector<16xi1>, vector<16xi32>
      %bitcast3A_744 = vector.bitcast %select_n3A_743 : vector<16xi32> to vector<16xf32>
      %add3A_745 = arith.addf %scan3A_577, %bitcast3A_744 : vector<16xf32>
      scf.yield %add3A_591, %add3A_613, %add3A_635, %add3A_657, %add3A_679, %add3A_701, %add3A_723, %add3A_745 : vector<16xf32>, vector<16xf32>, vector<16xf32>, vector<16xf32>, vector<16xf32>, vector<16xf32>, vector<16xf32>, vector<16xf32>
    }
    %scan3A_326 = arith.constant 104 : i32
    %add3A_327 = arith.constant 384 : i32
    %add3A_328 = arith.addi %mul3A_2, %add3A_327 : i32
    %dma_start3A_329 = arith.constant 0 : i32
    %dma_start3A_330 = arith.constant 0 : i32
    %dma_start3A_331 = tpu.memref_slice %arg7[%dma_start3A_329, %dma_start3A_330] : memref<104x128xi32, #tpu.memory_space<vmem>> -> memref<104x128xi32, #tpu.memory_space<vmem>>
    %dma_start3A_332 = arith.constant 0 : i32
    %dma_start3A_333 = tpu.memref_slice %arg3[%dma_start3A_332, %add3A_328] : memref<200x16384xi32, #tpu.memory_space<hbm>> -> memref<104x128xi32, #tpu.memory_space<hbm>>
    %dma_start3A_334 = arith.constant 0 : i32
    %dma_start3A_335 = arith.constant 0 : i32
    %dma_start3A_336 = tpu.memref_slice %arg7[%dma_start3A_334, %dma_start3A_335] : memref<104x128xi32, #tpu.memory_space<vmem>> -> memref<104x128xi32, #tpu.memory_space<vmem>>
    %dma_start3A_337 = arith.constant 0 : i32
    %dma_start3A_338 = tpu.memref_slice %arg3[%dma_start3A_337, %add3A_328] : memref<200x16384xi32, #tpu.memory_space<hbm>> -> memref<104x128xi32, #tpu.memory_space<hbm>>
    tpu.enqueue_dma source(%dma_start3A_338 : memref<104x128xi32, #tpu.memory_space<hbm>>) target(%dma_start3A_336 : memref<104x128xi32, #tpu.memory_space<vmem>>) target_semaphore(%arg12 : memref<!tpu.dma_semaphore, #tpu.memory_space<semaphore_mem>>)
    %add3A_339 = arith.constant 256 : i32
    %add3A_340 = arith.addi %mul3A_2, %add3A_339 : i32
    %dma_wait3A_341 = arith.constant 0 : i32
    %dma_wait3A_342 = arith.constant 0 : i32
    %dma_wait3A_343 = tpu.memref_slice %arg8[%dma_wait3A_341, %dma_wait3A_342] : memref<104x128xi32, #tpu.memory_space<vmem>> -> memref<96x128xi32, #tpu.memory_space<vmem>>
    %dma_wait3A_344 = arith.constant 104 : i32
    %dma_wait3A_345 = tpu.memref_slice %arg3[%dma_wait3A_344, %add3A_340] : memref<200x16384xi32, #tpu.memory_space<hbm>> -> memref<96x128xi32, #tpu.memory_space<hbm>>
    %dma_wait3A_346 = arith.constant 0 : i32
    %dma_wait3A_347 = arith.constant 0 : i32
    %dma_wait3A_348 = tpu.memref_slice %arg8[%dma_wait3A_346, %dma_wait3A_347] : memref<104x128xi32, #tpu.memory_space<vmem>> -> memref<96x128xi32, #tpu.memory_space<vmem>>
    %dma_wait3A_349 = arith.constant 104 : i32
    %dma_wait3A_350 = tpu.memref_slice %arg3[%dma_wait3A_349, %add3A_340] : memref<200x16384xi32, #tpu.memory_space<hbm>> -> memref<96x128xi32, #tpu.memory_space<hbm>>
    tpu.wait_dma2 semaphore(%arg13 : memref<!tpu.dma_semaphore, #tpu.memory_space<semaphore_mem>>) src(%dma_wait3A_350 : memref<96x128xi32, #tpu.memory_space<hbm>>) dst(%dma_wait3A_348 : memref<96x128xi32, #tpu.memory_space<vmem>>)
    %scan3A_351 = arith.constant 0 : i32
    %scan3A_352 = arith.constant 96 : i32
    %scan3A_353 = arith.addi %scan3A_351, %scan3A_352 : i32
    %scan3A_354 = arith.constant 1 : i32
    %scan3A_355:8 = scf.for %scan3A_569 = %scan3A_351 to %scan3A_353 step %scan3A_354 iter_args(%scan3A_570 = %scan3A_325#0, %scan3A_571 = %scan3A_325#1, %scan3A_572 = %scan3A_325#2, %scan3A_573 = %scan3A_325#3, %scan3A_574 = %scan3A_325#4, %scan3A_575 = %scan3A_325#5, %scan3A_576 = %scan3A_325#6, %scan3A_577 = %scan3A_325#7) -> (vector<16xf32>, vector<16xf32>, vector<16xf32>, vector<16xf32>, vector<16xf32>, vector<16xf32>, vector<16xf32>, vector<16xf32>)  : i32 {
      %get3A_578 = arith.index_cast %scan3A_569 : i32 to index
      %get3A_579 = arith.constant 0 : index
      %get3A_580 = tpu.vector_load %arg8[%get3A_578, %get3A_579] {strides = array<i32>} : memref<104x128xi32, #tpu.memory_space<vmem>>, vector<16xi32>,
      %ge3A = arith.constant 50176 : i32
      %ge3A_581 = vector.broadcast %ge3A : i32 to vector<16xi32>
      %ge3A_582 = arith.cmpi sge, %get3A_580, %ge3A_581 : vector<16xi32>
      %jit3A = arith.constant 50176 : i32
      %jit3A_583 = arith.constant 0 : i32
      %broadcast_in_dim3A_584 = vector.broadcast %jit3A : i32 to vector<16xi32>
      %broadcast_in_dim3A_585 = vector.broadcast %jit3A_583 : i32 to vector<16xi32>
      %select_n3A = arith.select %ge3A_582, %broadcast_in_dim3A_584, %broadcast_in_dim3A_585 : vector<16xi1>, vector<16xi32>
      %sub3A = arith.subi %get3A_580, %select_n3A : vector<16xi32>
      %gather3A = tpu.vector_load_idx %arg6[%sub3A] : memref<50176xi32, #tpu.memory_space<vmem>>[vector<16xi32>], vector<16xi32>,
      %and3A = arith.constant -65536 : i32
      %and3A_586 = vector.broadcast %and3A : i32 to vector<16xi32>
      %and3A_587 = arith.andi %gather3A, %and3A_586 : vector<16xi32>
      %shift_left3A = arith.constant 16 : i32
      %shift_left3A_588 = vector.broadcast %shift_left3A : i32 to vector<16xi32>
      %shift_left3A_589 = arith.shli %gather3A, %shift_left3A_588 : vector<16xi32>
      %select_n3A_590 = arith.select %ge3A_582, %and3A_587, %shift_left3A_589 : vector<16xi1>, vector<16xi32>
      %bitcast3A = vector.bitcast %select_n3A_590 : vector<16xi32> to vector<16xf32>
      %add3A_591 = arith.addf %scan3A_570, %bitcast3A : vector<16xf32>
      %get3A_592 = arith.index_cast %scan3A_569 : i32 to index
      %get3A_593 = arith.constant 16 : index
      %get3A_594 = tpu.vector_load %arg8[%get3A_592, %get3A_593] {strides = array<i32>} : memref<104x128xi32, #tpu.memory_space<vmem>>, vector<16xi32>,
      %ge3A_595 = arith.constant 50176 : i32
      %ge3A_596 = vector.broadcast %ge3A_595 : i32 to vector<16xi32>
      %ge3A_597 = arith.cmpi sge, %get3A_594, %ge3A_596 : vector<16xi32>
      %jit3A_598 = arith.constant 50176 : i32
      %jit3A_599 = arith.constant 0 : i32
      %broadcast_in_dim3A_600 = vector.broadcast %jit3A_598 : i32 to vector<16xi32>
      %broadcast_in_dim3A_601 = vector.broadcast %jit3A_599 : i32 to vector<16xi32>
      %select_n3A_602 = arith.select %ge3A_597, %broadcast_in_dim3A_600, %broadcast_in_dim3A_601 : vector<16xi1>, vector<16xi32>
      %sub3A_603 = arith.subi %get3A_594, %select_n3A_602 : vector<16xi32>
      %gather3A_604 = tpu.vector_load_idx %arg6[%sub3A_603] : memref<50176xi32, #tpu.memory_space<vmem>>[vector<16xi32>], vector<16xi32>,
      %and3A_605 = arith.constant -65536 : i32
      %and3A_606 = vector.broadcast %and3A_605 : i32 to vector<16xi32>
      %and3A_607 = arith.andi %gather3A_604, %and3A_606 : vector<16xi32>
      %shift_left3A_608 = arith.constant 16 : i32
      %shift_left3A_609 = vector.broadcast %shift_left3A_608 : i32 to vector<16xi32>
      %shift_left3A_610 = arith.shli %gather3A_604, %shift_left3A_609 : vector<16xi32>
      %select_n3A_611 = arith.select %ge3A_597, %and3A_607, %shift_left3A_610 : vector<16xi1>, vector<16xi32>
      %bitcast3A_612 = vector.bitcast %select_n3A_611 : vector<16xi32> to vector<16xf32>
      %add3A_613 = arith.addf %scan3A_571, %bitcast3A_612 : vector<16xf32>
      %get3A_614 = arith.index_cast %scan3A_569 : i32 to index
      %get3A_615 = arith.constant 32 : index
      %get3A_616 = tpu.vector_load %arg8[%get3A_614, %get3A_615] {strides = array<i32>} : memref<104x128xi32, #tpu.memory_space<vmem>>, vector<16xi32>,
      %ge3A_617 = arith.constant 50176 : i32
      %ge3A_618 = vector.broadcast %ge3A_617 : i32 to vector<16xi32>
      %ge3A_619 = arith.cmpi sge, %get3A_616, %ge3A_618 : vector<16xi32>
      %jit3A_620 = arith.constant 50176 : i32
      %jit3A_621 = arith.constant 0 : i32
      %broadcast_in_dim3A_622 = vector.broadcast %jit3A_620 : i32 to vector<16xi32>
      %broadcast_in_dim3A_623 = vector.broadcast %jit3A_621 : i32 to vector<16xi32>
      %select_n3A_624 = arith.select %ge3A_619, %broadcast_in_dim3A_622, %broadcast_in_dim3A_623 : vector<16xi1>, vector<16xi32>
      %sub3A_625 = arith.subi %get3A_616, %select_n3A_624 : vector<16xi32>
      %gather3A_626 = tpu.vector_load_idx %arg6[%sub3A_625] : memref<50176xi32, #tpu.memory_space<vmem>>[vector<16xi32>], vector<16xi32>,
      %and3A_627 = arith.constant -65536 : i32
      %and3A_628 = vector.broadcast %and3A_627 : i32 to vector<16xi32>
      %and3A_629 = arith.andi %gather3A_626, %and3A_628 : vector<16xi32>
      %shift_left3A_630 = arith.constant 16 : i32
      %shift_left3A_631 = vector.broadcast %shift_left3A_630 : i32 to vector<16xi32>
      %shift_left3A_632 = arith.shli %gather3A_626, %shift_left3A_631 : vector<16xi32>
      %select_n3A_633 = arith.select %ge3A_619, %and3A_629, %shift_left3A_632 : vector<16xi1>, vector<16xi32>
      %bitcast3A_634 = vector.bitcast %select_n3A_633 : vector<16xi32> to vector<16xf32>
      %add3A_635 = arith.addf %scan3A_572, %bitcast3A_634 : vector<16xf32>
      %get3A_636 = arith.index_cast %scan3A_569 : i32 to index
      %get3A_637 = arith.constant 48 : index
      %get3A_638 = tpu.vector_load %arg8[%get3A_636, %get3A_637] {strides = array<i32>} : memref<104x128xi32, #tpu.memory_space<vmem>>, vector<16xi32>,
      %ge3A_639 = arith.constant 50176 : i32
      %ge3A_640 = vector.broadcast %ge3A_639 : i32 to vector<16xi32>
      %ge3A_641 = arith.cmpi sge, %get3A_638, %ge3A_640 : vector<16xi32>
      %jit3A_642 = arith.constant 50176 : i32
      %jit3A_643 = arith.constant 0 : i32
      %broadcast_in_dim3A_644 = vector.broadcast %jit3A_642 : i32 to vector<16xi32>
      %broadcast_in_dim3A_645 = vector.broadcast %jit3A_643 : i32 to vector<16xi32>
      %select_n3A_646 = arith.select %ge3A_641, %broadcast_in_dim3A_644, %broadcast_in_dim3A_645 : vector<16xi1>, vector<16xi32>
      %sub3A_647 = arith.subi %get3A_638, %select_n3A_646 : vector<16xi32>
      %gather3A_648 = tpu.vector_load_idx %arg6[%sub3A_647] : memref<50176xi32, #tpu.memory_space<vmem>>[vector<16xi32>], vector<16xi32>,
      %and3A_649 = arith.constant -65536 : i32
      %and3A_650 = vector.broadcast %and3A_649 : i32 to vector<16xi32>
      %and3A_651 = arith.andi %gather3A_648, %and3A_650 : vector<16xi32>
      %shift_left3A_652 = arith.constant 16 : i32
      %shift_left3A_653 = vector.broadcast %shift_left3A_652 : i32 to vector<16xi32>
      %shift_left3A_654 = arith.shli %gather3A_648, %shift_left3A_653 : vector<16xi32>
      %select_n3A_655 = arith.select %ge3A_641, %and3A_651, %shift_left3A_654 : vector<16xi1>, vector<16xi32>
      %bitcast3A_656 = vector.bitcast %select_n3A_655 : vector<16xi32> to vector<16xf32>
      %add3A_657 = arith.addf %scan3A_573, %bitcast3A_656 : vector<16xf32>
      %get3A_658 = arith.index_cast %scan3A_569 : i32 to index
      %get3A_659 = arith.constant 64 : index
      %get3A_660 = tpu.vector_load %arg8[%get3A_658, %get3A_659] {strides = array<i32>} : memref<104x128xi32, #tpu.memory_space<vmem>>, vector<16xi32>,
      %ge3A_661 = arith.constant 50176 : i32
      %ge3A_662 = vector.broadcast %ge3A_661 : i32 to vector<16xi32>
      %ge3A_663 = arith.cmpi sge, %get3A_660, %ge3A_662 : vector<16xi32>
      %jit3A_664 = arith.constant 50176 : i32
      %jit3A_665 = arith.constant 0 : i32
      %broadcast_in_dim3A_666 = vector.broadcast %jit3A_664 : i32 to vector<16xi32>
      %broadcast_in_dim3A_667 = vector.broadcast %jit3A_665 : i32 to vector<16xi32>
      %select_n3A_668 = arith.select %ge3A_663, %broadcast_in_dim3A_666, %broadcast_in_dim3A_667 : vector<16xi1>, vector<16xi32>
      %sub3A_669 = arith.subi %get3A_660, %select_n3A_668 : vector<16xi32>
      %gather3A_670 = tpu.vector_load_idx %arg6[%sub3A_669] : memref<50176xi32, #tpu.memory_space<vmem>>[vector<16xi32>], vector<16xi32>,
      %and3A_671 = arith.constant -65536 : i32
      %and3A_672 = vector.broadcast %and3A_671 : i32 to vector<16xi32>
      %and3A_673 = arith.andi %gather3A_670, %and3A_672 : vector<16xi32>
      %shift_left3A_674 = arith.constant 16 : i32
      %shift_left3A_675 = vector.broadcast %shift_left3A_674 : i32 to vector<16xi32>
      %shift_left3A_676 = arith.shli %gather3A_670, %shift_left3A_675 : vector<16xi32>
      %select_n3A_677 = arith.select %ge3A_663, %and3A_673, %shift_left3A_676 : vector<16xi1>, vector<16xi32>
      %bitcast3A_678 = vector.bitcast %select_n3A_677 : vector<16xi32> to vector<16xf32>
      %add3A_679 = arith.addf %scan3A_574, %bitcast3A_678 : vector<16xf32>
      %get3A_680 = arith.index_cast %scan3A_569 : i32 to index
      %get3A_681 = arith.constant 80 : index
      %get3A_682 = tpu.vector_load %arg8[%get3A_680, %get3A_681] {strides = array<i32>} : memref<104x128xi32, #tpu.memory_space<vmem>>, vector<16xi32>,
      %ge3A_683 = arith.constant 50176 : i32
      %ge3A_684 = vector.broadcast %ge3A_683 : i32 to vector<16xi32>
      %ge3A_685 = arith.cmpi sge, %get3A_682, %ge3A_684 : vector<16xi32>
      %jit3A_686 = arith.constant 50176 : i32
      %jit3A_687 = arith.constant 0 : i32
      %broadcast_in_dim3A_688 = vector.broadcast %jit3A_686 : i32 to vector<16xi32>
      %broadcast_in_dim3A_689 = vector.broadcast %jit3A_687 : i32 to vector<16xi32>
      %select_n3A_690 = arith.select %ge3A_685, %broadcast_in_dim3A_688, %broadcast_in_dim3A_689 : vector<16xi1>, vector<16xi32>
      %sub3A_691 = arith.subi %get3A_682, %select_n3A_690 : vector<16xi32>
      %gather3A_692 = tpu.vector_load_idx %arg6[%sub3A_691] : memref<50176xi32, #tpu.memory_space<vmem>>[vector<16xi32>], vector<16xi32>,
      %and3A_693 = arith.constant -65536 : i32
      %and3A_694 = vector.broadcast %and3A_693 : i32 to vector<16xi32>
      %and3A_695 = arith.andi %gather3A_692, %and3A_694 : vector<16xi32>
      %shift_left3A_696 = arith.constant 16 : i32
      %shift_left3A_697 = vector.broadcast %shift_left3A_696 : i32 to vector<16xi32>
      %shift_left3A_698 = arith.shli %gather3A_692, %shift_left3A_697 : vector<16xi32>
      %select_n3A_699 = arith.select %ge3A_685, %and3A_695, %shift_left3A_698 : vector<16xi1>, vector<16xi32>
      %bitcast3A_700 = vector.bitcast %select_n3A_699 : vector<16xi32> to vector<16xf32>
      %add3A_701 = arith.addf %scan3A_575, %bitcast3A_700 : vector<16xf32>
      %get3A_702 = arith.index_cast %scan3A_569 : i32 to index
      %get3A_703 = arith.constant 96 : index
      %get3A_704 = tpu.vector_load %arg8[%get3A_702, %get3A_703] {strides = array<i32>} : memref<104x128xi32, #tpu.memory_space<vmem>>, vector<16xi32>,
      %ge3A_705 = arith.constant 50176 : i32
      %ge3A_706 = vector.broadcast %ge3A_705 : i32 to vector<16xi32>
      %ge3A_707 = arith.cmpi sge, %get3A_704, %ge3A_706 : vector<16xi32>
      %jit3A_708 = arith.constant 50176 : i32
      %jit3A_709 = arith.constant 0 : i32
      %broadcast_in_dim3A_710 = vector.broadcast %jit3A_708 : i32 to vector<16xi32>
      %broadcast_in_dim3A_711 = vector.broadcast %jit3A_709 : i32 to vector<16xi32>
      %select_n3A_712 = arith.select %ge3A_707, %broadcast_in_dim3A_710, %broadcast_in_dim3A_711 : vector<16xi1>, vector<16xi32>
      %sub3A_713 = arith.subi %get3A_704, %select_n3A_712 : vector<16xi32>
      %gather3A_714 = tpu.vector_load_idx %arg6[%sub3A_713] : memref<50176xi32, #tpu.memory_space<vmem>>[vector<16xi32>], vector<16xi32>,
      %and3A_715 = arith.constant -65536 : i32
      %and3A_716 = vector.broadcast %and3A_715 : i32 to vector<16xi32>
      %and3A_717 = arith.andi %gather3A_714, %and3A_716 : vector<16xi32>
      %shift_left3A_718 = arith.constant 16 : i32
      %shift_left3A_719 = vector.broadcast %shift_left3A_718 : i32 to vector<16xi32>
      %shift_left3A_720 = arith.shli %gather3A_714, %shift_left3A_719 : vector<16xi32>
      %select_n3A_721 = arith.select %ge3A_707, %and3A_717, %shift_left3A_720 : vector<16xi1>, vector<16xi32>
      %bitcast3A_722 = vector.bitcast %select_n3A_721 : vector<16xi32> to vector<16xf32>
      %add3A_723 = arith.addf %scan3A_576, %bitcast3A_722 : vector<16xf32>
      %get3A_724 = arith.index_cast %scan3A_569 : i32 to index
      %get3A_725 = arith.constant 112 : index
      %get3A_726 = tpu.vector_load %arg8[%get3A_724, %get3A_725] {strides = array<i32>} : memref<104x128xi32, #tpu.memory_space<vmem>>, vector<16xi32>,
      %ge3A_727 = arith.constant 50176 : i32
      %ge3A_728 = vector.broadcast %ge3A_727 : i32 to vector<16xi32>
      %ge3A_729 = arith.cmpi sge, %get3A_726, %ge3A_728 : vector<16xi32>
      %jit3A_730 = arith.constant 50176 : i32
      %jit3A_731 = arith.constant 0 : i32
      %broadcast_in_dim3A_732 = vector.broadcast %jit3A_730 : i32 to vector<16xi32>
      %broadcast_in_dim3A_733 = vector.broadcast %jit3A_731 : i32 to vector<16xi32>
      %select_n3A_734 = arith.select %ge3A_729, %broadcast_in_dim3A_732, %broadcast_in_dim3A_733 : vector<16xi1>, vector<16xi32>
      %sub3A_735 = arith.subi %get3A_726, %select_n3A_734 : vector<16xi32>
      %gather3A_736 = tpu.vector_load_idx %arg6[%sub3A_735] : memref<50176xi32, #tpu.memory_space<vmem>>[vector<16xi32>], vector<16xi32>,
      %and3A_737 = arith.constant -65536 : i32
      %and3A_738 = vector.broadcast %and3A_737 : i32 to vector<16xi32>
      %and3A_739 = arith.andi %gather3A_736, %and3A_738 : vector<16xi32>
      %shift_left3A_740 = arith.constant 16 : i32
      %shift_left3A_741 = vector.broadcast %shift_left3A_740 : i32 to vector<16xi32>
      %shift_left3A_742 = arith.shli %gather3A_736, %shift_left3A_741 : vector<16xi32>
      %select_n3A_743 = arith.select %ge3A_729, %and3A_739, %shift_left3A_742 : vector<16xi1>, vector<16xi32>
      %bitcast3A_744 = vector.bitcast %select_n3A_743 : vector<16xi32> to vector<16xf32>
      %add3A_745 = arith.addf %scan3A_577, %bitcast3A_744 : vector<16xf32>
      scf.yield %add3A_591, %add3A_613, %add3A_635, %add3A_657, %add3A_679, %add3A_701, %add3A_723, %add3A_745 : vector<16xf32>, vector<16xf32>, vector<16xf32>, vector<16xf32>, vector<16xf32>, vector<16xf32>, vector<16xf32>, vector<16xf32>
    }
    %scan3A_356 = arith.constant 96 : i32
    %add3A_357 = arith.constant 384 : i32
    %add3A_358 = arith.addi %mul3A_2, %add3A_357 : i32
    %dma_start3A_359 = arith.constant 0 : i32
    %dma_start3A_360 = arith.constant 0 : i32
    %dma_start3A_361 = tpu.memref_slice %arg8[%dma_start3A_359, %dma_start3A_360] : memref<104x128xi32, #tpu.memory_space<vmem>> -> memref<96x128xi32, #tpu.memory_space<vmem>>
    %dma_start3A_362 = arith.constant 104 : i32
    %dma_start3A_363 = tpu.memref_slice %arg3[%dma_start3A_362, %add3A_358] : memref<200x16384xi32, #tpu.memory_space<hbm>> -> memref<96x128xi32, #tpu.memory_space<hbm>>
    %dma_start3A_364 = arith.constant 0 : i32
    %dma_start3A_365 = arith.constant 0 : i32
    %dma_start3A_366 = tpu.memref_slice %arg8[%dma_start3A_364, %dma_start3A_365] : memref<104x128xi32, #tpu.memory_space<vmem>> -> memref<96x128xi32, #tpu.memory_space<vmem>>
    %dma_start3A_367 = arith.constant 104 : i32
    %dma_start3A_368 = tpu.memref_slice %arg3[%dma_start3A_367, %add3A_358] : memref<200x16384xi32, #tpu.memory_space<hbm>> -> memref<96x128xi32, #tpu.memory_space<hbm>>
    tpu.enqueue_dma source(%dma_start3A_368 : memref<96x128xi32, #tpu.memory_space<hbm>>) target(%dma_start3A_366 : memref<96x128xi32, #tpu.memory_space<vmem>>) target_semaphore(%arg13 : memref<!tpu.dma_semaphore, #tpu.memory_space<semaphore_mem>>)
    %iota3A_369 = tpu.iota {dimensions = array<i32: 0>} : vector<16xi32>
    %add3A_370 = arith.constant 512 : i32
    %add3A_371 = vector.broadcast %add3A_370 : i32 to vector<16xi32>
    %add3A_372 = arith.addi %add3A_371, %iota3A_369 : vector<16xi32>
    %mul3A_373 = vector.broadcast %squeeze3A : f32 to vector<16xf32>
    %mul3A_374 = arith.mulf %scan3A_355#0, %mul3A_373 : vector<16xf32>
    tpu.vector_store_idx %arg9[%add3A_372], %mul3A_374 : memref<1024xf32, #tpu.memory_space<vmem>>[vector<16xi32>], vector<16xf32>,
    %add3A_375 = arith.constant 128 : i32
    %add3A_376 = vector.broadcast %add3A_375 : i32 to vector<16xi32>
    %add3A_377 = arith.addi %add3A_372, %add3A_376 : vector<16xi32>
    %mul3A_378 = vector.broadcast %squeeze3A_28 : f32 to vector<16xf32>
    %mul3A_379 = arith.mulf %scan3A_355#0, %mul3A_378 : vector<16xf32>
    tpu.vector_store_idx %arg9[%add3A_377], %mul3A_379 : memref<1024xf32, #tpu.memory_space<vmem>>[vector<16xi32>], vector<16xf32>,
    %add3A_380 = arith.constant 528 : i32
    %add3A_381 = vector.broadcast %add3A_380 : i32 to vector<16xi32>
    %add3A_382 = arith.addi %add3A_381, %iota3A_369 : vector<16xi32>
    %mul3A_383 = vector.broadcast %squeeze3A : f32 to vector<16xf32>
    %mul3A_384 = arith.mulf %scan3A_355#1, %mul3A_383 : vector<16xf32>
    tpu.vector_store_idx %arg9[%add3A_382], %mul3A_384 : memref<1024xf32, #tpu.memory_space<vmem>>[vector<16xi32>], vector<16xf32>,
    %add3A_385 = arith.constant 128 : i32
    %add3A_386 = vector.broadcast %add3A_385 : i32 to vector<16xi32>
    %add3A_387 = arith.addi %add3A_382, %add3A_386 : vector<16xi32>
    %mul3A_388 = vector.broadcast %squeeze3A_28 : f32 to vector<16xf32>
    %mul3A_389 = arith.mulf %scan3A_355#1, %mul3A_388 : vector<16xf32>
    tpu.vector_store_idx %arg9[%add3A_387], %mul3A_389 : memref<1024xf32, #tpu.memory_space<vmem>>[vector<16xi32>], vector<16xf32>,
    %add3A_390 = arith.constant 544 : i32
    %add3A_391 = vector.broadcast %add3A_390 : i32 to vector<16xi32>
    %add3A_392 = arith.addi %add3A_391, %iota3A_369 : vector<16xi32>
    %mul3A_393 = vector.broadcast %squeeze3A : f32 to vector<16xf32>
    %mul3A_394 = arith.mulf %scan3A_355#2, %mul3A_393 : vector<16xf32>
    tpu.vector_store_idx %arg9[%add3A_392], %mul3A_394 : memref<1024xf32, #tpu.memory_space<vmem>>[vector<16xi32>], vector<16xf32>,
    %add3A_395 = arith.constant 128 : i32
    %add3A_396 = vector.broadcast %add3A_395 : i32 to vector<16xi32>
    %add3A_397 = arith.addi %add3A_392, %add3A_396 : vector<16xi32>
    %mul3A_398 = vector.broadcast %squeeze3A_28 : f32 to vector<16xf32>
    %mul3A_399 = arith.mulf %scan3A_355#2, %mul3A_398 : vector<16xf32>
    tpu.vector_store_idx %arg9[%add3A_397], %mul3A_399 : memref<1024xf32, #tpu.memory_space<vmem>>[vector<16xi32>], vector<16xf32>,
    %add3A_400 = arith.constant 560 : i32
    %add3A_401 = vector.broadcast %add3A_400 : i32 to vector<16xi32>
    %add3A_402 = arith.addi %add3A_401, %iota3A_369 : vector<16xi32>
    %mul3A_403 = vector.broadcast %squeeze3A : f32 to vector<16xf32>
    %mul3A_404 = arith.mulf %scan3A_355#3, %mul3A_403 : vector<16xf32>
    tpu.vector_store_idx %arg9[%add3A_402], %mul3A_404 : memref<1024xf32, #tpu.memory_space<vmem>>[vector<16xi32>], vector<16xf32>,
    %add3A_405 = arith.constant 128 : i32
    %add3A_406 = vector.broadcast %add3A_405 : i32 to vector<16xi32>
    %add3A_407 = arith.addi %add3A_402, %add3A_406 : vector<16xi32>
    %mul3A_408 = vector.broadcast %squeeze3A_28 : f32 to vector<16xf32>
    %mul3A_409 = arith.mulf %scan3A_355#3, %mul3A_408 : vector<16xf32>
    tpu.vector_store_idx %arg9[%add3A_407], %mul3A_409 : memref<1024xf32, #tpu.memory_space<vmem>>[vector<16xi32>], vector<16xf32>,
    %add3A_410 = arith.constant 576 : i32
    %add3A_411 = vector.broadcast %add3A_410 : i32 to vector<16xi32>
    %add3A_412 = arith.addi %add3A_411, %iota3A_369 : vector<16xi32>
    %mul3A_413 = vector.broadcast %squeeze3A : f32 to vector<16xf32>
    %mul3A_414 = arith.mulf %scan3A_355#4, %mul3A_413 : vector<16xf32>
    tpu.vector_store_idx %arg9[%add3A_412], %mul3A_414 : memref<1024xf32, #tpu.memory_space<vmem>>[vector<16xi32>], vector<16xf32>,
    %add3A_415 = arith.constant 128 : i32
    %add3A_416 = vector.broadcast %add3A_415 : i32 to vector<16xi32>
    %add3A_417 = arith.addi %add3A_412, %add3A_416 : vector<16xi32>
    %mul3A_418 = vector.broadcast %squeeze3A_28 : f32 to vector<16xf32>
    %mul3A_419 = arith.mulf %scan3A_355#4, %mul3A_418 : vector<16xf32>
    tpu.vector_store_idx %arg9[%add3A_417], %mul3A_419 : memref<1024xf32, #tpu.memory_space<vmem>>[vector<16xi32>], vector<16xf32>,
    %add3A_420 = arith.constant 592 : i32
    %add3A_421 = vector.broadcast %add3A_420 : i32 to vector<16xi32>
    %add3A_422 = arith.addi %add3A_421, %iota3A_369 : vector<16xi32>
    %mul3A_423 = vector.broadcast %squeeze3A : f32 to vector<16xf32>
    %mul3A_424 = arith.mulf %scan3A_355#5, %mul3A_423 : vector<16xf32>
    tpu.vector_store_idx %arg9[%add3A_422], %mul3A_424 : memref<1024xf32, #tpu.memory_space<vmem>>[vector<16xi32>], vector<16xf32>,
    %add3A_425 = arith.constant 128 : i32
    %add3A_426 = vector.broadcast %add3A_425 : i32 to vector<16xi32>
    %add3A_427 = arith.addi %add3A_422, %add3A_426 : vector<16xi32>
    %mul3A_428 = vector.broadcast %squeeze3A_28 : f32 to vector<16xf32>
    %mul3A_429 = arith.mulf %scan3A_355#5, %mul3A_428 : vector<16xf32>
    tpu.vector_store_idx %arg9[%add3A_427], %mul3A_429 : memref<1024xf32, #tpu.memory_space<vmem>>[vector<16xi32>], vector<16xf32>,
    %add3A_430 = arith.constant 608 : i32
    %add3A_431 = vector.broadcast %add3A_430 : i32 to vector<16xi32>
    %add3A_432 = arith.addi %add3A_431, %iota3A_369 : vector<16xi32>
    %mul3A_433 = vector.broadcast %squeeze3A : f32 to vector<16xf32>
    %mul3A_434 = arith.mulf %scan3A_355#6, %mul3A_433 : vector<16xf32>
    tpu.vector_store_idx %arg9[%add3A_432], %mul3A_434 : memref<1024xf32, #tpu.memory_space<vmem>>[vector<16xi32>], vector<16xf32>,
    %add3A_435 = arith.constant 128 : i32
    %add3A_436 = vector.broadcast %add3A_435 : i32 to vector<16xi32>
    %add3A_437 = arith.addi %add3A_432, %add3A_436 : vector<16xi32>
    %mul3A_438 = vector.broadcast %squeeze3A_28 : f32 to vector<16xf32>
    %mul3A_439 = arith.mulf %scan3A_355#6, %mul3A_438 : vector<16xf32>
    tpu.vector_store_idx %arg9[%add3A_437], %mul3A_439 : memref<1024xf32, #tpu.memory_space<vmem>>[vector<16xi32>], vector<16xf32>,
    %add3A_440 = arith.constant 624 : i32
    %add3A_441 = vector.broadcast %add3A_440 : i32 to vector<16xi32>
    %add3A_442 = arith.addi %add3A_441, %iota3A_369 : vector<16xi32>
    %mul3A_443 = vector.broadcast %squeeze3A : f32 to vector<16xf32>
    %mul3A_444 = arith.mulf %scan3A_355#7, %mul3A_443 : vector<16xf32>
    tpu.vector_store_idx %arg9[%add3A_442], %mul3A_444 : memref<1024xf32, #tpu.memory_space<vmem>>[vector<16xi32>], vector<16xf32>,
    %add3A_445 = arith.constant 128 : i32
    %add3A_446 = vector.broadcast %add3A_445 : i32 to vector<16xi32>
    %add3A_447 = arith.addi %add3A_442, %add3A_446 : vector<16xi32>
    %mul3A_448 = vector.broadcast %squeeze3A_28 : f32 to vector<16xf32>
    %mul3A_449 = arith.mulf %scan3A_355#7, %mul3A_448 : vector<16xf32>
    tpu.vector_store_idx %arg9[%add3A_447], %mul3A_449 : memref<1024xf32, #tpu.memory_space<vmem>>[vector<16xi32>], vector<16xf32>,
    %add3A_450 = arith.constant 384 : i32
    %add3A_451 = arith.addi %mul3A_2, %add3A_450 : i32
    %dma_wait3A_452 = arith.constant 0 : i32
    %dma_wait3A_453 = arith.constant 0 : i32
    %dma_wait3A_454 = tpu.memref_slice %arg7[%dma_wait3A_452, %dma_wait3A_453] : memref<104x128xi32, #tpu.memory_space<vmem>> -> memref<104x128xi32, #tpu.memory_space<vmem>>
    %dma_wait3A_455 = arith.constant 0 : i32
    %dma_wait3A_456 = tpu.memref_slice %arg3[%dma_wait3A_455, %add3A_451] : memref<200x16384xi32, #tpu.memory_space<hbm>> -> memref<104x128xi32, #tpu.memory_space<hbm>>
    %dma_wait3A_457 = arith.constant 0 : i32
    %dma_wait3A_458 = arith.constant 0 : i32
    %dma_wait3A_459 = tpu.memref_slice %arg7[%dma_wait3A_457, %dma_wait3A_458] : memref<104x128xi32, #tpu.memory_space<vmem>> -> memref<104x128xi32, #tpu.memory_space<vmem>>
    %dma_wait3A_460 = arith.constant 0 : i32
    %dma_wait3A_461 = tpu.memref_slice %arg3[%dma_wait3A_460, %add3A_451] : memref<200x16384xi32, #tpu.memory_space<hbm>> -> memref<104x128xi32, #tpu.memory_space<hbm>>
    tpu.wait_dma2 semaphore(%arg12 : memref<!tpu.dma_semaphore, #tpu.memory_space<semaphore_mem>>) src(%dma_wait3A_461 : memref<104x128xi32, #tpu.memory_space<hbm>>) dst(%dma_wait3A_459 : memref<104x128xi32, #tpu.memory_space<vmem>>)
    %scan3A_462 = arith.constant 0 : i32
    %scan3A_463 = arith.constant 104 : i32
    %scan3A_464 = arith.addi %scan3A_462, %scan3A_463 : i32
    %scan3A_465 = arith.constant 1 : i32
    %scan3A_466:8 = scf.for %scan3A_569 = %scan3A_462 to %scan3A_464 step %scan3A_465 iter_args(%scan3A_570 = %broadcast_in_dim3A_29, %scan3A_571 = %broadcast_in_dim3A_29, %scan3A_572 = %broadcast_in_dim3A_29, %scan3A_573 = %broadcast_in_dim3A_29, %scan3A_574 = %broadcast_in_dim3A_29, %scan3A_575 = %broadcast_in_dim3A_29, %scan3A_576 = %broadcast_in_dim3A_29, %scan3A_577 = %broadcast_in_dim3A_29) -> (vector<16xf32>, vector<16xf32>, vector<16xf32>, vector<16xf32>, vector<16xf32>, vector<16xf32>, vector<16xf32>, vector<16xf32>)  : i32 {
      %get3A_578 = arith.index_cast %scan3A_569 : i32 to index
      %get3A_579 = arith.constant 0 : index
      %get3A_580 = tpu.vector_load %arg7[%get3A_578, %get3A_579] {strides = array<i32>} : memref<104x128xi32, #tpu.memory_space<vmem>>, vector<16xi32>,
      %ge3A = arith.constant 50176 : i32
      %ge3A_581 = vector.broadcast %ge3A : i32 to vector<16xi32>
      %ge3A_582 = arith.cmpi sge, %get3A_580, %ge3A_581 : vector<16xi32>
      %jit3A = arith.constant 50176 : i32
      %jit3A_583 = arith.constant 0 : i32
      %broadcast_in_dim3A_584 = vector.broadcast %jit3A : i32 to vector<16xi32>
      %broadcast_in_dim3A_585 = vector.broadcast %jit3A_583 : i32 to vector<16xi32>
      %select_n3A = arith.select %ge3A_582, %broadcast_in_dim3A_584, %broadcast_in_dim3A_585 : vector<16xi1>, vector<16xi32>
      %sub3A = arith.subi %get3A_580, %select_n3A : vector<16xi32>
      %gather3A = tpu.vector_load_idx %arg6[%sub3A] : memref<50176xi32, #tpu.memory_space<vmem>>[vector<16xi32>], vector<16xi32>,
      %and3A = arith.constant -65536 : i32
      %and3A_586 = vector.broadcast %and3A : i32 to vector<16xi32>
      %and3A_587 = arith.andi %gather3A, %and3A_586 : vector<16xi32>
      %shift_left3A = arith.constant 16 : i32
      %shift_left3A_588 = vector.broadcast %shift_left3A : i32 to vector<16xi32>
      %shift_left3A_589 = arith.shli %gather3A, %shift_left3A_588 : vector<16xi32>
      %select_n3A_590 = arith.select %ge3A_582, %and3A_587, %shift_left3A_589 : vector<16xi1>, vector<16xi32>
      %bitcast3A = vector.bitcast %select_n3A_590 : vector<16xi32> to vector<16xf32>
      %add3A_591 = arith.addf %scan3A_570, %bitcast3A : vector<16xf32>
      %get3A_592 = arith.index_cast %scan3A_569 : i32 to index
      %get3A_593 = arith.constant 16 : index
      %get3A_594 = tpu.vector_load %arg7[%get3A_592, %get3A_593] {strides = array<i32>} : memref<104x128xi32, #tpu.memory_space<vmem>>, vector<16xi32>,
      %ge3A_595 = arith.constant 50176 : i32
      %ge3A_596 = vector.broadcast %ge3A_595 : i32 to vector<16xi32>
      %ge3A_597 = arith.cmpi sge, %get3A_594, %ge3A_596 : vector<16xi32>
      %jit3A_598 = arith.constant 50176 : i32
      %jit3A_599 = arith.constant 0 : i32
      %broadcast_in_dim3A_600 = vector.broadcast %jit3A_598 : i32 to vector<16xi32>
      %broadcast_in_dim3A_601 = vector.broadcast %jit3A_599 : i32 to vector<16xi32>
      %select_n3A_602 = arith.select %ge3A_597, %broadcast_in_dim3A_600, %broadcast_in_dim3A_601 : vector<16xi1>, vector<16xi32>
      %sub3A_603 = arith.subi %get3A_594, %select_n3A_602 : vector<16xi32>
      %gather3A_604 = tpu.vector_load_idx %arg6[%sub3A_603] : memref<50176xi32, #tpu.memory_space<vmem>>[vector<16xi32>], vector<16xi32>,
      %and3A_605 = arith.constant -65536 : i32
      %and3A_606 = vector.broadcast %and3A_605 : i32 to vector<16xi32>
      %and3A_607 = arith.andi %gather3A_604, %and3A_606 : vector<16xi32>
      %shift_left3A_608 = arith.constant 16 : i32
      %shift_left3A_609 = vector.broadcast %shift_left3A_608 : i32 to vector<16xi32>
      %shift_left3A_610 = arith.shli %gather3A_604, %shift_left3A_609 : vector<16xi32>
      %select_n3A_611 = arith.select %ge3A_597, %and3A_607, %shift_left3A_610 : vector<16xi1>, vector<16xi32>
      %bitcast3A_612 = vector.bitcast %select_n3A_611 : vector<16xi32> to vector<16xf32>
      %add3A_613 = arith.addf %scan3A_571, %bitcast3A_612 : vector<16xf32>
      %get3A_614 = arith.index_cast %scan3A_569 : i32 to index
      %get3A_615 = arith.constant 32 : index
      %get3A_616 = tpu.vector_load %arg7[%get3A_614, %get3A_615] {strides = array<i32>} : memref<104x128xi32, #tpu.memory_space<vmem>>, vector<16xi32>,
      %ge3A_617 = arith.constant 50176 : i32
      %ge3A_618 = vector.broadcast %ge3A_617 : i32 to vector<16xi32>
      %ge3A_619 = arith.cmpi sge, %get3A_616, %ge3A_618 : vector<16xi32>
      %jit3A_620 = arith.constant 50176 : i32
      %jit3A_621 = arith.constant 0 : i32
      %broadcast_in_dim3A_622 = vector.broadcast %jit3A_620 : i32 to vector<16xi32>
      %broadcast_in_dim3A_623 = vector.broadcast %jit3A_621 : i32 to vector<16xi32>
      %select_n3A_624 = arith.select %ge3A_619, %broadcast_in_dim3A_622, %broadcast_in_dim3A_623 : vector<16xi1>, vector<16xi32>
      %sub3A_625 = arith.subi %get3A_616, %select_n3A_624 : vector<16xi32>
      %gather3A_626 = tpu.vector_load_idx %arg6[%sub3A_625] : memref<50176xi32, #tpu.memory_space<vmem>>[vector<16xi32>], vector<16xi32>,
      %and3A_627 = arith.constant -65536 : i32
      %and3A_628 = vector.broadcast %and3A_627 : i32 to vector<16xi32>
      %and3A_629 = arith.andi %gather3A_626, %and3A_628 : vector<16xi32>
      %shift_left3A_630 = arith.constant 16 : i32
      %shift_left3A_631 = vector.broadcast %shift_left3A_630 : i32 to vector<16xi32>
      %shift_left3A_632 = arith.shli %gather3A_626, %shift_left3A_631 : vector<16xi32>
      %select_n3A_633 = arith.select %ge3A_619, %and3A_629, %shift_left3A_632 : vector<16xi1>, vector<16xi32>
      %bitcast3A_634 = vector.bitcast %select_n3A_633 : vector<16xi32> to vector<16xf32>
      %add3A_635 = arith.addf %scan3A_572, %bitcast3A_634 : vector<16xf32>
      %get3A_636 = arith.index_cast %scan3A_569 : i32 to index
      %get3A_637 = arith.constant 48 : index
      %get3A_638 = tpu.vector_load %arg7[%get3A_636, %get3A_637] {strides = array<i32>} : memref<104x128xi32, #tpu.memory_space<vmem>>, vector<16xi32>,
      %ge3A_639 = arith.constant 50176 : i32
      %ge3A_640 = vector.broadcast %ge3A_639 : i32 to vector<16xi32>
      %ge3A_641 = arith.cmpi sge, %get3A_638, %ge3A_640 : vector<16xi32>
      %jit3A_642 = arith.constant 50176 : i32
      %jit3A_643 = arith.constant 0 : i32
      %broadcast_in_dim3A_644 = vector.broadcast %jit3A_642 : i32 to vector<16xi32>
      %broadcast_in_dim3A_645 = vector.broadcast %jit3A_643 : i32 to vector<16xi32>
      %select_n3A_646 = arith.select %ge3A_641, %broadcast_in_dim3A_644, %broadcast_in_dim3A_645 : vector<16xi1>, vector<16xi32>
      %sub3A_647 = arith.subi %get3A_638, %select_n3A_646 : vector<16xi32>
      %gather3A_648 = tpu.vector_load_idx %arg6[%sub3A_647] : memref<50176xi32, #tpu.memory_space<vmem>>[vector<16xi32>], vector<16xi32>,
      %and3A_649 = arith.constant -65536 : i32
      %and3A_650 = vector.broadcast %and3A_649 : i32 to vector<16xi32>
      %and3A_651 = arith.andi %gather3A_648, %and3A_650 : vector<16xi32>
      %shift_left3A_652 = arith.constant 16 : i32
      %shift_left3A_653 = vector.broadcast %shift_left3A_652 : i32 to vector<16xi32>
      %shift_left3A_654 = arith.shli %gather3A_648, %shift_left3A_653 : vector<16xi32>
      %select_n3A_655 = arith.select %ge3A_641, %and3A_651, %shift_left3A_654 : vector<16xi1>, vector<16xi32>
      %bitcast3A_656 = vector.bitcast %select_n3A_655 : vector<16xi32> to vector<16xf32>
      %add3A_657 = arith.addf %scan3A_573, %bitcast3A_656 : vector<16xf32>
      %get3A_658 = arith.index_cast %scan3A_569 : i32 to index
      %get3A_659 = arith.constant 64 : index
      %get3A_660 = tpu.vector_load %arg7[%get3A_658, %get3A_659] {strides = array<i32>} : memref<104x128xi32, #tpu.memory_space<vmem>>, vector<16xi32>,
      %ge3A_661 = arith.constant 50176 : i32
      %ge3A_662 = vector.broadcast %ge3A_661 : i32 to vector<16xi32>
      %ge3A_663 = arith.cmpi sge, %get3A_660, %ge3A_662 : vector<16xi32>
      %jit3A_664 = arith.constant 50176 : i32
      %jit3A_665 = arith.constant 0 : i32
      %broadcast_in_dim3A_666 = vector.broadcast %jit3A_664 : i32 to vector<16xi32>
      %broadcast_in_dim3A_667 = vector.broadcast %jit3A_665 : i32 to vector<16xi32>
      %select_n3A_668 = arith.select %ge3A_663, %broadcast_in_dim3A_666, %broadcast_in_dim3A_667 : vector<16xi1>, vector<16xi32>
      %sub3A_669 = arith.subi %get3A_660, %select_n3A_668 : vector<16xi32>
      %gather3A_670 = tpu.vector_load_idx %arg6[%sub3A_669] : memref<50176xi32, #tpu.memory_space<vmem>>[vector<16xi32>], vector<16xi32>,
      %and3A_671 = arith.constant -65536 : i32
      %and3A_672 = vector.broadcast %and3A_671 : i32 to vector<16xi32>
      %and3A_673 = arith.andi %gather3A_670, %and3A_672 : vector<16xi32>
      %shift_left3A_674 = arith.constant 16 : i32
      %shift_left3A_675 = vector.broadcast %shift_left3A_674 : i32 to vector<16xi32>
      %shift_left3A_676 = arith.shli %gather3A_670, %shift_left3A_675 : vector<16xi32>
      %select_n3A_677 = arith.select %ge3A_663, %and3A_673, %shift_left3A_676 : vector<16xi1>, vector<16xi32>
      %bitcast3A_678 = vector.bitcast %select_n3A_677 : vector<16xi32> to vector<16xf32>
      %add3A_679 = arith.addf %scan3A_574, %bitcast3A_678 : vector<16xf32>
      %get3A_680 = arith.index_cast %scan3A_569 : i32 to index
      %get3A_681 = arith.constant 80 : index
      %get3A_682 = tpu.vector_load %arg7[%get3A_680, %get3A_681] {strides = array<i32>} : memref<104x128xi32, #tpu.memory_space<vmem>>, vector<16xi32>,
      %ge3A_683 = arith.constant 50176 : i32
      %ge3A_684 = vector.broadcast %ge3A_683 : i32 to vector<16xi32>
      %ge3A_685 = arith.cmpi sge, %get3A_682, %ge3A_684 : vector<16xi32>
      %jit3A_686 = arith.constant 50176 : i32
      %jit3A_687 = arith.constant 0 : i32
      %broadcast_in_dim3A_688 = vector.broadcast %jit3A_686 : i32 to vector<16xi32>
      %broadcast_in_dim3A_689 = vector.broadcast %jit3A_687 : i32 to vector<16xi32>
      %select_n3A_690 = arith.select %ge3A_685, %broadcast_in_dim3A_688, %broadcast_in_dim3A_689 : vector<16xi1>, vector<16xi32>
      %sub3A_691 = arith.subi %get3A_682, %select_n3A_690 : vector<16xi32>
      %gather3A_692 = tpu.vector_load_idx %arg6[%sub3A_691] : memref<50176xi32, #tpu.memory_space<vmem>>[vector<16xi32>], vector<16xi32>,
      %and3A_693 = arith.constant -65536 : i32
      %and3A_694 = vector.broadcast %and3A_693 : i32 to vector<16xi32>
      %and3A_695 = arith.andi %gather3A_692, %and3A_694 : vector<16xi32>
      %shift_left3A_696 = arith.constant 16 : i32
      %shift_left3A_697 = vector.broadcast %shift_left3A_696 : i32 to vector<16xi32>
      %shift_left3A_698 = arith.shli %gather3A_692, %shift_left3A_697 : vector<16xi32>
      %select_n3A_699 = arith.select %ge3A_685, %and3A_695, %shift_left3A_698 : vector<16xi1>, vector<16xi32>
      %bitcast3A_700 = vector.bitcast %select_n3A_699 : vector<16xi32> to vector<16xf32>
      %add3A_701 = arith.addf %scan3A_575, %bitcast3A_700 : vector<16xf32>
      %get3A_702 = arith.index_cast %scan3A_569 : i32 to index
      %get3A_703 = arith.constant 96 : index
      %get3A_704 = tpu.vector_load %arg7[%get3A_702, %get3A_703] {strides = array<i32>} : memref<104x128xi32, #tpu.memory_space<vmem>>, vector<16xi32>,
      %ge3A_705 = arith.constant 50176 : i32
      %ge3A_706 = vector.broadcast %ge3A_705 : i32 to vector<16xi32>
      %ge3A_707 = arith.cmpi sge, %get3A_704, %ge3A_706 : vector<16xi32>
      %jit3A_708 = arith.constant 50176 : i32
      %jit3A_709 = arith.constant 0 : i32
      %broadcast_in_dim3A_710 = vector.broadcast %jit3A_708 : i32 to vector<16xi32>
      %broadcast_in_dim3A_711 = vector.broadcast %jit3A_709 : i32 to vector<16xi32>
      %select_n3A_712 = arith.select %ge3A_707, %broadcast_in_dim3A_710, %broadcast_in_dim3A_711 : vector<16xi1>, vector<16xi32>
      %sub3A_713 = arith.subi %get3A_704, %select_n3A_712 : vector<16xi32>
      %gather3A_714 = tpu.vector_load_idx %arg6[%sub3A_713] : memref<50176xi32, #tpu.memory_space<vmem>>[vector<16xi32>], vector<16xi32>,
      %and3A_715 = arith.constant -65536 : i32
      %and3A_716 = vector.broadcast %and3A_715 : i32 to vector<16xi32>
      %and3A_717 = arith.andi %gather3A_714, %and3A_716 : vector<16xi32>
      %shift_left3A_718 = arith.constant 16 : i32
      %shift_left3A_719 = vector.broadcast %shift_left3A_718 : i32 to vector<16xi32>
      %shift_left3A_720 = arith.shli %gather3A_714, %shift_left3A_719 : vector<16xi32>
      %select_n3A_721 = arith.select %ge3A_707, %and3A_717, %shift_left3A_720 : vector<16xi1>, vector<16xi32>
      %bitcast3A_722 = vector.bitcast %select_n3A_721 : vector<16xi32> to vector<16xf32>
      %add3A_723 = arith.addf %scan3A_576, %bitcast3A_722 : vector<16xf32>
      %get3A_724 = arith.index_cast %scan3A_569 : i32 to index
      %get3A_725 = arith.constant 112 : index
      %get3A_726 = tpu.vector_load %arg7[%get3A_724, %get3A_725] {strides = array<i32>} : memref<104x128xi32, #tpu.memory_space<vmem>>, vector<16xi32>,
      %ge3A_727 = arith.constant 50176 : i32
      %ge3A_728 = vector.broadcast %ge3A_727 : i32 to vector<16xi32>
      %ge3A_729 = arith.cmpi sge, %get3A_726, %ge3A_728 : vector<16xi32>
      %jit3A_730 = arith.constant 50176 : i32
      %jit3A_731 = arith.constant 0 : i32
      %broadcast_in_dim3A_732 = vector.broadcast %jit3A_730 : i32 to vector<16xi32>
      %broadcast_in_dim3A_733 = vector.broadcast %jit3A_731 : i32 to vector<16xi32>
      %select_n3A_734 = arith.select %ge3A_729, %broadcast_in_dim3A_732, %broadcast_in_dim3A_733 : vector<16xi1>, vector<16xi32>
      %sub3A_735 = arith.subi %get3A_726, %select_n3A_734 : vector<16xi32>
      %gather3A_736 = tpu.vector_load_idx %arg6[%sub3A_735] : memref<50176xi32, #tpu.memory_space<vmem>>[vector<16xi32>], vector<16xi32>,
      %and3A_737 = arith.constant -65536 : i32
      %and3A_738 = vector.broadcast %and3A_737 : i32 to vector<16xi32>
      %and3A_739 = arith.andi %gather3A_736, %and3A_738 : vector<16xi32>
      %shift_left3A_740 = arith.constant 16 : i32
      %shift_left3A_741 = vector.broadcast %shift_left3A_740 : i32 to vector<16xi32>
      %shift_left3A_742 = arith.shli %gather3A_736, %shift_left3A_741 : vector<16xi32>
      %select_n3A_743 = arith.select %ge3A_729, %and3A_739, %shift_left3A_742 : vector<16xi1>, vector<16xi32>
      %bitcast3A_744 = vector.bitcast %select_n3A_743 : vector<16xi32> to vector<16xf32>
      %add3A_745 = arith.addf %scan3A_577, %bitcast3A_744 : vector<16xf32>
      scf.yield %add3A_591, %add3A_613, %add3A_635, %add3A_657, %add3A_679, %add3A_701, %add3A_723, %add3A_745 : vector<16xf32>, vector<16xf32>, vector<16xf32>, vector<16xf32>, vector<16xf32>, vector<16xf32>, vector<16xf32>, vector<16xf32>
    }
    %scan3A_467 = arith.constant 104 : i32
    %add3A_468 = arith.constant 384 : i32
    %add3A_469 = arith.addi %mul3A_2, %add3A_468 : i32
    %dma_wait3A_470 = arith.constant 0 : i32
    %dma_wait3A_471 = arith.constant 0 : i32
    %dma_wait3A_472 = tpu.memref_slice %arg8[%dma_wait3A_470, %dma_wait3A_471] : memref<104x128xi32, #tpu.memory_space<vmem>> -> memref<96x128xi32, #tpu.memory_space<vmem>>
    %dma_wait3A_473 = arith.constant 104 : i32
    %dma_wait3A_474 = tpu.memref_slice %arg3[%dma_wait3A_473, %add3A_469] : memref<200x16384xi32, #tpu.memory_space<hbm>> -> memref<96x128xi32, #tpu.memory_space<hbm>>
    %dma_wait3A_475 = arith.constant 0 : i32
    %dma_wait3A_476 = arith.constant 0 : i32
    %dma_wait3A_477 = tpu.memref_slice %arg8[%dma_wait3A_475, %dma_wait3A_476] : memref<104x128xi32, #tpu.memory_space<vmem>> -> memref<96x128xi32, #tpu.memory_space<vmem>>
    %dma_wait3A_478 = arith.constant 104 : i32
    %dma_wait3A_479 = tpu.memref_slice %arg3[%dma_wait3A_478, %add3A_469] : memref<200x16384xi32, #tpu.memory_space<hbm>> -> memref<96x128xi32, #tpu.memory_space<hbm>>
    tpu.wait_dma2 semaphore(%arg13 : memref<!tpu.dma_semaphore, #tpu.memory_space<semaphore_mem>>) src(%dma_wait3A_479 : memref<96x128xi32, #tpu.memory_space<hbm>>) dst(%dma_wait3A_477 : memref<96x128xi32, #tpu.memory_space<vmem>>)
    %scan3A_480 = arith.constant 0 : i32
    %scan3A_481 = arith.constant 96 : i32
    %scan3A_482 = arith.addi %scan3A_480, %scan3A_481 : i32
    %scan3A_483 = arith.constant 1 : i32
    %scan3A_484:8 = scf.for %scan3A_569 = %scan3A_480 to %scan3A_482 step %scan3A_483 iter_args(%scan3A_570 = %scan3A_466#0, %scan3A_571 = %scan3A_466#1, %scan3A_572 = %scan3A_466#2, %scan3A_573 = %scan3A_466#3, %scan3A_574 = %scan3A_466#4, %scan3A_575 = %scan3A_466#5, %scan3A_576 = %scan3A_466#6, %scan3A_577 = %scan3A_466#7) -> (vector<16xf32>, vector<16xf32>, vector<16xf32>, vector<16xf32>, vector<16xf32>, vector<16xf32>, vector<16xf32>, vector<16xf32>)  : i32 {
      %get3A_578 = arith.index_cast %scan3A_569 : i32 to index
      %get3A_579 = arith.constant 0 : index
      %get3A_580 = tpu.vector_load %arg8[%get3A_578, %get3A_579] {strides = array<i32>} : memref<104x128xi32, #tpu.memory_space<vmem>>, vector<16xi32>,
      %ge3A = arith.constant 50176 : i32
      %ge3A_581 = vector.broadcast %ge3A : i32 to vector<16xi32>
      %ge3A_582 = arith.cmpi sge, %get3A_580, %ge3A_581 : vector<16xi32>
      %jit3A = arith.constant 50176 : i32
      %jit3A_583 = arith.constant 0 : i32
      %broadcast_in_dim3A_584 = vector.broadcast %jit3A : i32 to vector<16xi32>
      %broadcast_in_dim3A_585 = vector.broadcast %jit3A_583 : i32 to vector<16xi32>
      %select_n3A = arith.select %ge3A_582, %broadcast_in_dim3A_584, %broadcast_in_dim3A_585 : vector<16xi1>, vector<16xi32>
      %sub3A = arith.subi %get3A_580, %select_n3A : vector<16xi32>
      %gather3A = tpu.vector_load_idx %arg6[%sub3A] : memref<50176xi32, #tpu.memory_space<vmem>>[vector<16xi32>], vector<16xi32>,
      %and3A = arith.constant -65536 : i32
      %and3A_586 = vector.broadcast %and3A : i32 to vector<16xi32>
      %and3A_587 = arith.andi %gather3A, %and3A_586 : vector<16xi32>
      %shift_left3A = arith.constant 16 : i32
      %shift_left3A_588 = vector.broadcast %shift_left3A : i32 to vector<16xi32>
      %shift_left3A_589 = arith.shli %gather3A, %shift_left3A_588 : vector<16xi32>
      %select_n3A_590 = arith.select %ge3A_582, %and3A_587, %shift_left3A_589 : vector<16xi1>, vector<16xi32>
      %bitcast3A = vector.bitcast %select_n3A_590 : vector<16xi32> to vector<16xf32>
      %add3A_591 = arith.addf %scan3A_570, %bitcast3A : vector<16xf32>
      %get3A_592 = arith.index_cast %scan3A_569 : i32 to index
      %get3A_593 = arith.constant 16 : index
      %get3A_594 = tpu.vector_load %arg8[%get3A_592, %get3A_593] {strides = array<i32>} : memref<104x128xi32, #tpu.memory_space<vmem>>, vector<16xi32>,
      %ge3A_595 = arith.constant 50176 : i32
      %ge3A_596 = vector.broadcast %ge3A_595 : i32 to vector<16xi32>
      %ge3A_597 = arith.cmpi sge, %get3A_594, %ge3A_596 : vector<16xi32>
      %jit3A_598 = arith.constant 50176 : i32
      %jit3A_599 = arith.constant 0 : i32
      %broadcast_in_dim3A_600 = vector.broadcast %jit3A_598 : i32 to vector<16xi32>
      %broadcast_in_dim3A_601 = vector.broadcast %jit3A_599 : i32 to vector<16xi32>
      %select_n3A_602 = arith.select %ge3A_597, %broadcast_in_dim3A_600, %broadcast_in_dim3A_601 : vector<16xi1>, vector<16xi32>
      %sub3A_603 = arith.subi %get3A_594, %select_n3A_602 : vector<16xi32>
      %gather3A_604 = tpu.vector_load_idx %arg6[%sub3A_603] : memref<50176xi32, #tpu.memory_space<vmem>>[vector<16xi32>], vector<16xi32>,
      %and3A_605 = arith.constant -65536 : i32
      %and3A_606 = vector.broadcast %and3A_605 : i32 to vector<16xi32>
      %and3A_607 = arith.andi %gather3A_604, %and3A_606 : vector<16xi32>
      %shift_left3A_608 = arith.constant 16 : i32
      %shift_left3A_609 = vector.broadcast %shift_left3A_608 : i32 to vector<16xi32>
      %shift_left3A_610 = arith.shli %gather3A_604, %shift_left3A_609 : vector<16xi32>
      %select_n3A_611 = arith.select %ge3A_597, %and3A_607, %shift_left3A_610 : vector<16xi1>, vector<16xi32>
      %bitcast3A_612 = vector.bitcast %select_n3A_611 : vector<16xi32> to vector<16xf32>
      %add3A_613 = arith.addf %scan3A_571, %bitcast3A_612 : vector<16xf32>
      %get3A_614 = arith.index_cast %scan3A_569 : i32 to index
      %get3A_615 = arith.constant 32 : index
      %get3A_616 = tpu.vector_load %arg8[%get3A_614, %get3A_615] {strides = array<i32>} : memref<104x128xi32, #tpu.memory_space<vmem>>, vector<16xi32>,
      %ge3A_617 = arith.constant 50176 : i32
      %ge3A_618 = vector.broadcast %ge3A_617 : i32 to vector<16xi32>
      %ge3A_619 = arith.cmpi sge, %get3A_616, %ge3A_618 : vector<16xi32>
      %jit3A_620 = arith.constant 50176 : i32
      %jit3A_621 = arith.constant 0 : i32
      %broadcast_in_dim3A_622 = vector.broadcast %jit3A_620 : i32 to vector<16xi32>
      %broadcast_in_dim3A_623 = vector.broadcast %jit3A_621 : i32 to vector<16xi32>
      %select_n3A_624 = arith.select %ge3A_619, %broadcast_in_dim3A_622, %broadcast_in_dim3A_623 : vector<16xi1>, vector<16xi32>
      %sub3A_625 = arith.subi %get3A_616, %select_n3A_624 : vector<16xi32>
      %gather3A_626 = tpu.vector_load_idx %arg6[%sub3A_625] : memref<50176xi32, #tpu.memory_space<vmem>>[vector<16xi32>], vector<16xi32>,
      %and3A_627 = arith.constant -65536 : i32
      %and3A_628 = vector.broadcast %and3A_627 : i32 to vector<16xi32>
      %and3A_629 = arith.andi %gather3A_626, %and3A_628 : vector<16xi32>
      %shift_left3A_630 = arith.constant 16 : i32
      %shift_left3A_631 = vector.broadcast %shift_left3A_630 : i32 to vector<16xi32>
      %shift_left3A_632 = arith.shli %gather3A_626, %shift_left3A_631 : vector<16xi32>
      %select_n3A_633 = arith.select %ge3A_619, %and3A_629, %shift_left3A_632 : vector<16xi1>, vector<16xi32>
      %bitcast3A_634 = vector.bitcast %select_n3A_633 : vector<16xi32> to vector<16xf32>
      %add3A_635 = arith.addf %scan3A_572, %bitcast3A_634 : vector<16xf32>
      %get3A_636 = arith.index_cast %scan3A_569 : i32 to index
      %get3A_637 = arith.constant 48 : index
      %get3A_638 = tpu.vector_load %arg8[%get3A_636, %get3A_637] {strides = array<i32>} : memref<104x128xi32, #tpu.memory_space<vmem>>, vector<16xi32>,
      %ge3A_639 = arith.constant 50176 : i32
      %ge3A_640 = vector.broadcast %ge3A_639 : i32 to vector<16xi32>
      %ge3A_641 = arith.cmpi sge, %get3A_638, %ge3A_640 : vector<16xi32>
      %jit3A_642 = arith.constant 50176 : i32
      %jit3A_643 = arith.constant 0 : i32
      %broadcast_in_dim3A_644 = vector.broadcast %jit3A_642 : i32 to vector<16xi32>
      %broadcast_in_dim3A_645 = vector.broadcast %jit3A_643 : i32 to vector<16xi32>
      %select_n3A_646 = arith.select %ge3A_641, %broadcast_in_dim3A_644, %broadcast_in_dim3A_645 : vector<16xi1>, vector<16xi32>
      %sub3A_647 = arith.subi %get3A_638, %select_n3A_646 : vector<16xi32>
      %gather3A_648 = tpu.vector_load_idx %arg6[%sub3A_647] : memref<50176xi32, #tpu.memory_space<vmem>>[vector<16xi32>], vector<16xi32>,
      %and3A_649 = arith.constant -65536 : i32
      %and3A_650 = vector.broadcast %and3A_649 : i32 to vector<16xi32>
      %and3A_651 = arith.andi %gather3A_648, %and3A_650 : vector<16xi32>
      %shift_left3A_652 = arith.constant 16 : i32
      %shift_left3A_653 = vector.broadcast %shift_left3A_652 : i32 to vector<16xi32>
      %shift_left3A_654 = arith.shli %gather3A_648, %shift_left3A_653 : vector<16xi32>
      %select_n3A_655 = arith.select %ge3A_641, %and3A_651, %shift_left3A_654 : vector<16xi1>, vector<16xi32>
      %bitcast3A_656 = vector.bitcast %select_n3A_655 : vector<16xi32> to vector<16xf32>
      %add3A_657 = arith.addf %scan3A_573, %bitcast3A_656 : vector<16xf32>
      %get3A_658 = arith.index_cast %scan3A_569 : i32 to index
      %get3A_659 = arith.constant 64 : index
      %get3A_660 = tpu.vector_load %arg8[%get3A_658, %get3A_659] {strides = array<i32>} : memref<104x128xi32, #tpu.memory_space<vmem>>, vector<16xi32>,
      %ge3A_661 = arith.constant 50176 : i32
      %ge3A_662 = vector.broadcast %ge3A_661 : i32 to vector<16xi32>
      %ge3A_663 = arith.cmpi sge, %get3A_660, %ge3A_662 : vector<16xi32>
      %jit3A_664 = arith.constant 50176 : i32
      %jit3A_665 = arith.constant 0 : i32
      %broadcast_in_dim3A_666 = vector.broadcast %jit3A_664 : i32 to vector<16xi32>
      %broadcast_in_dim3A_667 = vector.broadcast %jit3A_665 : i32 to vector<16xi32>
      %select_n3A_668 = arith.select %ge3A_663, %broadcast_in_dim3A_666, %broadcast_in_dim3A_667 : vector<16xi1>, vector<16xi32>
      %sub3A_669 = arith.subi %get3A_660, %select_n3A_668 : vector<16xi32>
      %gather3A_670 = tpu.vector_load_idx %arg6[%sub3A_669] : memref<50176xi32, #tpu.memory_space<vmem>>[vector<16xi32>], vector<16xi32>,
      %and3A_671 = arith.constant -65536 : i32
      %and3A_672 = vector.broadcast %and3A_671 : i32 to vector<16xi32>
      %and3A_673 = arith.andi %gather3A_670, %and3A_672 : vector<16xi32>
      %shift_left3A_674 = arith.constant 16 : i32
      %shift_left3A_675 = vector.broadcast %shift_left3A_674 : i32 to vector<16xi32>
      %shift_left3A_676 = arith.shli %gather3A_670, %shift_left3A_675 : vector<16xi32>
      %select_n3A_677 = arith.select %ge3A_663, %and3A_673, %shift_left3A_676 : vector<16xi1>, vector<16xi32>
      %bitcast3A_678 = vector.bitcast %select_n3A_677 : vector<16xi32> to vector<16xf32>
      %add3A_679 = arith.addf %scan3A_574, %bitcast3A_678 : vector<16xf32>
      %get3A_680 = arith.index_cast %scan3A_569 : i32 to index
      %get3A_681 = arith.constant 80 : index
      %get3A_682 = tpu.vector_load %arg8[%get3A_680, %get3A_681] {strides = array<i32>} : memref<104x128xi32, #tpu.memory_space<vmem>>, vector<16xi32>,
      %ge3A_683 = arith.constant 50176 : i32
      %ge3A_684 = vector.broadcast %ge3A_683 : i32 to vector<16xi32>
      %ge3A_685 = arith.cmpi sge, %get3A_682, %ge3A_684 : vector<16xi32>
      %jit3A_686 = arith.constant 50176 : i32
      %jit3A_687 = arith.constant 0 : i32
      %broadcast_in_dim3A_688 = vector.broadcast %jit3A_686 : i32 to vector<16xi32>
      %broadcast_in_dim3A_689 = vector.broadcast %jit3A_687 : i32 to vector<16xi32>
      %select_n3A_690 = arith.select %ge3A_685, %broadcast_in_dim3A_688, %broadcast_in_dim3A_689 : vector<16xi1>, vector<16xi32>
      %sub3A_691 = arith.subi %get3A_682, %select_n3A_690 : vector<16xi32>
      %gather3A_692 = tpu.vector_load_idx %arg6[%sub3A_691] : memref<50176xi32, #tpu.memory_space<vmem>>[vector<16xi32>], vector<16xi32>,
      %and3A_693 = arith.constant -65536 : i32
      %and3A_694 = vector.broadcast %and3A_693 : i32 to vector<16xi32>
      %and3A_695 = arith.andi %gather3A_692, %and3A_694 : vector<16xi32>
      %shift_left3A_696 = arith.constant 16 : i32
      %shift_left3A_697 = vector.broadcast %shift_left3A_696 : i32 to vector<16xi32>
      %shift_left3A_698 = arith.shli %gather3A_692, %shift_left3A_697 : vector<16xi32>
      %select_n3A_699 = arith.select %ge3A_685, %and3A_695, %shift_left3A_698 : vector<16xi1>, vector<16xi32>
      %bitcast3A_700 = vector.bitcast %select_n3A_699 : vector<16xi32> to vector<16xf32>
      %add3A_701 = arith.addf %scan3A_575, %bitcast3A_700 : vector<16xf32>
      %get3A_702 = arith.index_cast %scan3A_569 : i32 to index
      %get3A_703 = arith.constant 96 : index
      %get3A_704 = tpu.vector_load %arg8[%get3A_702, %get3A_703] {strides = array<i32>} : memref<104x128xi32, #tpu.memory_space<vmem>>, vector<16xi32>,
      %ge3A_705 = arith.constant 50176 : i32
      %ge3A_706 = vector.broadcast %ge3A_705 : i32 to vector<16xi32>
      %ge3A_707 = arith.cmpi sge, %get3A_704, %ge3A_706 : vector<16xi32>
      %jit3A_708 = arith.constant 50176 : i32
      %jit3A_709 = arith.constant 0 : i32
      %broadcast_in_dim3A_710 = vector.broadcast %jit3A_708 : i32 to vector<16xi32>
      %broadcast_in_dim3A_711 = vector.broadcast %jit3A_709 : i32 to vector<16xi32>
      %select_n3A_712 = arith.select %ge3A_707, %broadcast_in_dim3A_710, %broadcast_in_dim3A_711 : vector<16xi1>, vector<16xi32>
      %sub3A_713 = arith.subi %get3A_704, %select_n3A_712 : vector<16xi32>
      %gather3A_714 = tpu.vector_load_idx %arg6[%sub3A_713] : memref<50176xi32, #tpu.memory_space<vmem>>[vector<16xi32>], vector<16xi32>,
      %and3A_715 = arith.constant -65536 : i32
      %and3A_716 = vector.broadcast %and3A_715 : i32 to vector<16xi32>
      %and3A_717 = arith.andi %gather3A_714, %and3A_716 : vector<16xi32>
      %shift_left3A_718 = arith.constant 16 : i32
      %shift_left3A_719 = vector.broadcast %shift_left3A_718 : i32 to vector<16xi32>
      %shift_left3A_720 = arith.shli %gather3A_714, %shift_left3A_719 : vector<16xi32>
      %select_n3A_721 = arith.select %ge3A_707, %and3A_717, %shift_left3A_720 : vector<16xi1>, vector<16xi32>
      %bitcast3A_722 = vector.bitcast %select_n3A_721 : vector<16xi32> to vector<16xf32>
      %add3A_723 = arith.addf %scan3A_576, %bitcast3A_722 : vector<16xf32>
      %get3A_724 = arith.index_cast %scan3A_569 : i32 to index
      %get3A_725 = arith.constant 112 : index
      %get3A_726 = tpu.vector_load %arg8[%get3A_724, %get3A_725] {strides = array<i32>} : memref<104x128xi32, #tpu.memory_space<vmem>>, vector<16xi32>,
      %ge3A_727 = arith.constant 50176 : i32
      %ge3A_728 = vector.broadcast %ge3A_727 : i32 to vector<16xi32>
      %ge3A_729 = arith.cmpi sge, %get3A_726, %ge3A_728 : vector<16xi32>
      %jit3A_730 = arith.constant 50176 : i32
      %jit3A_731 = arith.constant 0 : i32
      %broadcast_in_dim3A_732 = vector.broadcast %jit3A_730 : i32 to vector<16xi32>
      %broadcast_in_dim3A_733 = vector.broadcast %jit3A_731 : i32 to vector<16xi32>
      %select_n3A_734 = arith.select %ge3A_729, %broadcast_in_dim3A_732, %broadcast_in_dim3A_733 : vector<16xi1>, vector<16xi32>
      %sub3A_735 = arith.subi %get3A_726, %select_n3A_734 : vector<16xi32>
      %gather3A_736 = tpu.vector_load_idx %arg6[%sub3A_735] : memref<50176xi32, #tpu.memory_space<vmem>>[vector<16xi32>], vector<16xi32>,
      %and3A_737 = arith.constant -65536 : i32
      %and3A_738 = vector.broadcast %and3A_737 : i32 to vector<16xi32>
      %and3A_739 = arith.andi %gather3A_736, %and3A_738 : vector<16xi32>
      %shift_left3A_740 = arith.constant 16 : i32
      %shift_left3A_741 = vector.broadcast %shift_left3A_740 : i32 to vector<16xi32>
      %shift_left3A_742 = arith.shli %gather3A_736, %shift_left3A_741 : vector<16xi32>
      %select_n3A_743 = arith.select %ge3A_729, %and3A_739, %shift_left3A_742 : vector<16xi1>, vector<16xi32>
      %bitcast3A_744 = vector.bitcast %select_n3A_743 : vector<16xi32> to vector<16xf32>
      %add3A_745 = arith.addf %scan3A_577, %bitcast3A_744 : vector<16xf32>
      scf.yield %add3A_591, %add3A_613, %add3A_635, %add3A_657, %add3A_679, %add3A_701, %add3A_723, %add3A_745 : vector<16xf32>, vector<16xf32>, vector<16xf32>, vector<16xf32>, vector<16xf32>, vector<16xf32>, vector<16xf32>, vector<16xf32>
    }
    %scan3A_485 = arith.constant 96 : i32
    %iota3A_486 = tpu.iota {dimensions = array<i32: 0>} : vector<16xi32>
    %add3A_487 = arith.constant 768 : i32
    %add3A_488 = vector.broadcast %add3A_487 : i32 to vector<16xi32>
    %add3A_489 = arith.addi %add3A_488, %iota3A_486 : vector<16xi32>
    %mul3A_490 = vector.broadcast %squeeze3A : f32 to vector<16xf32>
    %mul3A_491 = arith.mulf %scan3A_484#0, %mul3A_490 : vector<16xf32>
    tpu.vector_store_idx %arg9[%add3A_489], %mul3A_491 : memref<1024xf32, #tpu.memory_space<vmem>>[vector<16xi32>], vector<16xf32>,
    %add3A_492 = arith.constant 128 : i32
    %add3A_493 = vector.broadcast %add3A_492 : i32 to vector<16xi32>
    %add3A_494 = arith.addi %add3A_489, %add3A_493 : vector<16xi32>
    %mul3A_495 = vector.broadcast %squeeze3A_28 : f32 to vector<16xf32>
    %mul3A_496 = arith.mulf %scan3A_484#0, %mul3A_495 : vector<16xf32>
    tpu.vector_store_idx %arg9[%add3A_494], %mul3A_496 : memref<1024xf32, #tpu.memory_space<vmem>>[vector<16xi32>], vector<16xf32>,
    %add3A_497 = arith.constant 784 : i32
    %add3A_498 = vector.broadcast %add3A_497 : i32 to vector<16xi32>
    %add3A_499 = arith.addi %add3A_498, %iota3A_486 : vector<16xi32>
    %mul3A_500 = vector.broadcast %squeeze3A : f32 to vector<16xf32>
    %mul3A_501 = arith.mulf %scan3A_484#1, %mul3A_500 : vector<16xf32>
    tpu.vector_store_idx %arg9[%add3A_499], %mul3A_501 : memref<1024xf32, #tpu.memory_space<vmem>>[vector<16xi32>], vector<16xf32>,
    %add3A_502 = arith.constant 128 : i32
    %add3A_503 = vector.broadcast %add3A_502 : i32 to vector<16xi32>
    %add3A_504 = arith.addi %add3A_499, %add3A_503 : vector<16xi32>
    %mul3A_505 = vector.broadcast %squeeze3A_28 : f32 to vector<16xf32>
    %mul3A_506 = arith.mulf %scan3A_484#1, %mul3A_505 : vector<16xf32>
    tpu.vector_store_idx %arg9[%add3A_504], %mul3A_506 : memref<1024xf32, #tpu.memory_space<vmem>>[vector<16xi32>], vector<16xf32>,
    %add3A_507 = arith.constant 800 : i32
    %add3A_508 = vector.broadcast %add3A_507 : i32 to vector<16xi32>
    %add3A_509 = arith.addi %add3A_508, %iota3A_486 : vector<16xi32>
    %mul3A_510 = vector.broadcast %squeeze3A : f32 to vector<16xf32>
    %mul3A_511 = arith.mulf %scan3A_484#2, %mul3A_510 : vector<16xf32>
    tpu.vector_store_idx %arg9[%add3A_509], %mul3A_511 : memref<1024xf32, #tpu.memory_space<vmem>>[vector<16xi32>], vector<16xf32>,
    %add3A_512 = arith.constant 128 : i32
    %add3A_513 = vector.broadcast %add3A_512 : i32 to vector<16xi32>
    %add3A_514 = arith.addi %add3A_509, %add3A_513 : vector<16xi32>
    %mul3A_515 = vector.broadcast %squeeze3A_28 : f32 to vector<16xf32>
    %mul3A_516 = arith.mulf %scan3A_484#2, %mul3A_515 : vector<16xf32>
    tpu.vector_store_idx %arg9[%add3A_514], %mul3A_516 : memref<1024xf32, #tpu.memory_space<vmem>>[vector<16xi32>], vector<16xf32>,
    %add3A_517 = arith.constant 816 : i32
    %add3A_518 = vector.broadcast %add3A_517 : i32 to vector<16xi32>
    %add3A_519 = arith.addi %add3A_518, %iota3A_486 : vector<16xi32>
    %mul3A_520 = vector.broadcast %squeeze3A : f32 to vector<16xf32>
    %mul3A_521 = arith.mulf %scan3A_484#3, %mul3A_520 : vector<16xf32>
    tpu.vector_store_idx %arg9[%add3A_519], %mul3A_521 : memref<1024xf32, #tpu.memory_space<vmem>>[vector<16xi32>], vector<16xf32>,
    %add3A_522 = arith.constant 128 : i32
    %add3A_523 = vector.broadcast %add3A_522 : i32 to vector<16xi32>
    %add3A_524 = arith.addi %add3A_519, %add3A_523 : vector<16xi32>
    %mul3A_525 = vector.broadcast %squeeze3A_28 : f32 to vector<16xf32>
    %mul3A_526 = arith.mulf %scan3A_484#3, %mul3A_525 : vector<16xf32>
    tpu.vector_store_idx %arg9[%add3A_524], %mul3A_526 : memref<1024xf32, #tpu.memory_space<vmem>>[vector<16xi32>], vector<16xf32>,
    %add3A_527 = arith.constant 832 : i32
    %add3A_528 = vector.broadcast %add3A_527 : i32 to vector<16xi32>
    %add3A_529 = arith.addi %add3A_528, %iota3A_486 : vector<16xi32>
    %mul3A_530 = vector.broadcast %squeeze3A : f32 to vector<16xf32>
    %mul3A_531 = arith.mulf %scan3A_484#4, %mul3A_530 : vector<16xf32>
    tpu.vector_store_idx %arg9[%add3A_529], %mul3A_531 : memref<1024xf32, #tpu.memory_space<vmem>>[vector<16xi32>], vector<16xf32>,
    %add3A_532 = arith.constant 128 : i32
    %add3A_533 = vector.broadcast %add3A_532 : i32 to vector<16xi32>
    %add3A_534 = arith.addi %add3A_529, %add3A_533 : vector<16xi32>
    %mul3A_535 = vector.broadcast %squeeze3A_28 : f32 to vector<16xf32>
    %mul3A_536 = arith.mulf %scan3A_484#4, %mul3A_535 : vector<16xf32>
    tpu.vector_store_idx %arg9[%add3A_534], %mul3A_536 : memref<1024xf32, #tpu.memory_space<vmem>>[vector<16xi32>], vector<16xf32>,
    %add3A_537 = arith.constant 848 : i32
    %add3A_538 = vector.broadcast %add3A_537 : i32 to vector<16xi32>
    %add3A_539 = arith.addi %add3A_538, %iota3A_486 : vector<16xi32>
    %mul3A_540 = vector.broadcast %squeeze3A : f32 to vector<16xf32>
    %mul3A_541 = arith.mulf %scan3A_484#5, %mul3A_540 : vector<16xf32>
    tpu.vector_store_idx %arg9[%add3A_539], %mul3A_541 : memref<1024xf32, #tpu.memory_space<vmem>>[vector<16xi32>], vector<16xf32>,
    %add3A_542 = arith.constant 128 : i32
    %add3A_543 = vector.broadcast %add3A_542 : i32 to vector<16xi32>
    %add3A_544 = arith.addi %add3A_539, %add3A_543 : vector<16xi32>
    %mul3A_545 = vector.broadcast %squeeze3A_28 : f32 to vector<16xf32>
    %mul3A_546 = arith.mulf %scan3A_484#5, %mul3A_545 : vector<16xf32>
    tpu.vector_store_idx %arg9[%add3A_544], %mul3A_546 : memref<1024xf32, #tpu.memory_space<vmem>>[vector<16xi32>], vector<16xf32>,
    %add3A_547 = arith.constant 864 : i32
    %add3A_548 = vector.broadcast %add3A_547 : i32 to vector<16xi32>
    %add3A_549 = arith.addi %add3A_548, %iota3A_486 : vector<16xi32>
    %mul3A_550 = vector.broadcast %squeeze3A : f32 to vector<16xf32>
    %mul3A_551 = arith.mulf %scan3A_484#6, %mul3A_550 : vector<16xf32>
    tpu.vector_store_idx %arg9[%add3A_549], %mul3A_551 : memref<1024xf32, #tpu.memory_space<vmem>>[vector<16xi32>], vector<16xf32>,
    %add3A_552 = arith.constant 128 : i32
    %add3A_553 = vector.broadcast %add3A_552 : i32 to vector<16xi32>
    %add3A_554 = arith.addi %add3A_549, %add3A_553 : vector<16xi32>
    %mul3A_555 = vector.broadcast %squeeze3A_28 : f32 to vector<16xf32>
    %mul3A_556 = arith.mulf %scan3A_484#6, %mul3A_555 : vector<16xf32>
    tpu.vector_store_idx %arg9[%add3A_554], %mul3A_556 : memref<1024xf32, #tpu.memory_space<vmem>>[vector<16xi32>], vector<16xf32>,
    %add3A_557 = arith.constant 880 : i32
    %add3A_558 = vector.broadcast %add3A_557 : i32 to vector<16xi32>
    %add3A_559 = arith.addi %add3A_558, %iota3A_486 : vector<16xi32>
    %mul3A_560 = vector.broadcast %squeeze3A : f32 to vector<16xf32>
    %mul3A_561 = arith.mulf %scan3A_484#7, %mul3A_560 : vector<16xf32>
    tpu.vector_store_idx %arg9[%add3A_559], %mul3A_561 : memref<1024xf32, #tpu.memory_space<vmem>>[vector<16xi32>], vector<16xf32>,
    %add3A_562 = arith.constant 128 : i32
    %add3A_563 = vector.broadcast %add3A_562 : i32 to vector<16xi32>
    %add3A_564 = arith.addi %add3A_559, %add3A_563 : vector<16xi32>
    %mul3A_565 = vector.broadcast %squeeze3A_28 : f32 to vector<16xf32>
    %mul3A_566 = arith.mulf %scan3A_484#7, %mul3A_565 : vector<16xf32>
    tpu.vector_store_idx %arg9[%add3A_564], %mul3A_566 : memref<1024xf32, #tpu.memory_space<vmem>>[vector<16xi32>], vector<16xf32>,
    %mul3A_567 = arith.constant 1024 : i32
    %mul3A_568 = arith.muli %add3A, %mul3A_567 : i32
    "tpu.region"() ({
      %run_scoped3A = tpu.sem_alloc : memref<!tpu.dma_semaphore, #tpu.memory_space<semaphore_mem>>
      %dma_start3A_569 = tpu.memref_slice %arg5[%mul3A_568] : memref<32768xf32, #tpu.memory_space<hbm>> -> memref<1024xf32, #tpu.memory_space<hbm>>
      %dma_start3A_570 = tpu.memref_slice %arg5[%mul3A_568] : memref<32768xf32, #tpu.memory_space<hbm>> -> memref<1024xf32, #tpu.memory_space<hbm>>
      tpu.enqueue_dma source(%arg9 : memref<1024xf32, #tpu.memory_space<vmem>>) target(%dma_start3A_570 : memref<1024xf32, #tpu.memory_space<hbm>>) target_semaphore(%run_scoped3A : memref<!tpu.dma_semaphore, #tpu.memory_space<semaphore_mem>>)
      %dma_wait3A_571 = tpu.memref_slice %arg5[%mul3A_568] : memref<32768xf32, #tpu.memory_space<hbm>> -> memref<1024xf32, #tpu.memory_space<hbm>>
      %dma_wait3A_572 = tpu.memref_slice %arg5[%mul3A_568] : memref<32768xf32, #tpu.memory_space<hbm>> -> memref<1024xf32, #tpu.memory_space<hbm>>
      tpu.wait_dma2 semaphore(%run_scoped3A : memref<!tpu.dma_semaphore, #tpu.memory_space<semaphore_mem>>) src(%arg9 : memref<1024xf32, #tpu.memory_space<vmem>>) dst(%dma_wait3A_572 : memref<1024xf32, #tpu.memory_space<hbm>>)
      tpu.yield
    }) : () -> ()
    return
  }
}

module attributes {stable_mosaic.version = 14 : i64} {
  func.func @_fuse_body(%arg0: memref<784x128xf32, #tpu.memory_space<vmem>>, %arg1: memref<784x128xf32, #tpu.memory_space<vmem>>, %arg2: memref<784x128xf32, #tpu.memory_space<vmem>>, %arg3: memref<392x128xi32, #tpu.memory_space<vmem>>) attributes {dimension_semantics = [], scalar_prefetch = 0 : i64, scratch_operands = 0 : i64, tpu.core_type = #tpu.core_type<tc>} {
    %get3A = arith.constant 0 : index
    %get3A_0 = arith.constant 0 : index
    %get3A_1 = vector.load %arg0[%get3A, %get3A_0] : memref<784x128xf32, #tpu.memory_space<vmem>>, vector<392x128xf32>
    %add3A = arith.constant 4.000000e-01 : f32
    %add3A_2 = vector.broadcast %add3A : f32 to vector<392x128xf32>
    %add3A_3 = arith.addf %get3A_1, %add3A_2 : vector<392x128xf32>
    %get3A_4 = arith.constant 0 : index
    %get3A_5 = arith.constant 0 : index
    %get3A_6 = vector.load %arg1[%get3A_4, %get3A_5] : memref<784x128xf32, #tpu.memory_space<vmem>>, vector<392x128xf32>
    %mul3A = arith.constant 6.000000e-01 : f32
    %mul3A_7 = vector.broadcast %mul3A : f32 to vector<392x128xf32>
    %mul3A_8 = arith.mulf %mul3A_7, %get3A_6 : vector<392x128xf32>
    %get3A_9 = arith.constant 0 : index
    %get3A_10 = arith.constant 0 : index
    %get3A_11 = vector.load %arg2[%get3A_9, %get3A_10] : memref<784x128xf32, #tpu.memory_space<vmem>>, vector<392x128xf32>
    %mul3A_12 = arith.constant 4.000000e-01 : f32
    %mul3A_13 = vector.broadcast %mul3A_12 : f32 to vector<392x128xf32>
    %mul3A_14 = arith.mulf %mul3A_13, %get3A_11 : vector<392x128xf32>
    %add3A_15 = arith.addf %mul3A_8, %mul3A_14 : vector<392x128xf32>
    %mul3A_16 = arith.mulf %add3A_3, %add3A_15 : vector<392x128xf32>
    %convert_element_type3A = arith.truncf %mul3A_16 : vector<392x128xf32> to vector<392x128xbf16>
    %convert_element_type3A_17 = arith.extf %convert_element_type3A : vector<392x128xbf16> to vector<392x128xf32>
    %bitcast_convert_type3A = tpu.bitcast %convert_element_type3A_17 : vector<392x128xf32> -> vector<392x128xi32>
    %get3A_18 = arith.constant 392 : index
    %get3A_19 = arith.constant 0 : index
    %get3A_20 = vector.load %arg0[%get3A_18, %get3A_19] : memref<784x128xf32, #tpu.memory_space<vmem>>, vector<392x128xf32>
    %add3A_21 = arith.constant 4.000000e-01 : f32
    %add3A_22 = vector.broadcast %add3A_21 : f32 to vector<392x128xf32>
    %add3A_23 = arith.addf %get3A_20, %add3A_22 : vector<392x128xf32>
    %get3A_24 = arith.constant 392 : index
    %get3A_25 = arith.constant 0 : index
    %get3A_26 = vector.load %arg1[%get3A_24, %get3A_25] : memref<784x128xf32, #tpu.memory_space<vmem>>, vector<392x128xf32>
    %mul3A_27 = arith.constant 6.000000e-01 : f32
    %mul3A_28 = vector.broadcast %mul3A_27 : f32 to vector<392x128xf32>
    %mul3A_29 = arith.mulf %mul3A_28, %get3A_26 : vector<392x128xf32>
    %get3A_30 = arith.constant 392 : index
    %get3A_31 = arith.constant 0 : index
    %get3A_32 = vector.load %arg2[%get3A_30, %get3A_31] : memref<784x128xf32, #tpu.memory_space<vmem>>, vector<392x128xf32>
    %mul3A_33 = arith.constant 4.000000e-01 : f32
    %mul3A_34 = vector.broadcast %mul3A_33 : f32 to vector<392x128xf32>
    %mul3A_35 = arith.mulf %mul3A_34, %get3A_32 : vector<392x128xf32>
    %add3A_36 = arith.addf %mul3A_29, %mul3A_35 : vector<392x128xf32>
    %mul3A_37 = arith.mulf %add3A_23, %add3A_36 : vector<392x128xf32>
    %convert_element_type3A_38 = arith.truncf %mul3A_37 : vector<392x128xf32> to vector<392x128xbf16>
    %convert_element_type3A_39 = arith.extf %convert_element_type3A_38 : vector<392x128xbf16> to vector<392x128xf32>
    %bitcast_convert_type3A_40 = tpu.bitcast %convert_element_type3A_39 : vector<392x128xf32> -> vector<392x128xi32>
    %shift_right_logical3A = arith.constant 16 : i32
    %shift_right_logical3A_41 = vector.broadcast %shift_right_logical3A : i32 to vector<392x128xi32>
    %shift_right_logical3A_42 = arith.shrui %bitcast_convert_type3A, %shift_right_logical3A_41 : vector<392x128xi32>
    %and3A = arith.constant -65536 : i32
    %and3A_43 = vector.broadcast %and3A : i32 to vector<392x128xi32>
    %and3A_44 = arith.andi %bitcast_convert_type3A_40, %and3A_43 : vector<392x128xi32>
    %or3A = arith.ori %shift_right_logical3A_42, %and3A_44 : vector<392x128xi32>
    %swap3A = arith.constant 0 : index
    %swap3A_45 = arith.constant 0 : index
    %swap3A_46 = vector.load %arg3[%swap3A, %swap3A_45] : memref<392x128xi32, #tpu.memory_space<vmem>>, vector<392x128xi32>
    tpu.vector_store %arg3[%swap3A, %swap3A_45], %or3A {strides = array<i32>} : memref<392x128xi32, #tpu.memory_space<vmem>>, vector<392x128xi32>,
    return
  }
}

</mosaic_0001>

<sc_bundles>
// kernel: kernel.4.cloned.1.call-start
scs
__scs_entry_jumppad:
0x0: {  	(pc) =	sbr.rel $0x88, $3  }
0x1: {  	(tag) =	ssettag $0x0;
	lr =	simm.s32 $0x1  }
0x2: {  	[smem:$0x3F9C] =	sst lr;
	_ =	strace $0xD0000000  }
0x3: {  	_ = 	snop  }
0x4: {  	_ = 	snop  }
0x5: {  	_ = 	snop  }
0x6: {  	_ = 	snop  }
0x7: {  	_ = 	snop  }
__scs_overlays_trampoline_lowered:
0x8: {  	[smem:$0x3FAB] =	sst s0  }
0x9: {  	[smem:$0x3FAC] =	sst s1  }
0xa: {  	[smem:$0x3FAD] =	sst s2  }
0xb: {  	[smem:$0x3FAE] =	sst s3  }
0xc: {  	[smem:$0x3FAF] =	sst s4  }
0xd: {  	[smem:$0x3FB0] =	sst s5  }
0xe: {  	[smem:$0x3FB1] =	sst s6  }
0xf: {  	[smem:$0x3FB2] =	sst s7  }
0x10: {  	[smem:$0x3FB3] =	sst s8  }
0x11: {  	[smem:$0x3FB4] =	sst s9;
	s0 =	simm.s32 @!p0 $0x0  }
0x12: {  	s1 =	sld [smem:$0x3F9A];
	s0 =	simm.s32 @p0 $0x1  }
0x13: {  	[smem:$0x3FB5] =	sst s0;
	s0 =	simm.s32 @!p1 $0x0  }
0x14: {  	s2 =	sld [smem:$0x3F99];
	s0 =	simm.s32 @p1 $0x1  }
0x15: {  	[smem:$0x3FB6] =	sst s0;
	s0 =	simm.s32 @!p2 $0x0  }
0x16: {  	s3 =	sld [smem:$0x3FDB];
	s0 =	simm.s32 @p2 $0x1  }
0x17: {  	s4 =	simm.s32 $0x1BF5;
	[smem:$0x3FB8] =	sst s0  }
0x18: {  	s0 =	sld [smem:$0x3F9B];
	_ =	swait.ge [sflag:s4], $0x0  }
0x19: {  	s7 =	sld [smem:$0x3F9C]  }
0x1a: {  	s8 =	sadd.s32 $0xFFFFE003, lr  }
0x1b: {  	s9 =	sadd.s32 $0xFFFFFEF7, lr;
	s5 =	simm.s32 $0xFFFFFFFF;
	p2 =	slt.u32 s8, $0xFFFFF086  }
0x1c: {  	p1 =	slt.u32 s9, $0xF7A;
	s5 =	simm.s32 @!p2 $0x0  }
0x1d: {  	s5 =	simm.s32 @p1 $0x1;
	p0 =	seq.s32 s7, s2  }
0x1e: {  	s7 =	smul.u32 @!p0 $0xF7A, s2;
	p2 =	seq.s32 @!p0 s5, $0x0  }
0x1f: {  	s9 =	smul.u32 $0xF7A, s1;
	s8 =	simm.s32 @!p0 $0x1BF5;
	p2 =	por !p2, p0  }
0x20: {  	[sflag:s8] =	ssyncset.s32 @!p0 $0xFFFFF086;
	s6 =	sadd.s32 @!p0 s3, s7;
	s7 =	simm.s32 @!p0 $0x108  }
0x21: {  	s3 =	sadd.s32 s3, s9;
	s6 =	sadd.s32 @!p0 $0x88, s6;
	s7 =	simm.s32 @p2 $0x1082  }
0x22: {  	[simem:s7], [sflag:s8] =	dma.local @!p0 [hbm:s6], $0xF7A  }
0x23: {  	s9 =	sor.u32 $0xD0000000, s2;
	s6 =	simm.s32 $0x108;
	_ =	swait.ge @!p0 [sflag:s8], $0x0  }
0x24: {  	s3 =	sadd.s32 $0x88, s3;
	s6 =	simm.s32 @!p1 $0x1082;
	[sflag:s4] =	ssyncset.s32 $0xFFFFF086  }
0x25: {  	[simem:s6], [sflag:s4] =	dma.local [hbm:s3], $0xF7A  }
0x26: {  	[smem:$0x3F9C] =	sst s1;
	(tag) =	ssettag s2;
	_ =	strace s9  }
0x27: {  	s1 =	sld [smem:$0x3FAC]  }
0x28: {  	s2 =	sld [smem:$0x3FAD]  }
0x29: {  	s4 =	sld [smem:$0x3FAF]  }
0x2a: {  	p0 =	seq.s32 s5, $0x0;
	s5 =	sld [smem:$0x3FB0]  }
0x2b: {  	s6 =	sld [smem:$0x3FB1]  }
0x2c: {  	s7 =	sld [smem:$0x3FB2]  }
0x2d: {  	s3 =	simm.s32 $0x108;
	s8 =	sld [smem:$0x3FB3]  }
0x2e: {  	s3 =	simm.s32 @!p0 $0x1082;
	s9 =	sld [smem:$0x3FB4]  }
0x2f: {  	lr =	sadd.s32 s0, s3;
	s0 =	sld [smem:$0x3FAB]  }
0x30: {  	s3 =	sld [smem:$0x3FAE]  }
0x31: {  	[smem:$0x3FB7] =	sst s10  }
0x32: {  	s10 =	sld [smem:$0x3FB5];
	_ =	sdelay $0x3  }
0x33: {  	p0 =	seq.s32 s10, $0x1;
	s10 =	sld [smem:$0x3FB7];
	_ =	sdelay $0x3  }
0x34: {  	[smem:$0x3FB7] =	sst s10  }
0x35: {  	s10 =	sld [smem:$0x3FB6];
	_ =	sdelay $0x3  }
0x36: {  	p1 =	seq.s32 s10, $0x1;
	s10 =	sld [smem:$0x3FB7];
	_ =	sdelay $0x3  }
0x37: {  	[smem:$0x3FB7] =	sst s10  }
0x38: {  	s10 =	sld [smem:$0x3FB8]  }
0x39: {  	_ = 	snop;
	(pc) =	sbr.ind lr, $3  }
0x3a: {  	_ = 	snop  }
0x3b: {  	_ = 	snop  }
0x3c: {  	p2 =	seq.s32 s10, $0x1;
	s10 =	sld [smem:$0x3FB7]  }
0x3d: {  	_ =	shalt  }
0x3e: {  	_ =	shalt  }
0x3f: {  	_ =	shalt  }
0x40: {  	_ =	shalt  }
0x41: {  	_ =	shalt  }
0x42: {  	_ =	shalt  }
0x43: {  	_ =	shalt  }
0x44: {  	_ =	shalt  }
0x45: {  	_ =	shalt  }
0x46: {  	_ =	shalt  }
0x47: {  	_ =	shalt  }
0x48: {  	_ =	shalt  }
0x49: {  	_ =	shalt  }
0x4a: {  	_ =	shalt  }
0x4b: {  	_ =	shalt  }
0x4c: {  	_ =	shalt  }
0x4d: {  	_ =	shalt  }
0x4e: {  	_ =	shalt  }
0x4f: {  	_ =	shalt  }
0x50: {  	_ =	shalt  }
0x51: {  	_ =	shalt  }
0x52: {  	_ =	shalt  }
0x53: {  	_ =	shalt  }
0x54: {  	_ =	shalt  }
0x55: {  	_ =	shalt  }
0x56: {  	_ =	shalt  }
0x57: {  	_ =	shalt  }
0x58: {  	_ =	shalt  }
0x59: {  	_ =	shalt  }
0x5a: {  	_ =	shalt  }
0x5b: {  	_ =	shalt  }
0x5c: {  	_ =	shalt  }
0x5d: {  	_ =	shalt  }
0x5e: {  	_ =	shalt  }
0x5f: {  	_ =	shalt  }
0x60: {  	_ =	shalt  }
0x61: {  	_ =	shalt  }
0x62: {  	_ =	shalt  }
0x63: {  	_ =	shalt  }
0x64: {  	_ =	shalt  }
0x65: {  	_ =	shalt  }
0x66: {  	_ =	shalt  }
0x67: {  	_ =	shalt  }
0x68: {  	_ =	shalt  }
0x69: {  	_ =	shalt  }
0x6a: {  	_ =	shalt  }
0x6b: {  	_ =	shalt  }
0x6c: {  	_ =	shalt  }
0x6d: {  	_ =	shalt  }
0x6e: {  	_ =	shalt  }
0x6f: {  	_ =	shalt  }
0x70: {  	_ =	shalt  }
0x71: {  	_ =	shalt  }
0x72: {  	_ =	shalt  }
0x73: {  	_ =	shalt  }
0x74: {  	_ =	shalt  }
0x75: {  	_ =	shalt  }
0x76: {  	_ =	shalt  }
0x77: {  	_ =	shalt  }
0x78: {  	_ =	shalt  }
0x79: {  	_ =	shalt  }
0x7a: {  	_ =	shalt  }
0x7b: {  	_ =	shalt  }
0x7c: {  	_ =	shalt  }
0x7d: {  	_ =	shalt  }
0x7e: {  	_ =	shalt  }
0x7f: {  	_ =	shalt  }
0x80: {  	_ =	shalt  }
0x81: {  	_ =	shalt  }
0x82: {  	_ =	shalt  }
0x83: {  	_ =	shalt  }
0x84: {  	_ =	shalt  }
0x85: {  	_ =	shalt  }
0x86: {  	_ =	shalt  }
0x87: {  	_ =	shalt  }
.Lfunc_end0:
.L_simem_size_0:
called_computation_lowered:
.L_overlay_start_0:
0x88: {  	s2 =	sld [smem:$0x3FD9]  }
0x89: {  	s3 =	sld [smem:$0x3FFE];
	_ =	sdelay $0x1  }
0x8a: {  	s1 =	srdreg.scid  }
0x8b: {  	s0 =	sand.u32 $0x1, s1  }
0x8c: {  	s17 =	sshll.u32 s0, $0xA;
	s2 =	sadd.s32 s3, s2  }
0x8d: {  	s2 =	sadd.s32 s2, s17  }
0x8e: {  	[smem:$0x3FC3] =	sst s2  }
0x8f: {  	_ = 	snop  }
0x90: {  	s2 =	sld [smem:$0x3FC9]  }
0x91: {  	s18 =	sld [smem:$0x3FD0];
	(tm) =	ssettm $0x1  }
0x92: {  	s4 =	sld [smem:$0x3FFB];
	_ =	sdelay $0x3  }
0x93: {  	_ =	strace s4  }
0x94: {  	s4 =	sld [smem:$0x3FFC];
	_ =	sdelay $0x3  }
0x95: {  	_ =	strace s4  }
0x96: {  	s4 =	sld [smem:$0x3FFD];
	_ =	sdelay $0x3  }
0x97: {  	_ =	strace s4  }
0x98: {  	_ =	strace $0x8FFFFFFF  }
0x99: {  	s19 =	sld [smem:$0x3FDB];
	_ =	sdelay $0x1  }
0x9a: {  	s5 =	simm.s32 $_scs_section_size  }
0x9b: {  	s6 =	simm.s32 $_size__tile_overlayer_lowered;
	s7 =	simm.s32 $_tile_overlayer_lowered  }
0x9c: {  	s22 =	simm.s32 $0x1BFF;
	s21 =	sshll.u32 s7, $0x1;
	s4 =	sadd.s32 s5, s19  }
0x9d: {  	s8 =	simm.s32 $0x0;
	s20 =	sshll.u32 s6, $0x1;
	s6 =	sadd.s32 s21, s4  }
0x9e: {  	[timem:s8], [sflag:s22] =	dma.local [hbm:s6], s20  }
0x9f: {  	_ =	swait.ge [sflag:s22], s20  }
0xa0: {  	s5 =	ssub.s32 $0x0, s20;
	[sflag:s22] =	ssyncset.done $0x0  }
0xa1: {  	[sflag:s22] =	ssyncadd.s32 s5;
	_ =	sdelay $0x1  }
0xa2: {  	s23 =	simm.s32 $0x1B8B  }
0xa3: {  	_ =	swait.ge [sflag:s23], $0x1  }
0xa4: {  	[sflag:s23] =	ssyncset.done $0x0  }
0xa5: {  	s25 =	simm.s32 $0x1B8E;
	s24 =	sld [smem:$0x3FFE];
	[sflag:s23] =	ssyncadd.s32 $0xFFFFFFFF  }
0xa6: {  	s26 =	simm.s32 $execute0_lowered;
	[smem:$0x3FD2] =	sst s25  }
0xa7: {  	s6 =	sshll.u32 s26, $0x1;
	_ =	strace $0x80000046;
	[dreg:$0x1] =	wrdreg $0xFFFFFFFF  }
0xa8: {  	s28 =	simm.s32 $_size_execute0_lowered;
	s4 =	sadd.s32 s4, s6;
	[dreg:$0x0] =	wrdreg $0x0  }
0xa9: {  	s6 =	sshll.u32 s28, $0x1;
	[dreg:$0x2] =	wrdreg s4  }
0xaa: {  	[dreg:$0x3] =	wrdreg s6  }
0xab: {  	[dreg:$0x4] =	wrdreg $0xC0  }
0xac: {  	_ =	task [dreg:s8], $0x5FFFF  }
0xad: {  	[dreg:$0x1] =	wrdreg $0xFFFFFFFF  }
0xae: {  	[dreg:$0x0] =	wrdreg $0x60  }
0xaf: {  	[dreg:$0x2] =	wrdreg s24  }
0xb0: {  	[dreg:$0x3] =	wrdreg s2  }
0xb1: {  	[dreg:$0x4] =	wrdreg s18  }
0xb2: {  	[dreg:$0x5] =	wrdreg $0x9  }
0xb3: {  	_ =	task.clear_ibuf [dreg:s8], $0x6FFFF;
	_ =	strace $0x90000046  }
0xb4: {  	s29 =	simm.s32 $0x9;
	_ =	strace $0x80000048  }
0xb5: {  	_ =	swait.ge [sflag:s29], $0x1  }
0xb6: {  	[sflag:s29] =	ssyncadd.s32 $0xFFFFFFFF  }
0xb7: {  	_ =	strace $0x90000048  }
0xb8: {  	_ =	sfence  }
0xb9: {  	s30 =	sld [smem:$0x0];
	_ =	sdelay $0x2  }
0xba: {  	s31 =	sshll.u32 s1, $0xD;
	s1 =	sshrl.u32 s1, $0x2  }
0xbb: {  	s3 =	sand.u32 $0x4000, s31;
	s1 =	sadd.s32 s1, s30  }
0xbc: {  	s0 =	sor.u32 s3, s0;
	s1 =	sshll.u32 s1, $0x11  }
0xbd: {  	s0 =	sor.u32 s1, s0  }
0xbe: {  	s0 =	sadd.s32 $0x8F2B, s0  }
0xbf: {  	[sflag:s0] =	ssyncadd.remote.s32 $0x1  }
0xc0: {  	_ =	sfence.sel $0xFFFF  }
0xc1: {  	[dreg:$0x0] =	wrdreg $0xFFFFFFFF;
	(pc) =	sbr.abs _section_cstart, $3  }
0xc2: {  	[dreg:$0x1] =	wrdreg $0xFFFFFFFF  }
0xc3: {  	_ =	task.clear_ibuf [dreg:s8], $0x2FFFF;
	_ =	strace $0x9FFFFFFF  }
0xc4: {  	(tm) =	ssettm $0x7FFFFFFF  }
0xc5: {  	_ =	shalt  }
tec
execute0_lowered:
.L_overlay_start_1:
0x0: {  	(tag) =	ssettag $0x1  }
0x1: {  	s4 =	rddreg [dreg:$0x0]  }
0x2: {  	s5 =	rddreg [dreg:$0x1]  }
0x3: {  	s13 =	rddreg [dreg:$0x2]  }
0x4: {  	s0 =	rddreg [dreg:$0x3]  }
0x5: {  	s2 =	simm.s32 $0x0;
	s3 =	srdreg.scid;
	s1 =	stileid.u32  }
0x6: {  	s16 =	simm.s32 $0x20000;
	s17 =	simm.s32 $0xC400;
	s18 =	simm.s32 $0xF800  }
0x7: {  	s19 =	simm.s32 $0x13000;
	s20 =	simm.s32 $0x4;
	s21 =	simm.s32 $0x1  }
0x8: {  	s22 =	simm.s32 $0x2;
	s23 =	simm.s32 $0x3;
	s24 =	simm.s32 $0x12C00  }
0x9: {  	s25 =	simm.s32 $0x0;
	[smem:$0x7FF] =	sst s2;
	s3 =	sand.u32 $0x1, s3  }
0xa: {  	s6 =	sshll.u32 s1, $0x1;
	_ =	strace $0x80000047;
	s7 =	ssub.s32 $0x2, s3  }
0xb: {  	s11 =	sor.u32 s3, s6;
	s3 =	sadd.s32 $0x400, s4;
	s4 =	sadd.s32 $0x200, s4  }
0xc: {  	v0 =	vimm.s32 $0x0;
	v1 =	vlaneseq.u32;
	s31 =	sshrl.u32 s7, $0x1;
	s8 =	sshll.u32 s11, $0x9;
	s15 =	sshll.u32 s11, $0x7  }
0xd: {  	v2 =	vor.u32 $0x80, v1;
	v3 =	vor.u32 $0x10, v1;
	v4 =	vor.u32 $0x90, v1;
	s14 =	ssub.s32 s7, s31;
	s5 =	sadd.s32 s5, s8;
	s13 =	sadd.s32 s13, s15  }
0xe: {  	v5 =	vor.u32 $0x20, v1;
	v6 =	vor.u32 $0xA0, v1;
	v7 =	vor.u32 $0x30, v1;
	s15 =	simm.s32 $0x400;
	s6 =	sadd.s32 $0x34000, s5;
	s7 =	sadd.s32 $0x80, s5  }
0xf: {  	v8 =	vor.u32 $0xB0, v1;
	v9 =	vor.u32 $0x40, v1;
	v10 =	vor.u32 $0xC0, v1;
	s8 =	sadd.s32 $0x34080, s5;
	s9 =	sadd.s32 $0x100, s5;
	s10 =	sadd.s32 $0x34100, s5  }
0x10: {  	v11 =	vor.u32 $0x50, v1;
	v12 =	vor.u32 $0xD0, v1;
	v13 =	vor.u32 $0x60, v1;
	s11 =	sadd.s32 $0x180, s5;
	s12 =	sadd.s32 $0x34180, s5;
	s14 =	smax.u32 s14, $0x1  }
.LBB2_1:
0x11: {  	[tilespmem:s2], [sflag:$0x1] =	stream.linear.gather [hbm4b:s3+s2], $0xC400, $0x38;
	[tilespmem:$0x13080] =	vst v63  }
0x12: {  	_ = 	snop  }
0x13: {  	[tilespmem:s17], [sflag:$0x2] =	stream.strided.gather [hbm4b:s5+s15], $0x3400, s16, s15, $0x38;
	[tilespmem:$0x13080] =	vst v63  }
0x14: {  	_ = 	snop  }
0x15: {  	[tilespmem:s18], [sflag:$0x3] =	stream.strided.gather [hbm4b:s6+s15], $0x3000, s16, s15, $0x38;
	[tilespmem:$0x13080] =	vst v63  }
0x16: {  	_ = 	snop  }
0x17: {  	[tilespmem:s19], [sflag:$0x4] =	stream.linear.gather [hbm4b:s4+s2], $0x80, $0x38;
	[tilespmem:$0x13080] =	vst v63  }
0x18: {  	_ =	swait.ge [sflag:s20], $0x80  }
0x19: {  	[sflag:s20] =	ssyncset.done $0x0  }
0x1a: {  	[sflag:s20] =	ssyncadd.s32 $0xFFFFFF80  }
0x1b: {  	v15 =	vld [tilespmem:$0x13000];
	_ =	swait.ge [sflag:s21], $0xC400  }
0x1c: {  	[sflag:s21] =	ssyncset.done $0x0  }
0x1d: {  	[sflag:s21] =	ssyncadd.s32 $0xFFFF3C00  }
0x1e: {  	_ =	swait.ge [sflag:s22], $0x3400  }
0x1f: {  	[sflag:s22] =	ssyncset.done $0x0  }
0x20: {  	s26 =	simm.s32 $0x0;
	[sflag:s22] =	ssyncadd.s32 $0xFFFFCC00  }
0x21: {  	v14 =	vld [tilespmem:s26+$0xC470]  }
0x22: {  	v16 =	vld [tilespmem:s26+$0xC400];
	_ =	sdelay $0x1  }
0x23: {  	v17 =	vld [tilespmem:s26+$0xC410]  }
0x24: {  	v18 =	vld [tilespmem:s26+$0xC420]  }
0x25: {  	v19 =	vld [tilespmem:s26+$0xC430];
	vm7 =	vgt.s32 v14, $0xC3FF  }
0x26: {  	v21 =	vld [tilespmem:s26+$0xC440];
	vm6 =	vgt.s32 v16, $0xC3FF;
	v20 =	vsel vm7, $0xFFFF3C00, v0  }
0x27: {  	v22 =	vsel vm6, $0xFFFF3C00, v0;
	v14 =	vadd.s32 v14, v20;
	v20 =	vld [tilespmem:s26+$0xC450]  }
0x28: {  	vm4 =	vgt.s32 v17, $0xC3FF;
	v16 =	vadd.s32 v16, v22;
	v22 =	vld [tilespmem:s26+$0xC460]  }
0x29: {  	vm5 =	vgt.s32 v18, $0xC3FF;
	v23 =	vsel vm4, $0xFFFF3C00, v0  }
0x2a: {  	vm3 =	vgt.s32 v19, $0xC3FF;
	v17 =	vadd.s32 v17, v23;
	v23 =	vsel vm5, $0xFFFF3C00, v0  }
0x2b: {  	vm2 =	vgt.s32 v21, $0xC3FF;
	v18 =	vadd.s32 v18, v23;
	v23 =	vsel vm3, $0xFFFF3C00, v0  }
0x2c: {  	v19 =	vadd.s32 v19, v23;
	v25 =	vld.idx.msk [tilespmem:v14+s2+$0x0], $0xffff;
	v14 =	vsel vm2, $0xFFFF3C00, v0;
	vm0 =	vgt.s32 v20, $0xC3FF  }
0x2d: {  	v16 =	vld.idx.msk [tilespmem:v16+s2+$0x0], $0xffff;
	vm8 =	vgt.s32 v22, $0xC3FF;
	v21 =	vadd.s32 v21, v14;
	v14 =	vsel vm0, $0xFFFF3C00, v0  }
0x2e: {  	v20 =	vadd.s32 v20, v14;
	v14 =	vsel vm8, $0xFFFF3C00, v0  }
0x2f: {  	v28 =	vld.idx.msk [tilespmem:v17+s2+$0x0], $0xffff;
	v17 =	vadd.s32 v22, v14  }
0x30: {  	v26 =	vld.idx.msk [tilespmem:v18+s2+$0x0], $0xffff;
	vm1 =	vmmov vm0;
	vm0 =	vmmov vm8;
	v14 =	vimm.f32 $0.0e+00  }
0x31: {  	v24 =	vld.idx.msk [tilespmem:v19+s2+$0x0], $0xffff;
	v22 =	vimm.f32 $0.0e+00;
	v18 =	vand.u32 $0xFFFF0000, v25;
	v19 =	vshll.u32 v25, $0x10  }
0x32: {  	v30 =	vand.u32 $0xFFFF0000, v16;
	v31 =	vshll.u32 v16, $0x10;
	v16 =	vimm.f32 $0.0e+00;
	v25 =	vld.idx.msk [tilespmem:v21+s2+$0x0], $0xffff  }
0x33: {  	v29 =	vsel vm7, v18, v19;
	v21 =	vimm.f32 $0.0e+00;
	v19 =	vimm.f32 $0.0e+00;
	v23 =	vld.idx.msk [tilespmem:v20+s2+$0x0], $0xffff  }
0x34: {  	s28 =	simm.s32 $0x80;
	s26 =	simm.s32 $0x400;
	v18 =	vimm.f32 $0.0e+00;
	v20 =	vimm.f32 $0.0e+00;
	v27 =	vld.idx.msk [tilespmem:v17+s2+$0x0], $0xffff;
	v17 =	vimm.f32 $0.0e+00  }
.LBB2_2:
0x35: {  	p0 =	sne.s32 s26, $0xCE00;
	v32 =	vld [tilespmem:s28+$0xC470];
	v33 =	vand.u32 $0xFFFF0000, v28;
	v28 =	vshll.u32 v28, $0x10;
	v14 =	vadd.f32 v29, v14  }
0x36: {  	v30 =	vsel vm6, v30, v31;
	v31 =	vand.u32 $0xFFFF0000, v26;
	v26 =	vshll.u32 v26, $0x10;
	v29 =	vld [tilespmem:s28+$0xC400]  }
0x37: {  	v33 =	vsel vm4, v33, v28;
	v28 =	vand.u32 $0xFFFF0000, v24;
	v24 =	vshll.u32 v24, $0x10;
	v34 =	vld [tilespmem:s28+$0xC410]  }
0x38: {  	v31 =	vsel vm5, v31, v26;
	v26 =	vand.u32 $0xFFFF0000, v25;
	v25 =	vshll.u32 v25, $0x10;
	v35 =	vld [tilespmem:s28+$0xC420]  }
0x39: {  	v37 =	vsel vm3, v28, v24;
	v24 =	vand.u32 $0xFFFF0000, v23;
	v23 =	vshll.u32 v23, $0x10;
	v36 =	vld [tilespmem:s28+$0xC430]  }
0x3a: {  	v38 =	vand.u32 $0xFFFF0000, v27;
	v27 =	vshll.u32 v27, $0x10;
	v28 =	vld [tilespmem:s28+$0xC440];
	vm7 =	vgt.s32 v32, $0xC3FF  }
0x3b: {  	v25 =	vsel vm2, v26, v25;
	vm6 =	vgt.s32 v29, $0xC3FF;
	v39 =	vld [tilespmem:s28+$0xC450];
	v40 =	vsel vm7, $0xFFFF3C00, v0  }
0x3c: {  	v26 =	vsel vm6, $0xFFFF3C00, v0;
	vm4 =	vgt.s32 v34, $0xC3FF;
	v41 =	vld [tilespmem:s28+$0xC460];
	v32 =	vadd.s32 v32, v40  }
0x3d: {  	v26 =	vadd.s32 v29, v26;
	v29 =	vsel vm4, $0xFFFF3C00, v0;
	vm5 =	vgt.s32 v35, $0xC3FF  }
0x3e: {  	v29 =	vadd.s32 v34, v29;
	v34 =	vsel vm5, $0xFFFF3C00, v0;
	vm3 =	vgt.s32 v36, $0xC3FF  }
0x3f: {  	v34 =	vadd.s32 v35, v34;
	v35 =	vsel vm3, $0xFFFF3C00, v0;
	vm2 =	vgt.s32 v28, $0xC3FF  }
0x40: {  	v35 =	vadd.s32 v36, v35;
	v36 =	vsel vm2, $0xFFFF3C00, v0;
	vm8 =	vgt.s32 v39, $0xC3FF  }
0x41: {  	v36 =	vadd.s32 v28, v36;
	v28 =	vsel vm8, $0xFFFF3C00, v0;
	vm9 =	vgt.s32 v41, $0xC3FF;
	v32 =	vld.idx.msk [tilespmem:v32+s2+$0x0], $0xffff  }
0x42: {  	v23 =	vsel vm1, v24, v23;
	v40 =	vld.idx.msk [tilespmem:v26+s2+$0x0], $0xffff;
	v39 =	vadd.s32 v39, v28;
	v26 =	vsel vm9, $0xFFFF3C00, v0  }
0x43: {  	v21 =	vadd.f32 v30, v21;
	v27 =	vsel vm0, v38, v27;
	v28 =	vld.idx.msk [tilespmem:v29+s2+$0x0], $0xffff;
	v29 =	vadd.s32 v41, v26  }
.Ltmp0:
0x44: {  	v19 =	vadd.f32 v33, v19;
	v20 =	vadd.f32 v31, v20;
	vm1 =	vmmov vm8;
	v26 =	vld.idx.msk [tilespmem:v34+s2+$0x0], $0xffff;
	(pc) =	sbr.rel @p0 .LBB2_2-.Ltmp0, $4  }
0x45: {  	v16 =	vadd.f32 v37, v16;
	v22 =	vadd.f32 v25, v22;
	vm0 =	vmmov vm9;
	v24 =	vld.idx.msk [tilespmem:v35+s2+$0x0], $0xffff  }
0x46: {  	v17 =	vadd.f32 v23, v17;
	v18 =	vadd.f32 v27, v18;
	v25 =	vld.idx.msk [tilespmem:v36+s2+$0x0], $0xffff  }
0x47: {  	v33 =	vand.u32 $0xFFFF0000, v32;
	v32 =	vshll.u32 v32, $0x10;
	v23 =	vld.idx.msk [tilespmem:v39+s2+$0x0], $0xffff  }
0x48: {  	s28 =	sshra.s32 s26, $0x2;
	s26 =	sadd.s32 $0x200, s26;
	v30 =	vand.u32 $0xFFFF0000, v40;
	v31 =	vshll.u32 v40, $0x10;
	v27 =	vld.idx.msk [tilespmem:v29+s2+$0x0], $0xffff;
	v29 =	vsel vm7, v33, v32  }
0x49: {  	v32 =	vld [tilespmem:s28+$0xC470]  }
0x4a: {  	v33 =	vld [tilespmem:s28+$0xC400]  }
0x4b: {  	v34 =	vld [tilespmem:s28+$0xC410]  }
0x4c: {  	v35 =	vld [tilespmem:s28+$0xC420]  }
0x4d: {  	v36 =	vld [tilespmem:s28+$0xC430];
	v37 =	vand.u32 $0xFFFF0000, v28;
	v30 =	vsel vm6, v30, v31  }
0x4e: {  	v38 =	vld [tilespmem:s28+$0xC440];
	v28 =	vshll.u32 v28, $0x10;
	v61 =	vand.u32 $0xFFFF0000, v26;
	vm11 =	vgt.s32 v32, $0xC3FF  }
0x4f: {  	v31 =	vld [tilespmem:s28+$0xC450];
	v26 =	vshll.u32 v26, $0x10;
	vm7 =	vgt.s32 v33, $0xC3FF;
	v39 =	vsel vm11, $0xFFFF3C00, v0  }
0x50: {  	v41 =	vld [tilespmem:s28+$0xC460];
	vm8 =	vgt.s32 v34, $0xC3FF;
	v40 =	vsel vm7, $0xFFFF3C00, v0;
	v32 =	vadd.s32 v32, v39  }
0x51: {  	vm10 =	vgt.s32 v35, $0xC3FF;
	v55 =	vsel vm8, $0xFFFF3C00, v0;
	v33 =	vadd.s32 v33, v40  }
0x52: {  	vm9 =	vgt.s32 v36, $0xC3FF;
	v56 =	vsel vm10, $0xFFFF3C00, v0;
	v34 =	vadd.s32 v34, v55  }
0x53: {  	vm6 =	vgt.s32 v38, $0xC3FF;
	v57 =	vsel vm9, $0xFFFF3C00, v0;
	v35 =	vadd.s32 v35, v56  }
0x54: {  	vm13 =	vgt.s32 v31, $0xC3FF;
	v58 =	vsel vm6, $0xFFFF3C00, v0;
	v36 =	vadd.s32 v36, v57  }
0x55: {  	vm12 =	vgt.s32 v41, $0xC3FF;
	v59 =	vsel vm13, $0xFFFF3C00, v0;
	v38 =	vadd.s32 v38, v58;
	v32 =	vld.idx.msk [tilespmem:v32+s2+$0x0], $0xffff  }
0x56: {  	v14 =	vadd.f32 v29, v14;
	v60 =	vsel vm12, $0xFFFF3C00, v0;
	v31 =	vadd.s32 v31, v59;
	v33 =	vld.idx.msk [tilespmem:v33+s2+$0x0], $0xffff  }
0x57: {  	v28 =	vsel vm4, v37, v28;
	v26 =	vsel vm5, v61, v26;
	v39 =	vadd.s32 v41, v60;
	v34 =	vld.idx.msk [tilespmem:v34+s2+$0x0], $0xffff  }
0x58: {  	v62 =	vand.u32 $0xFFFF0000, v24;
	v24 =	vshll.u32 v24, $0x10;
	v21 =	vadd.f32 v30, v21;
	v35 =	vld.idx.msk [tilespmem:v35+s2+$0x0], $0xffff  }
0x59: {  	v63 =	vand.u32 $0xFFFF0000, v25;
	v25 =	vshll.u32 v25, $0x10;
	v24 =	vsel vm3, v62, v24;
	v36 =	vld.idx.msk [tilespmem:v36+s2+$0x0], $0xffff  }
0x5a: {  	v19 =	vadd.f32 v28, v19;
	v20 =	vadd.f32 v26, v20;
	v25 =	vsel vm2, v63, v25;
	v29 =	vld.idx.msk [tilespmem:v38+s2+$0x0], $0xffff  }
0x5b: {  	v24 =	vadd.f32 v24, v16;
	v42 =	vand.u32 $0xFFFF0000, v27;
	v27 =	vshll.u32 v27, $0x10;
	v31 =	vld.idx.msk [tilespmem:v31+s2+$0x0], $0xffff  }
0x5c: {  	v26 =	vadd.f32 v25, v22;
	v41 =	vand.u32 $0xFFFF0000, v23;
	v23 =	vshll.u32 v23, $0x10;
	v30 =	vld.idx.msk [tilespmem:v39+s2+$0x0], $0xffff;
	[tilespmem:s17], [sflag:$0x2] =	stream.strided.gather [hbm4b:s7+s15], $0x3400, s16, s15, $0x38  }
0x5d: {  	v27 =	vsel vm0, v42, v27;
	vm0 =	vmmov vm13;
	v23 =	vsel vm1, v41, v23;
	_ =	swait.ge [sflag:s23], $0x3000  }
0x5e: {  	vm1 =	vmmov vm12;
	v17 =	vadd.f32 v23, v17;
	v23 =	vadd.f32 v27, v18;
	[sflag:s23] =	ssyncset.done $0x0  }
0x5f: {  	s26 =	simm.s32 $0x0;
	[sflag:s23] =	ssyncadd.s32 $0xFFFFD000;
	v16 =	vand.u32 $0xFFFF0000, v32;
	v18 =	vshll.u32 v32, $0x10;
	v25 =	vand.u32 $0xFFFF0000, v33  }
0x60: {  	v28 =	vld [tilespmem:s26+$0xF870];
	v27 =	vshll.u32 v33, $0x10;
	v43 =	vshll.u32 v34, $0x10;
	v16 =	vsel vm11, v16, v18  }
0x61: {  	v45 =	vand.u32 $0xFFFF0000, v36;
	v46 =	vshll.u32 v36, $0x10;
	v22 =	vadd.f32 v16, v14;
	v16 =	vld [tilespmem:s26+$0xF800]  }
0x62: {  	v44 =	vld [tilespmem:s26+$0xF810];
	v47 =	vand.u32 $0xFFFF0000, v29;
	v29 =	vshll.u32 v29, $0x10;
	v49 =	vand.u32 $0xFFFF0000, v31  }
0x63: {  	v51 =	vld [tilespmem:s26+$0xF850];
	v14 =	vsel vm7, v25, v27;
	v25 =	vand.u32 $0xFFFF0000, v35;
	v27 =	vshll.u32 v35, $0x10  }
0x64: {  	v31 =	vshll.u32 v31, $0x10;
	v61 =	vand.u32 $0xFFFF0000, v30;
	v25 =	vsel vm10, v25, v27;
	v27 =	vld [tilespmem:s26+$0xF820]  }
0x65: {  	v48 =	vld [tilespmem:s26+$0xF830];
	v18 =	vand.u32 $0xFFFF0000, v34;
	v29 =	vsel vm6, v47, v29;
	vm7 =	vgt.s32 v28, $0xC3FF  }
0x66: {  	v50 =	vld [tilespmem:s26+$0xF840];
	v18 =	vsel vm8, v18, v43;
	v52 =	vsel vm7, $0xFFFF3C00, v0;
	vm3 =	vgt.s32 v16, $0xC3FF  }
0x67: {  	v54 =	vld [tilespmem:s26+$0xF860];
	vm4 =	vgt.s32 v44, $0xC3FF;
	v28 =	vadd.s32 v28, v52;
	v53 =	vsel vm3, $0xFFFF3C00, v0  }
0x68: {  	vm8 =	vgt.s32 v51, $0xC3FF;
	v55 =	vsel vm4, $0xFFFF3C00, v0;
	v16 =	vadd.s32 v16, v53  }
0x69: {  	v59 =	vsel vm8, $0xFFFF3C00, v0;
	v32 =	vadd.s32 v44, v55;
	vm6 =	vgt.s32 v27, $0xC3FF  }
0x6a: {  	vm5 =	vgt.s32 v48, $0xC3FF;
	v35 =	vadd.s32 v51, v59;
	v56 =	vsel vm6, $0xFFFF3C00, v0  }
0x6b: {  	vm2 =	vgt.s32 v50, $0xC3FF;
	v57 =	vsel vm5, $0xFFFF3C00, v0;
	v27 =	vadd.s32 v27, v56  }
0x6c: {  	vm15 =	vgt.s32 v54, $0xC3FF;
	v58 =	vsel vm2, $0xFFFF3C00, v0;
	v34 =	vadd.s32 v48, v57;
	v60 =	vld.idx.msk [tilespmem:v28+s2+$0x0], $0xffff  }
0x6d: {  	v30 =	vshll.u32 v30, $0x10;
	v37 =	vadd.s32 v50, v58;
	v42 =	vld.idx.msk [tilespmem:v16+s2+$0x0], $0xffff;
	v16 =	vsel vm15, $0xFFFF3C00, v0  }
0x6e: {  	v33 =	vsel vm9, v45, v46;
	v14 =	vadd.f32 v14, v21;
	v28 =	vld.idx.msk [tilespmem:v32+s2+$0x0], $0xffff;
	v62 =	vadd.s32 v54, v16  }
0x6f: {  	v21 =	vsel vm0, v49, v31;
	v18 =	vadd.f32 v18, v19;
	v19 =	vadd.f32 v33, v24;
	v24 =	vld.idx.msk [tilespmem:v35+s2+$0x0], $0xffff  }
0x70: {  	v21 =	vadd.f32 v21, v17;
	vm0 =	vmmov vm15;
	v16 =	vadd.f32 v25, v20;
	v25 =	vld.idx.msk [tilespmem:v27+s2+$0x0], $0xffff  }
0x71: {  	v27 =	vsel vm1, v61, v30;
	v20 =	vadd.f32 v29, v26;
	v26 =	vld.idx.msk [tilespmem:v34+s2+$0x0], $0xffff;
	vm1 =	vmmov vm8  }
0x72: {  	v17 =	vadd.f32 v27, v23;
	v27 =	vld.idx.msk [tilespmem:v37+s2+$0x0], $0xffff;
	v31 =	vand.u32 $0xFFFF0000, v60;
	v63 =	vshll.u32 v60, $0x10  }
0x73: {  	s28 =	simm.s32 $0x80;
	s26 =	simm.s32 $0x400;
	v31 =	vsel vm7, v31, v63;
	v29 =	vand.u32 $0xFFFF0000, v42;
	v30 =	vshll.u32 v42, $0x10;
	v23 =	vld.idx.msk [tilespmem:v62+s2+$0x0], $0xffff  }
.LBB2_4:
0x74: {  	p0 =	sne.s32 s26, $0xBE00;
	v32 =	vld [tilespmem:s28+$0xF870];
	v33 =	vand.u32 $0xFFFF0000, v28;
	v28 =	vshll.u32 v28, $0x10;
	v22 =	vadd.f32 v31, v22  }
0x75: {  	v29 =	vsel vm3, v29, v30;
	v30 =	vand.u32 $0xFFFF0000, v25;
	v25 =	vshll.u32 v25, $0x10;
	v31 =	vld [tilespmem:s28+$0xF800]  }
0x76: {  	v33 =	vsel vm4, v33, v28;
	v28 =	vand.u32 $0xFFFF0000, v26;
	v26 =	vshll.u32 v26, $0x10;
	v34 =	vld [tilespmem:s28+$0xF810]  }
0x77: {  	v30 =	vsel vm6, v30, v25;
	v25 =	vand.u32 $0xFFFF0000, v27;
	v27 =	vshll.u32 v27, $0x10;
	v35 =	vld [tilespmem:s28+$0xF820]  }
0x78: {  	v37 =	vsel vm5, v28, v26;
	v26 =	vand.u32 $0xFFFF0000, v24;
	v24 =	vshll.u32 v24, $0x10;
	v36 =	vld [tilespmem:s28+$0xF830]  }
0x79: {  	v38 =	vand.u32 $0xFFFF0000, v23;
	v23 =	vshll.u32 v23, $0x10;
	v28 =	vld [tilespmem:s28+$0xF840];
	vm7 =	vgt.s32 v32, $0xC3FF  }
0x7a: {  	v27 =	vsel vm2, v25, v27;
	vm3 =	vgt.s32 v31, $0xC3FF;
	v39 =	vld [tilespmem:s28+$0xF850];
	v40 =	vsel vm7, $0xFFFF3C00, v0  }
0x7b: {  	v25 =	vsel vm3, $0xFFFF3C00, v0;
	vm4 =	vgt.s32 v34, $0xC3FF;
	v41 =	vld [tilespmem:s28+$0xF860];
	v32 =	vadd.s32 v32, v40  }
0x7c: {  	v25 =	vadd.s32 v31, v25;
	v31 =	vsel vm4, $0xFFFF3C00, v0;
	vm6 =	vgt.s32 v35, $0xC3FF  }
0x7d: {  	v31 =	vadd.s32 v34, v31;
	v34 =	vsel vm6, $0xFFFF3C00, v0;
	vm5 =	vgt.s32 v36, $0xC3FF  }
0x7e: {  	v34 =	vadd.s32 v35, v34;
	v35 =	vsel vm5, $0xFFFF3C00, v0;
	vm2 =	vgt.s32 v28, $0xC3FF  }
0x7f: {  	v35 =	vadd.s32 v36, v35;
	v36 =	vsel vm2, $0xFFFF3C00, v0;
	vm8 =	vgt.s32 v39, $0xC3FF  }
0x80: {  	v36 =	vadd.s32 v28, v36;
	v28 =	vsel vm8, $0xFFFF3C00, v0;
	vm9 =	vgt.s32 v41, $0xC3FF;
	v32 =	vld.idx.msk [tilespmem:v32+s2+$0x0], $0xffff  }
0x81: {  	v24 =	vsel vm1, v26, v24;
	v40 =	vld.idx.msk [tilespmem:v25+s2+$0x0], $0xffff;
	v39 =	vadd.s32 v39, v28;
	v25 =	vsel vm9, $0xFFFF3C00, v0  }
0x82: {  	v14 =	vadd.f32 v29, v14;
	v23 =	vsel vm0, v38, v23;
	v28 =	vld.idx.msk [tilespmem:v31+s2+$0x0], $0xffff;
	v31 =	vadd.s32 v41, v25  }
.Ltmp1:
0x83: {  	v18 =	vadd.f32 v33, v18;
	v16 =	vadd.f32 v30, v16;
	vm1 =	vmmov vm8;
	v25 =	vld.idx.msk [tilespmem:v34+s2+$0x0], $0xffff;
	(pc) =	sbr.rel @p0 .LBB2_4-.Ltmp1, $4  }
0x84: {  	v19 =	vadd.f32 v37, v19;
	v20 =	vadd.f32 v27, v20;
	vm0 =	vmmov vm9;
	v26 =	vld.idx.msk [tilespmem:v35+s2+$0x0], $0xffff  }
0x85: {  	v21 =	vadd.f32 v24, v21;
	v17 =	vadd.f32 v23, v17;
	v27 =	vld.idx.msk [tilespmem:v36+s2+$0x0], $0xffff  }
0x86: {  	v33 =	vand.u32 $0xFFFF0000, v32;
	v32 =	vshll.u32 v32, $0x10;
	v24 =	vld.idx.msk [tilespmem:v39+s2+$0x0], $0xffff  }
0x87: {  	s28 =	sshra.s32 s26, $0x2;
	s26 =	sadd.s32 $0x200, s26;
	v29 =	vand.u32 $0xFFFF0000, v40;
	v30 =	vshll.u32 v40, $0x10;
	v23 =	vld.idx.msk [tilespmem:v31+s2+$0x0], $0xffff;
	v31 =	vsel vm7, v33, v32  }
0x88: {  	v22 =	vadd.f32 v31, v22;
	v31 =	vld [tilespmem:s28+$0xF800]  }
0x89: {  	v33 =	vand.u32 $0xFFFF0000, v28;
	v28 =	vshll.u32 v28, $0x10;
	v29 =	vsel vm3, v29, v30;
	v34 =	vld [tilespmem:s28+$0xF810]  }
0x8a: {  	v30 =	vand.u32 $0xFFFF0000, v25;
	v25 =	vshll.u32 v25, $0x10;
	v35 =	vld [tilespmem:s28+$0xF820];
	v28 =	vsel vm4, v33, v28  }
0x8b: {  	v54 =	vand.u32 $0xFFFF0000, v26;
	v26 =	vshll.u32 v26, $0x10;
	v25 =	vsel vm6, v30, v25  }
0x8c: {  	v36 =	vld [tilespmem:s28+$0xF830];
	v14 =	vadd.f32 v29, v14;
	v30 =	vand.u32 $0xFFFF0000, v27;
	v27 =	vshll.u32 v27, $0x10  }
0x8d: {  	v26 =	vsel vm5, v54, v26;
	v18 =	vadd.f32 v28, v18;
	vm7 =	vgt.s32 v31, $0xC3FF  }
0x8e: {  	v32 =	vld [tilespmem:s28+$0xF870];
	v27 =	vsel vm2, v30, v27;
	vm6 =	vgt.s32 v34, $0xC3FF;
	v30 =	vsel vm7, $0xFFFF3C00, v0  }
0x8f: {  	v37 =	vld [tilespmem:s28+$0xF840];
	vm5 =	vgt.s32 v35, $0xC3FF;
	v30 =	vadd.s32 v31, v30;
	v31 =	vsel vm6, $0xFFFF3C00, v0  }
0x90: {  	v38 =	vld [tilespmem:s28+$0xF850];
	v16 =	vadd.f32 v25, v16;
	v56 =	vsel vm5, $0xFFFF3C00, v0;
	v31 =	vadd.s32 v34, v31  }
0x91: {  	v55 =	vand.u32 $0xFFFF0000, v24;
	vm4 =	vgt.s32 v36, $0xC3FF;
	v34 =	vadd.s32 v35, v56  }
0x92: {  	v40 =	vld [tilespmem:s28+$0xF860];
	v24 =	vshll.u32 v24, $0x10;
	v19 =	vadd.f32 v26, v19;
	v57 =	vsel vm4, $0xFFFF3C00, v0  }
0x93: {  	v60 =	vand.u32 $0xFFFF0000, v23;
	v23 =	vshll.u32 v23, $0x10;
	v35 =	vadd.s32 v36, v57  }
0x94: {  	v24 =	vsel vm1, v55, v24;
	v20 =	vadd.f32 v27, v20;
	vm3 =	vgt.s32 v32, $0xC3FF;
	v30 =	vld.idx.msk [tilespmem:v30+s2+$0x0], $0xffff  }
0x95: {  	vm2 =	vgt.s32 v37, $0xC3FF;
	vm8 =	vgt.s32 v38, $0xC3FF;
	v39 =	vsel vm3, $0xFFFF3C00, v0;
	v31 =	vld.idx.msk [tilespmem:v31+s2+$0x0], $0xffff  }
0x96: {  	v58 =	vsel vm2, $0xFFFF3C00, v0;
	v59 =	vsel vm8, $0xFFFF3C00, v0;
	v32 =	vadd.s32 v32, v39;
	v28 =	vld.idx.msk [tilespmem:v34+s2+$0x0], $0xffff  }
0x97: {  	vm9 =	vgt.s32 v40, $0xC3FF;
	v36 =	vadd.s32 v37, v58;
	v37 =	vadd.s32 v38, v59  }
0x98: {  	v23 =	vsel vm0, v60, v23;
	v21 =	vadd.f32 v24, v21;
	v61 =	vsel vm9, $0xFFFF3C00, v0;
	v24 =	vld.idx.msk [tilespmem:v35+s2+$0x0], $0xffff  }
0x99: {  	vm1 =	vmmov vm8;
	v17 =	vadd.f32 v23, v17;
	v62 =	vadd.s32 v40, v61  }
0x9a: {  	v23 =	vand.u32 $0xFFFF0000, v30;
	v25 =	vshll.u32 v30, $0x10;
	v27 =	vand.u32 $0xFFFF0000, v31  }
0x9b: {  	v32 =	vld.idx.msk [tilespmem:v32+s2+$0x0], $0xffff;
	v23 =	vsel vm7, v23, v25;
	v29 =	vshll.u32 v31, $0x10;
	v31 =	vand.u32 $0xFFFF0000, v28  }
0x9c: {  	v30 =	vld.idx.msk [tilespmem:v37+s2+$0x0], $0xffff;
	v28 =	vshll.u32 v28, $0x10;
	v23 =	vadd.f32 v23, v14;
	v14 =	vbroadcast v15, $0x0  }
0x9d: {  	v25 =	vld.idx.msk [tilespmem:v36+s2+$0x0], $0xffff;
	v63 =	vand.u32 $0xFFFF0000, v24;
	v27 =	vsel vm6, v27, v29;
	v15 =	vbroadcast v15, $0x1  }
0x9e: {  	v24 =	vshll.u32 v24, $0x10;
	v29 =	vld.idx.msk [tilespmem:v62+s2+$0x0], $0xffff;
	v18 =	vadd.f32 v27, v18;
	v27 =	vmul.f32 v23, v14  }
0x9f: {  	v28 =	vsel vm5, v31, v28;
	[tilespmem:s18], [sflag:$0x3] =	stream.strided.gather [hbm4b:s8+s15], $0x3000, s16, s15, $0x38;
	v24 =	vsel vm4, v63, v24;
	v23 =	vmul.f32 v23, v15;
	[tilespmem:$0x13080] =	vst v63  }
0xa0: {  	vm0 =	vmmov vm9;
	v16 =	vadd.f32 v28, v16;
	[tilespmem:v1+s24+$0x0] =	vst.idx.msk $0xffff, v27;
	v27 =	vmul.f32 v18, v14  }
0xa1: {  	v26 =	vand.u32 $0xFFFF0000, v32;
	v19 =	vadd.f32 v24, v19;
	v18 =	vmul.f32 v18, v15;
	[tilespmem:v2+s24+$0x0] =	vst.idx.msk $0xffff, v23  }
0xa2: {  	v24 =	vmul.f32 v16, v14;
	v28 =	vand.u32 $0xFFFF0000, v25;
	v23 =	vshll.u32 v25, $0x10;
	[tilespmem:v3+s24+$0x0] =	vst.idx.msk $0xffff, v27  }
0xa3: {  	v16 =	vmul.f32 v16, v15;
	v25 =	vand.u32 $0xFFFF0000, v30;
	v23 =	vsel vm2, v28, v23;
	[tilespmem:v4+s24+$0x0] =	vst.idx.msk $0xffff, v18  }
0xa4: {  	v18 =	vshll.u32 v30, $0x10;
	v20 =	vadd.f32 v23, v20;
	v23 =	vmul.f32 v19, v14;
	[tilespmem:v5+s24+$0x0] =	vst.idx.msk $0xffff, v24  }
0xa5: {  	v24 =	vand.u32 $0xFFFF0000, v29;
	v18 =	vsel vm1, v25, v18;
	[tilespmem:v6+s24+$0x0] =	vst.idx.msk $0xffff, v16;
	v16 =	vmul.f32 v19, v15  }
0xa6: {  	v19 =	vshll.u32 v29, $0x10;
	v18 =	vadd.f32 v18, v21;
	v21 =	vmul.f32 v20, v14;
	[tilespmem:v7+s24+$0x0] =	vst.idx.msk $0xffff, v23  }
0xa7: {  	v23 =	vshll.u32 v32, $0x10;
	v19 =	vsel vm0, v24, v19;
	[tilespmem:v8+s24+$0x0] =	vst.idx.msk $0xffff, v16;
	v16 =	vmul.f32 v20, v15  }
0xa8: {  	v17 =	vadd.f32 v19, v17;
	v19 =	vmul.f32 v18, v14;
	v20 =	vor.u32 $0xE0, v1;
	[tilespmem:v9+s24+$0x0] =	vst.idx.msk $0xffff, v21  }
0xa9: {  	v21 =	vsel vm3, v26, v23;
	[tilespmem:v10+s24+$0x0] =	vst.idx.msk $0xffff, v16;
	v16 =	vmul.f32 v18, v15;
	v18 =	vor.u32 $0x70, v1  }
0xaa: {  	v21 =	vadd.f32 v21, v22;
	v22 =	vor.u32 $0xF0, v1;
	[tilespmem:v11+s24+$0x0] =	vst.idx.msk $0xffff, v19;
	v19 =	vmul.f32 v17, v14  }
0xab: {  	[tilespmem:v12+s24+$0x0] =	vst.idx.msk $0xffff, v16;
	v16 =	vmul.f32 v17, v15  }
0xac: {  	v17 =	vmul.f32 v21, v14;
	[tilespmem:v13+s24+$0x0] =	vst.idx.msk $0xffff, v19  }
0xad: {  	[tilespmem:v20+s24+$0x0] =	vst.idx.msk $0xffff, v16;
	v16 =	vmul.f32 v21, v15  }
0xae: {  	[tilespmem:v18+s24+$0x0] =	vst.idx.msk $0xffff, v17  }
0xaf: {  	[tilespmem:v22+s24+$0x0] =	vst.idx.msk $0xffff, v16  }
0xb0: {  	_ =	swait.ge [sflag:s22], $0x3400  }
0xb1: {  	[sflag:s22] =	ssyncset.done $0x0  }
0xb2: {  	s26 =	simm.s32 $0x0;
	[sflag:s22] =	ssyncadd.s32 $0xFFFFCC00  }
0xb3: {  	v16 =	vld [tilespmem:s26+$0xC470]  }
0xb4: {  	v17 =	vld [tilespmem:s26+$0xC400];
	_ =	sdelay $0x1  }
0xb5: {  	v18 =	vld [tilespmem:s26+$0xC410]  }
0xb6: {  	v19 =	vld [tilespmem:s26+$0xC420]  }
0xb7: {  	v20 =	vld [tilespmem:s26+$0xC430];
	vm7 =	vgt.s32 v16, $0xC3FF  }
0xb8: {  	v22 =	vld [tilespmem:s26+$0xC440];
	vm6 =	vgt.s32 v17, $0xC3FF;
	v21 =	vsel vm7, $0xFFFF3C00, v0  }
0xb9: {  	v23 =	vsel vm6, $0xFFFF3C00, v0;
	v16 =	vadd.s32 v16, v21;
	v21 =	vld [tilespmem:s26+$0xC450]  }
0xba: {  	vm4 =	vgt.s32 v18, $0xC3FF;
	v17 =	vadd.s32 v17, v23;
	v23 =	vld [tilespmem:s26+$0xC460]  }
0xbb: {  	vm5 =	vgt.s32 v19, $0xC3FF;
	v24 =	vsel vm4, $0xFFFF3C00, v0  }
0xbc: {  	vm3 =	vgt.s32 v20, $0xC3FF;
	v18 =	vadd.s32 v18, v24;
	v24 =	vsel vm5, $0xFFFF3C00, v0  }
0xbd: {  	vm2 =	vgt.s32 v22, $0xC3FF;
	v19 =	vadd.s32 v19, v24;
	v24 =	vsel vm3, $0xFFFF3C00, v0  }
0xbe: {  	v20 =	vadd.s32 v20, v24;
	v26 =	vld.idx.msk [tilespmem:v16+s2+$0x0], $0xffff;
	v16 =	vsel vm2, $0xFFFF3C00, v0;
	vm0 =	vgt.s32 v21, $0xC3FF  }
0xbf: {  	v17 =	vld.idx.msk [tilespmem:v17+s2+$0x0], $0xffff;
	vm8 =	vgt.s32 v23, $0xC3FF;
	v22 =	vadd.s32 v22, v16;
	v16 =	vsel vm0, $0xFFFF3C00, v0  }
0xc0: {  	v21 =	vadd.s32 v21, v16;
	v16 =	vsel vm8, $0xFFFF3C00, v0  }
0xc1: {  	v29 =	vld.idx.msk [tilespmem:v18+s2+$0x0], $0xffff;
	v18 =	vadd.s32 v23, v16  }
0xc2: {  	v27 =	vld.idx.msk [tilespmem:v19+s2+$0x0], $0xffff;
	vm1 =	vmmov vm0;
	vm0 =	vmmov vm8;
	v16 =	vimm.f32 $0.0e+00  }
0xc3: {  	v25 =	vld.idx.msk [tilespmem:v20+s2+$0x0], $0xffff;
	v23 =	vimm.f32 $0.0e+00;
	v19 =	vand.u32 $0xFFFF0000, v26;
	v20 =	vshll.u32 v26, $0x10  }
0xc4: {  	v31 =	vand.u32 $0xFFFF0000, v17;
	v32 =	vshll.u32 v17, $0x10;
	v17 =	vimm.f32 $0.0e+00;
	v26 =	vld.idx.msk [tilespmem:v22+s2+$0x0], $0xffff  }
0xc5: {  	v30 =	vsel vm7, v19, v20;
	v22 =	vimm.f32 $0.0e+00;
	v20 =	vimm.f32 $0.0e+00;
	v24 =	vld.idx.msk [tilespmem:v21+s2+$0x0], $0xffff  }
0xc6: {  	s28 =	simm.s32 $0x80;
	s26 =	simm.s32 $0x400;
	v19 =	vimm.f32 $0.0e+00;
	v21 =	vimm.f32 $0.0e+00;
	v28 =	vld.idx.msk [tilespmem:v18+s2+$0x0], $0xffff;
	v18 =	vimm.f32 $0.0e+00  }
.LBB2_6:
0xc7: {  	p0 =	sne.s32 s26, $0xCE00;
	v33 =	vld [tilespmem:s28+$0xC470];
	v34 =	vand.u32 $0xFFFF0000, v29;
	v29 =	vshll.u32 v29, $0x10;
	v16 =	vadd.f32 v30, v16  }
0xc8: {  	v31 =	vsel vm6, v31, v32;
	v32 =	vand.u32 $0xFFFF0000, v27;
	v27 =	vshll.u32 v27, $0x10;
	v30 =	vld [tilespmem:s28+$0xC400]  }
0xc9: {  	v34 =	vsel vm4, v34, v29;
	v29 =	vand.u32 $0xFFFF0000, v25;
	v25 =	vshll.u32 v25, $0x10;
	v35 =	vld [tilespmem:s28+$0xC410]  }
0xca: {  	v32 =	vsel vm5, v32, v27;
	v27 =	vand.u32 $0xFFFF0000, v26;
	v26 =	vshll.u32 v26, $0x10;
	v36 =	vld [tilespmem:s28+$0xC420]  }
0xcb: {  	v38 =	vsel vm3, v29, v25;
	v25 =	vand.u32 $0xFFFF0000, v24;
	v24 =	vshll.u32 v24, $0x10;
	v37 =	vld [tilespmem:s28+$0xC430]  }
0xcc: {  	v39 =	vand.u32 $0xFFFF0000, v28;
	v28 =	vshll.u32 v28, $0x10;
	v29 =	vld [tilespmem:s28+$0xC440];
	vm7 =	vgt.s32 v33, $0xC3FF  }
0xcd: {  	v26 =	vsel vm2, v27, v26;
	vm6 =	vgt.s32 v30, $0xC3FF;
	v40 =	vld [tilespmem:s28+$0xC450];
	v41 =	vsel vm7, $0xFFFF3C00, v0  }
0xce: {  	v27 =	vsel vm6, $0xFFFF3C00, v0;
	vm4 =	vgt.s32 v35, $0xC3FF;
	v42 =	vld [tilespmem:s28+$0xC460];
	v33 =	vadd.s32 v33, v41  }
0xcf: {  	v27 =	vadd.s32 v30, v27;
	v30 =	vsel vm4, $0xFFFF3C00, v0;
	vm5 =	vgt.s32 v36, $0xC3FF  }
0xd0: {  	v30 =	vadd.s32 v35, v30;
	v35 =	vsel vm5, $0xFFFF3C00, v0;
	vm3 =	vgt.s32 v37, $0xC3FF  }
0xd1: {  	v35 =	vadd.s32 v36, v35;
	v36 =	vsel vm3, $0xFFFF3C00, v0;
	vm2 =	vgt.s32 v29, $0xC3FF  }
0xd2: {  	v36 =	vadd.s32 v37, v36;
	v37 =	vsel vm2, $0xFFFF3C00, v0;
	vm8 =	vgt.s32 v40, $0xC3FF  }
0xd3: {  	v37 =	vadd.s32 v29, v37;
	v29 =	vsel vm8, $0xFFFF3C00, v0;
	vm9 =	vgt.s32 v42, $0xC3FF;
	v33 =	vld.idx.msk [tilespmem:v33+s2+$0x0], $0xffff  }
0xd4: {  	v24 =	vsel vm1, v25, v24;
	v41 =	vld.idx.msk [tilespmem:v27+s2+$0x0], $0xffff;
	v40 =	vadd.s32 v40, v29;
	v27 =	vsel vm9, $0xFFFF3C00, v0  }
0xd5: {  	v22 =	vadd.f32 v31, v22;
	v28 =	vsel vm0, v39, v28;
	v29 =	vld.idx.msk [tilespmem:v30+s2+$0x0], $0xffff;
	v30 =	vadd.s32 v42, v27  }
.Ltmp2:
0xd6: {  	v20 =	vadd.f32 v34, v20;
	v21 =	vadd.f32 v32, v21;
	vm1 =	vmmov vm8;
	v27 =	vld.idx.msk [tilespmem:v35+s2+$0x0], $0xffff;
	(pc) =	sbr.rel @p0 .LBB2_6-.Ltmp2, $4  }
0xd7: {  	v17 =	vadd.f32 v38, v17;
	v23 =	vadd.f32 v26, v23;
	vm0 =	vmmov vm9;
	v25 =	vld.idx.msk [tilespmem:v36+s2+$0x0], $0xffff  }
0xd8: {  	v18 =	vadd.f32 v24, v18;
	v19 =	vadd.f32 v28, v19;
	v26 =	vld.idx.msk [tilespmem:v37+s2+$0x0], $0xffff  }
0xd9: {  	v34 =	vand.u32 $0xFFFF0000, v33;
	v33 =	vshll.u32 v33, $0x10;
	v24 =	vld.idx.msk [tilespmem:v40+s2+$0x0], $0xffff  }
0xda: {  	s28 =	sshra.s32 s26, $0x2;
	s26 =	sadd.s32 $0x200, s26;
	v31 =	vand.u32 $0xFFFF0000, v41;
	v32 =	vshll.u32 v41, $0x10;
	v28 =	vld.idx.msk [tilespmem:v30+s2+$0x0], $0xffff;
	v30 =	vsel vm7, v34, v33  }
0xdb: {  	v33 =	vld [tilespmem:s28+$0xC470]  }
0xdc: {  	v34 =	vld [tilespmem:s28+$0xC400]  }
0xdd: {  	v35 =	vld [tilespmem:s28+$0xC410]  }
0xde: {  	v36 =	vld [tilespmem:s28+$0xC420]  }
0xdf: {  	v37 =	vld [tilespmem:s28+$0xC430];
	v38 =	vand.u32 $0xFFFF0000, v29;
	v31 =	vsel vm6, v31, v32  }
0xe0: {  	v39 =	vld [tilespmem:s28+$0xC440];
	v29 =	vshll.u32 v29, $0x10;
	v60 =	vand.u32 $0xFFFF0000, v27;
	vm11 =	vgt.s32 v33, $0xC3FF  }
0xe1: {  	v53 =	vld [tilespmem:s28+$0xC450];
	v27 =	vshll.u32 v27, $0x10;
	vm7 =	vgt.s32 v34, $0xC3FF;
	v40 =	vsel vm11, $0xFFFF3C00, v0  }
0xe2: {  	v42 =	vld [tilespmem:s28+$0xC460];
	vm8 =	vgt.s32 v35, $0xC3FF;
	v41 =	vsel vm7, $0xFFFF3C00, v0;
	v33 =	vadd.s32 v33, v40  }
0xe3: {  	vm10 =	vgt.s32 v36, $0xC3FF;
	v54 =	vsel vm8, $0xFFFF3C00, v0;
	v34 =	vadd.s32 v34, v41  }
0xe4: {  	vm9 =	vgt.s32 v37, $0xC3FF;
	v55 =	vsel vm10, $0xFFFF3C00, v0;
	v35 =	vadd.s32 v35, v54  }
0xe5: {  	vm6 =	vgt.s32 v39, $0xC3FF;
	v56 =	vsel vm9, $0xFFFF3C00, v0;
	v36 =	vadd.s32 v36, v55  }
0xe6: {  	vm13 =	vgt.s32 v53, $0xC3FF;
	v57 =	vsel vm6, $0xFFFF3C00, v0;
	v37 =	vadd.s32 v37, v56  }
0xe7: {  	vm12 =	vgt.s32 v42, $0xC3FF;
	v58 =	vsel vm13, $0xFFFF3C00, v0;
	v39 =	vadd.s32 v39, v57;
	v33 =	vld.idx.msk [tilespmem:v33+s2+$0x0], $0xffff  }
0xe8: {  	v16 =	vadd.f32 v30, v16;
	v59 =	vsel vm12, $0xFFFF3C00, v0;
	v32 =	vadd.s32 v53, v58;
	v34 =	vld.idx.msk [tilespmem:v34+s2+$0x0], $0xffff  }
0xe9: {  	v29 =	vsel vm4, v38, v29;
	v27 =	vsel vm5, v60, v27;
	v40 =	vadd.s32 v42, v59;
	v35 =	vld.idx.msk [tilespmem:v35+s2+$0x0], $0xffff  }
0xea: {  	v61 =	vand.u32 $0xFFFF0000, v25;
	v25 =	vshll.u32 v25, $0x10;
	v22 =	vadd.f32 v31, v22;
	v36 =	vld.idx.msk [tilespmem:v36+s2+$0x0], $0xffff  }
0xeb: {  	v62 =	vand.u32 $0xFFFF0000, v26;
	v26 =	vshll.u32 v26, $0x10;
	v25 =	vsel vm3, v61, v25;
	v37 =	vld.idx.msk [tilespmem:v37+s2+$0x0], $0xffff  }
0xec: {  	v20 =	vadd.f32 v29, v20;
	v21 =	vadd.f32 v27, v21;
	v26 =	vsel vm2, v62, v26;
	v30 =	vld.idx.msk [tilespmem:v39+s2+$0x0], $0xffff  }
0xed: {  	v63 =	vand.u32 $0xFFFF0000, v24;
	v24 =	vshll.u32 v24, $0x10;
	v17 =	vadd.f32 v25, v17;
	v32 =	vld.idx.msk [tilespmem:v32+s2+$0x0], $0xffff  }
0xee: {  	v24 =	vsel vm1, v63, v24;
	v42 =	vand.u32 $0xFFFF0000, v28;
	v28 =	vshll.u32 v28, $0x10;
	v31 =	vld.idx.msk [tilespmem:v40+s2+$0x0], $0xffff;
	[tilespmem:s17], [sflag:$0x2] =	stream.strided.gather [hbm4b:s9+s15], $0x3400, s16, s15, $0x38  }
0xef: {  	v26 =	vadd.f32 v26, v23;
	v18 =	vadd.f32 v24, v18;
	v28 =	vsel vm0, v42, v28;
	_ =	swait.ge [sflag:s23], $0x3000  }
0xf0: {  	vm1 =	vmmov vm12;
	vm0 =	vmmov vm13;
	v24 =	vadd.f32 v28, v19;
	[sflag:s23] =	ssyncset.done $0x0  }
0xf1: {  	s26 =	simm.s32 $0x0;
	[sflag:s23] =	ssyncadd.s32 $0xFFFFD000;
	v19 =	vand.u32 $0xFFFF0000, v33;
	v23 =	vshll.u32 v33, $0x10;
	v25 =	vand.u32 $0xFFFF0000, v34  }
0xf2: {  	v29 =	vld [tilespmem:s26+$0xF870];
	v27 =	vshll.u32 v34, $0x10;
	v28 =	vand.u32 $0xFFFF0000, v35;
	v19 =	vsel vm11, v19, v23  }
0xf3: {  	v43 =	vshll.u32 v35, $0x10;
	v44 =	vand.u32 $0xFFFF0000, v37;
	v23 =	vadd.f32 v19, v16;
	v19 =	vld [tilespmem:s26+$0xF800]  }
0xf4: {  	v47 =	vld [tilespmem:s26+$0xF830];
	v45 =	vshll.u32 v37, $0x10;
	v46 =	vand.u32 $0xFFFF0000, v30;
	v33 =	vsel vm8, v28, v43  }
0xf5: {  	v28 =	vld [tilespmem:s26+$0xF810];
	v16 =	vsel vm7, v25, v27;
	v25 =	vand.u32 $0xFFFF0000, v36;
	v27 =	vshll.u32 v36, $0x10  }
0xf6: {  	v30 =	vshll.u32 v30, $0x10;
	v48 =	vand.u32 $0xFFFF0000, v32;
	v25 =	vsel vm10, v25, v27;
	v27 =	vld [tilespmem:s26+$0xF820]  }
0xf7: {  	v49 =	vld [tilespmem:s26+$0xF840];
	v32 =	vshll.u32 v32, $0x10;
	v59 =	vand.u32 $0xFFFF0000, v31;
	vm7 =	vgt.s32 v29, $0xC3FF  }
0xf8: {  	v50 =	vld [tilespmem:s26+$0xF850];
	v30 =	vsel vm6, v46, v30;
	v51 =	vsel vm7, $0xFFFF3C00, v0;
	vm3 =	vgt.s32 v19, $0xC3FF  }
0xf9: {  	v53 =	vld [tilespmem:s26+$0xF860];
	vm5 =	vgt.s32 v47, $0xC3FF;
	v29 =	vadd.s32 v29, v51;
	v52 =	vsel vm3, $0xFFFF3C00, v0  }
0xfa: {  	v56 =	vsel vm5, $0xFFFF3C00, v0;
	vm4 =	vgt.s32 v28, $0xC3FF;
	v19 =	vadd.s32 v19, v52  }
0xfb: {  	v35 =	vadd.s32 v47, v56;
	v54 =	vsel vm4, $0xFFFF3C00, v0;
	vm6 =	vgt.s32 v27, $0xC3FF  }
0xfc: {  	vm2 =	vgt.s32 v49, $0xC3FF;
	v28 =	vadd.s32 v28, v54;
	v55 =	vsel vm6, $0xFFFF3C00, v0  }
0xfd: {  	vm8 =	vgt.s32 v50, $0xC3FF;
	v57 =	vsel vm2, $0xFFFF3C00, v0;
	v27 =	vadd.s32 v27, v55  }
0xfe: {  	vm15 =	vgt.s32 v53, $0xC3FF;
	v58 =	vsel vm8, $0xFFFF3C00, v0;
	v38 =	vadd.s32 v49, v57;
	v29 =	vld.idx.msk [tilespmem:v29+s2+$0x0], $0xffff  }
0xff: {  	v31 =	vshll.u32 v31, $0x10;
	v36 =	vadd.s32 v50, v58;
	v60 =	vld.idx.msk [tilespmem:v19+s2+$0x0], $0xffff;
	v19 =	vsel vm15, $0xFFFF3C00, v0  }
0x100: {  	v16 =	vadd.f32 v16, v22;
	v22 =	vadd.f32 v30, v26;
	v26 =	vld.idx.msk [tilespmem:v35+s2+$0x0], $0xffff;
	v61 =	vadd.s32 v53, v19  }
0x101: {  	v34 =	vsel vm9, v44, v45;
	v32 =	vsel vm0, v48, v32;
	v28 =	vld.idx.msk [tilespmem:v28+s2+$0x0], $0xffff;
	v19 =	vadd.f32 v33, v20  }
0x102: {  	v20 =	vadd.f32 v25, v21;
	v25 =	vld.idx.msk [tilespmem:v27+s2+$0x0], $0xffff;
	v27 =	vsel vm1, v59, v31;
	v21 =	vadd.f32 v34, v17  }
0x103: {  	vm0 =	vmmov vm15;
	v17 =	vadd.f32 v32, v18;
	v18 =	vadd.f32 v27, v24;
	v27 =	vld.idx.msk [tilespmem:v38+s2+$0x0], $0xffff  }
0x104: {  	vm1 =	vmmov vm8;
	v24 =	vld.idx.msk [tilespmem:v36+s2+$0x0], $0xffff;
	v62 =	vand.u32 $0xFFFF0000, v29;
	v63 =	vshll.u32 v29, $0x10  }
0x105: {  	s28 =	simm.s32 $0x80;
	s26 =	simm.s32 $0x400;
	v32 =	vsel vm7, v62, v63;
	v30 =	vand.u32 $0xFFFF0000, v60;
	v31 =	vshll.u32 v60, $0x10;
	v29 =	vld.idx.msk [tilespmem:v61+s2+$0x0], $0xffff  }
.LBB2_8:
0x106: {  	p0 =	sne.s32 s26, $0xBE00;
	v33 =	vld [tilespmem:s28+$0xF870];
	v34 =	vand.u32 $0xFFFF0000, v28;
	v28 =	vshll.u32 v28, $0x10;
	v23 =	vadd.f32 v32, v23  }
0x107: {  	v30 =	vsel vm3, v30, v31;
	v31 =	vand.u32 $0xFFFF0000, v25;
	v25 =	vshll.u32 v25, $0x10;
	v32 =	vld [tilespmem:s28+$0xF800]  }
0x108: {  	v34 =	vsel vm4, v34, v28;
	v28 =	vand.u32 $0xFFFF0000, v26;
	v26 =	vshll.u32 v26, $0x10;
	v35 =	vld [tilespmem:s28+$0xF810]  }
0x109: {  	v31 =	vsel vm6, v31, v25;
	v25 =	vand.u32 $0xFFFF0000, v27;
	v27 =	vshll.u32 v27, $0x10;
	v36 =	vld [tilespmem:s28+$0xF820]  }
0x10a: {  	v38 =	vsel vm5, v28, v26;
	v26 =	vand.u32 $0xFFFF0000, v24;
	v24 =	vshll.u32 v24, $0x10;
	v37 =	vld [tilespmem:s28+$0xF830]  }
0x10b: {  	v39 =	vand.u32 $0xFFFF0000, v29;
	v29 =	vshll.u32 v29, $0x10;
	v28 =	vld [tilespmem:s28+$0xF840];
	vm7 =	vgt.s32 v33, $0xC3FF  }
0x10c: {  	v27 =	vsel vm2, v25, v27;
	vm3 =	vgt.s32 v32, $0xC3FF;
	v40 =	vld [tilespmem:s28+$0xF850];
	v41 =	vsel vm7, $0xFFFF3C00, v0  }
0x10d: {  	v25 =	vsel vm3, $0xFFFF3C00, v0;
	vm4 =	vgt.s32 v35, $0xC3FF;
	v42 =	vld [tilespmem:s28+$0xF860];
	v33 =	vadd.s32 v33, v41  }
0x10e: {  	v25 =	vadd.s32 v32, v25;
	v32 =	vsel vm4, $0xFFFF3C00, v0;
	vm6 =	vgt.s32 v36, $0xC3FF  }
0x10f: {  	v32 =	vadd.s32 v35, v32;
	v35 =	vsel vm6, $0xFFFF3C00, v0;
	vm5 =	vgt.s32 v37, $0xC3FF  }
0x110: {  	v35 =	vadd.s32 v36, v35;
	v36 =	vsel vm5, $0xFFFF3C00, v0;
	vm2 =	vgt.s32 v28, $0xC3FF  }
0x111: {  	v36 =	vadd.s32 v37, v36;
	v37 =	vsel vm2, $0xFFFF3C00, v0;
	vm8 =	vgt.s32 v40, $0xC3FF  }
0x112: {  	v37 =	vadd.s32 v28, v37;
	v28 =	vsel vm8, $0xFFFF3C00, v0;
	vm9 =	vgt.s32 v42, $0xC3FF;
	v33 =	vld.idx.msk [tilespmem:v33+s2+$0x0], $0xffff  }
0x113: {  	v24 =	vsel vm1, v26, v24;
	v41 =	vld.idx.msk [tilespmem:v25+s2+$0x0], $0xffff;
	v40 =	vadd.s32 v40, v28;
	v25 =	vsel vm9, $0xFFFF3C00, v0  }
0x114: {  	v16 =	vadd.f32 v30, v16;
	v29 =	vsel vm0, v39, v29;
	v28 =	vld.idx.msk [tilespmem:v32+s2+$0x0], $0xffff;
	v32 =	vadd.s32 v42, v25  }
.Ltmp3:
0x115: {  	v19 =	vadd.f32 v34, v19;
	v20 =	vadd.f32 v31, v20;
	vm1 =	vmmov vm8;
	v25 =	vld.idx.msk [tilespmem:v35+s2+$0x0], $0xffff;
	(pc) =	sbr.rel @p0 .LBB2_8-.Ltmp3, $4  }
0x116: {  	v21 =	vadd.f32 v38, v21;
	v22 =	vadd.f32 v27, v22;
	vm0 =	vmmov vm9;
	v26 =	vld.idx.msk [tilespmem:v36+s2+$0x0], $0xffff  }
0x117: {  	v17 =	vadd.f32 v24, v17;
	v18 =	vadd.f32 v29, v18;
	v27 =	vld.idx.msk [tilespmem:v37+s2+$0x0], $0xffff  }
0x118: {  	v34 =	vand.u32 $0xFFFF0000, v33;
	v33 =	vshll.u32 v33, $0x10;
	v24 =	vld.idx.msk [tilespmem:v40+s2+$0x0], $0xffff  }
0x119: {  	s28 =	sshra.s32 s26, $0x2;
	s26 =	sadd.s32 $0x200, s26;
	v30 =	vand.u32 $0xFFFF0000, v41;
	v31 =	vshll.u32 v41, $0x10;
	v29 =	vld.idx.msk [tilespmem:v32+s2+$0x0], $0xffff;
	v32 =	vsel vm7, v34, v33  }
0x11a: {  	v33 =	vld [tilespmem:s28+$0xF870]  }
0x11b: {  	v34 =	vand.u32 $0xFFFF0000, v28;
	v28 =	vshll.u32 v28, $0x10;
	v23 =	vadd.f32 v32, v23;
	v63 =	vld [tilespmem:s28+$0xF800]  }
0x11c: {  	v30 =	vsel vm3, v30, v31;
	v31 =	vand.u32 $0xFFFF0000, v25;
	v25 =	vshll.u32 v25, $0x10;
	v35 =	vld [tilespmem:s28+$0xF810]  }
0x11d: {  	v36 =	vld [tilespmem:s28+$0xF820];
	v56 =	vor.u32 $0x100, v1;
	v58 =	vor.u32 $0x110, v1;
	v60 =	vor.u32 $0x190, v1  }
0x11e: {  	v37 =	vld [tilespmem:s28+$0xF830];
	v62 =	vor.u32 $0x120, v1;
	v28 =	vsel vm4, v34, v28;
	v44 =	vand.u32 $0xFFFF0000, v26  }
0x11f: {  	v42 =	vld [tilespmem:s28+$0xF860];
	v26 =	vshll.u32 v26, $0x10;
	v25 =	vsel vm6, v31, v25;
	v16 =	vadd.f32 v30, v16  }
0x120: {  	v31 =	vand.u32 $0xFFFF0000, v27;
	v27 =	vshll.u32 v27, $0x10;
	v26 =	vsel vm5, v44, v26  }
0x121: {  	v27 =	vsel vm2, v31, v27;
	vm3 =	vgt.s32 v33, $0xC3FF;
	vm4 =	vgt.s32 v63, $0xC3FF  }
0x122: {  	vm5 =	vgt.s32 v35, $0xC3FF;
	vm7 =	vgt.s32 v36, $0xC3FF;
	v41 =	vsel vm3, $0xFFFF3C00, v0  }
0x123: {  	vm6 =	vgt.s32 v37, $0xC3FF;
	v31 =	vsel vm4, $0xFFFF3C00, v0;
	v33 =	vadd.s32 v33, v41  }
0x124: {  	v38 =	vld [tilespmem:s28+$0xF840];
	vm9 =	vgt.s32 v42, $0xC3FF;
	v46 =	vsel vm5, $0xFFFF3C00, v0;
	v31 =	vadd.s32 v63, v31  }
0x125: {  	v47 =	vsel vm7, $0xFFFF3C00, v0;
	v48 =	vsel vm6, $0xFFFF3C00, v0;
	v32 =	vadd.s32 v35, v46  }
0x126: {  	v40 =	vld [tilespmem:s28+$0xF850];
	v51 =	vsel vm9, $0xFFFF3C00, v0;
	v35 =	vadd.s32 v36, v47;
	v36 =	vadd.s32 v37, v48  }
0x127: {  	v19 =	vadd.f32 v28, v19;
	v20 =	vadd.f32 v25, v20;
	v52 =	vadd.s32 v42, v51  }
0x128: {  	v45 =	vand.u32 $0xFFFF0000, v24;
	v24 =	vshll.u32 v24, $0x10;
	v21 =	vadd.f32 v26, v21;
	v33 =	vld.idx.msk [tilespmem:v33+s2+$0x0], $0xffff  }
0x129: {  	v39 =	vand.u32 $0xFFFF0000, v29;
	v29 =	vshll.u32 v29, $0x10;
	vm2 =	vgt.s32 v38, $0xC3FF;
	v31 =	vld.idx.msk [tilespmem:v31+s2+$0x0], $0xffff  }
0x12a: {  	v24 =	vsel vm1, v45, v24;
	v22 =	vadd.f32 v27, v22;
	v49 =	vsel vm2, $0xFFFF3C00, v0;
	v32 =	vld.idx.msk [tilespmem:v32+s2+$0x0], $0xffff  }
0x12b: {  	vm8 =	vgt.s32 v40, $0xC3FF;
	v29 =	vsel vm0, v39, v29;
	v37 =	vadd.s32 v38, v49;
	v25 =	vld.idx.msk [tilespmem:v36+s2+$0x0], $0xffff  }
0x12c: {  	v17 =	vadd.f32 v24, v17;
	v50 =	vsel vm8, $0xFFFF3C00, v0;
	vm1 =	vmmov vm8;
	v54 =	vld.idx.msk [tilespmem:v52+s2+$0x0], $0xffff  }
0x12d: {  	vm0 =	vmmov vm9;
	v18 =	vadd.f32 v29, v18;
	v38 =	vadd.s32 v40, v50;
	v30 =	vld.idx.msk [tilespmem:v35+s2+$0x0], $0xffff  }
0x12e: {  	v63 =	vor.u32 $0x1A0, v1;
	v24 =	vand.u32 $0xFFFF0000, v33;
	v27 =	vshll.u32 v33, $0x10  }
0x12f: {  	v28 =	vand.u32 $0xFFFF0000, v31;
	v29 =	vshll.u32 v31, $0x10;
	v53 =	vand.u32 $0xFFFF0000, v32  }
0x130: {  	v26 =	vld.idx.msk [tilespmem:v37+s2+$0x0], $0xffff;
	v32 =	vshll.u32 v32, $0x10;
	v55 =	vand.u32 $0xFFFF0000, v25;
	v25 =	vshll.u32 v25, $0x10  }
0x131: {  	v61 =	vand.u32 $0xFFFF0000, v54;
	v33 =	vshll.u32 v54, $0x10;
	v28 =	vsel vm4, v28, v29  }
0x132: {  	v29 =	vand.u32 $0xFFFF0000, v30;
	v16 =	vadd.f32 v28, v16;
	v28 =	vor.u32 $0x180, v1  }
0x133: {  	v30 =	vshll.u32 v30, $0x10;
	v32 =	vsel vm5, v53, v32;
	v25 =	vsel vm6, v55, v25  }
0x134: {  	v29 =	vsel vm7, v29, v30;
	v19 =	vadd.f32 v32, v19;
	v59 =	vmul.f32 v16, v14  }
0x135: {  	v31 =	vld.idx.msk [tilespmem:v38+s2+$0x0], $0xffff;
	[tilespmem:s18], [sflag:$0x3] =	stream.strided.gather [hbm4b:s10+s15], $0x3000, s16, s15, $0x38;
	v30 =	vand.u32 $0xFFFF0000, v26;
	v21 =	vadd.f32 v25, v21;
	v16 =	vmul.f32 v16, v15  }
0x136: {  	v26 =	vshll.u32 v26, $0x10;
	v20 =	vadd.f32 v29, v20;
	v29 =	vmul.f32 v19, v14;
	[tilespmem:v56+s24+$0x0] =	vst.idx.msk $0xffff, v59  }
0x137: {  	v26 =	vsel vm2, v30, v26;
	[tilespmem:v28+s24+$0x0] =	vst.idx.msk $0xffff, v16;
	v16 =	vmul.f32 v19, v15;
	v19 =	vor.u32 $0x130, v1  }
0x138: {  	v22 =	vadd.f32 v26, v22;
	v25 =	vmul.f32 v20, v14;
	v28 =	vor.u32 $0x1B0, v1;
	[tilespmem:v58+s24+$0x0] =	vst.idx.msk $0xffff, v29  }
0x139: {  	v26 =	vor.u32 $0x1C0, v1;
	[tilespmem:v60+s24+$0x0] =	vst.idx.msk $0xffff, v16;
	v16 =	vmul.f32 v20, v15;
	v20 =	vor.u32 $0x140, v1  }
0x13a: {  	v57 =	vand.u32 $0xFFFF0000, v31;
	v31 =	vshll.u32 v31, $0x10;
	[tilespmem:v62+s24+$0x0] =	vst.idx.msk $0xffff, v25;
	v25 =	vmul.f32 v21, v14  }
0x13b: {  	v29 =	vsel vm1, v57, v31;
	[tilespmem:v63+s24+$0x0] =	vst.idx.msk $0xffff, v16;
	v16 =	vmul.f32 v21, v15;
	v21 =	vor.u32 $0x150, v1  }
0x13c: {  	v17 =	vadd.f32 v29, v17;
	[tilespmem:v19+s24+$0x0] =	vst.idx.msk $0xffff, v25;
	v19 =	vmul.f32 v22, v14;
	v25 =	vor.u32 $0x1D0, v1  }
0x13d: {  	v29 =	vsel vm0, v61, v33;
	[tilespmem:v28+s24+$0x0] =	vst.idx.msk $0xffff, v16;
	v16 =	vmul.f32 v22, v15;
	v22 =	vor.u32 $0x160, v1  }
0x13e: {  	v18 =	vadd.f32 v29, v18;
	[tilespmem:v20+s24+$0x0] =	vst.idx.msk $0xffff, v19;
	v19 =	vmul.f32 v17, v14;
	v20 =	vor.u32 $0x1E0, v1  }
0x13f: {  	v24 =	vsel vm3, v24, v27;
	[tilespmem:v26+s24+$0x0] =	vst.idx.msk $0xffff, v16;
	v16 =	vmul.f32 v17, v15;
	v17 =	vor.u32 $0x170, v1  }
0x140: {  	v23 =	vadd.f32 v24, v23;
	[tilespmem:v21+s24+$0x0] =	vst.idx.msk $0xffff, v19;
	v19 =	vmul.f32 v18, v14;
	v21 =	vor.u32 $0x1F0, v1  }
0x141: {  	[tilespmem:v25+s24+$0x0] =	vst.idx.msk $0xffff, v16;
	v16 =	vmul.f32 v18, v15  }
0x142: {  	v18 =	vmul.f32 v23, v14;
	[tilespmem:v22+s24+$0x0] =	vst.idx.msk $0xffff, v19  }
0x143: {  	[tilespmem:v20+s24+$0x0] =	vst.idx.msk $0xffff, v16;
	v16 =	vmul.f32 v23, v15  }
0x144: {  	[tilespmem:v17+s24+$0x0] =	vst.idx.msk $0xffff, v18  }
0x145: {  	[tilespmem:v21+s24+$0x0] =	vst.idx.msk $0xffff, v16  }
0x146: {  	_ =	swait.ge [sflag:s22], $0x3400  }
0x147: {  	[sflag:s22] =	ssyncset.done $0x0  }
0x148: {  	s26 =	simm.s32 $0x0;
	[sflag:s22] =	ssyncadd.s32 $0xFFFFCC00  }
0x149: {  	v16 =	vld [tilespmem:s26+$0xC470]  }
0x14a: {  	v17 =	vld [tilespmem:s26+$0xC400];
	_ =	sdelay $0x1  }
0x14b: {  	v18 =	vld [tilespmem:s26+$0xC410]  }
0x14c: {  	v19 =	vld [tilespmem:s26+$0xC420]  }
0x14d: {  	v20 =	vld [tilespmem:s26+$0xC430];
	vm7 =	vgt.s32 v16, $0xC3FF  }
0x14e: {  	v22 =	vld [tilespmem:s26+$0xC440];
	vm6 =	vgt.s32 v17, $0xC3FF;
	v21 =	vsel vm7, $0xFFFF3C00, v0  }
0x14f: {  	v23 =	vsel vm6, $0xFFFF3C00, v0;
	v16 =	vadd.s32 v16, v21;
	v21 =	vld [tilespmem:s26+$0xC450]  }
0x150: {  	vm4 =	vgt.s32 v18, $0xC3FF;
	v17 =	vadd.s32 v17, v23;
	v23 =	vld [tilespmem:s26+$0xC460]  }
0x151: {  	vm5 =	vgt.s32 v19, $0xC3FF;
	v24 =	vsel vm4, $0xFFFF3C00, v0  }
0x152: {  	vm3 =	vgt.s32 v20, $0xC3FF;
	v18 =	vadd.s32 v18, v24;
	v24 =	vsel vm5, $0xFFFF3C00, v0  }
0x153: {  	vm2 =	vgt.s32 v22, $0xC3FF;
	v19 =	vadd.s32 v19, v24;
	v24 =	vsel vm3, $0xFFFF3C00, v0  }
0x154: {  	v20 =	vadd.s32 v20, v24;
	v26 =	vld.idx.msk [tilespmem:v16+s2+$0x0], $0xffff;
	v16 =	vsel vm2, $0xFFFF3C00, v0;
	vm0 =	vgt.s32 v21, $0xC3FF  }
0x155: {  	v17 =	vld.idx.msk [tilespmem:v17+s2+$0x0], $0xffff;
	vm8 =	vgt.s32 v23, $0xC3FF;
	v22 =	vadd.s32 v22, v16;
	v16 =	vsel vm0, $0xFFFF3C00, v0  }
0x156: {  	v21 =	vadd.s32 v21, v16;
	v16 =	vsel vm8, $0xFFFF3C00, v0  }
0x157: {  	v29 =	vld.idx.msk [tilespmem:v18+s2+$0x0], $0xffff;
	v18 =	vadd.s32 v23, v16  }
0x158: {  	v27 =	vld.idx.msk [tilespmem:v19+s2+$0x0], $0xffff;
	vm1 =	vmmov vm0;
	vm0 =	vmmov vm8;
	v16 =	vimm.f32 $0.0e+00  }
0x159: {  	v25 =	vld.idx.msk [tilespmem:v20+s2+$0x0], $0xffff;
	v23 =	vimm.f32 $0.0e+00;
	v19 =	vand.u32 $0xFFFF0000, v26;
	v20 =	vshll.u32 v26, $0x10  }
0x15a: {  	v31 =	vand.u32 $0xFFFF0000, v17;
	v32 =	vshll.u32 v17, $0x10;
	v17 =	vimm.f32 $0.0e+00;
	v26 =	vld.idx.msk [tilespmem:v22+s2+$0x0], $0xffff  }
0x15b: {  	v30 =	vsel vm7, v19, v20;
	v22 =	vimm.f32 $0.0e+00;
	v20 =	vimm.f32 $0.0e+00;
	v24 =	vld.idx.msk [tilespmem:v21+s2+$0x0], $0xffff  }
0x15c: {  	s28 =	simm.s32 $0x80;
	s26 =	simm.s32 $0x400;
	v19 =	vimm.f32 $0.0e+00;
	v21 =	vimm.f32 $0.0e+00;
	v28 =	vld.idx.msk [tilespmem:v18+s2+$0x0], $0xffff;
	v18 =	vimm.f32 $0.0e+00  }
.LBB2_10:
0x15d: {  	p0 =	sne.s32 s26, $0xCE00;
	v33 =	vld [tilespmem:s28+$0xC470];
	v34 =	vand.u32 $0xFFFF0000, v29;
	v29 =	vshll.u32 v29, $0x10;
	v16 =	vadd.f32 v30, v16  }
0x15e: {  	v31 =	vsel vm6, v31, v32;
	v32 =	vand.u32 $0xFFFF0000, v27;
	v27 =	vshll.u32 v27, $0x10;
	v30 =	vld [tilespmem:s28+$0xC400]  }
0x15f: {  	v34 =	vsel vm4, v34, v29;
	v29 =	vand.u32 $0xFFFF0000, v25;
	v25 =	vshll.u32 v25, $0x10;
	v35 =	vld [tilespmem:s28+$0xC410]  }
0x160: {  	v32 =	vsel vm5, v32, v27;
	v27 =	vand.u32 $0xFFFF0000, v26;
	v26 =	vshll.u32 v26, $0x10;
	v36 =	vld [tilespmem:s28+$0xC420]  }
0x161: {  	v38 =	vsel vm3, v29, v25;
	v25 =	vand.u32 $0xFFFF0000, v24;
	v24 =	vshll.u32 v24, $0x10;
	v37 =	vld [tilespmem:s28+$0xC430]  }
0x162: {  	v39 =	vand.u32 $0xFFFF0000, v28;
	v28 =	vshll.u32 v28, $0x10;
	v29 =	vld [tilespmem:s28+$0xC440];
	vm7 =	vgt.s32 v33, $0xC3FF  }
0x163: {  	v26 =	vsel vm2, v27, v26;
	vm6 =	vgt.s32 v30, $0xC3FF;
	v40 =	vld [tilespmem:s28+$0xC450];
	v41 =	vsel vm7, $0xFFFF3C00, v0  }
0x164: {  	v27 =	vsel vm6, $0xFFFF3C00, v0;
	vm4 =	vgt.s32 v35, $0xC3FF;
	v42 =	vld [tilespmem:s28+$0xC460];
	v33 =	vadd.s32 v33, v41  }
0x165: {  	v27 =	vadd.s32 v30, v27;
	v30 =	vsel vm4, $0xFFFF3C00, v0;
	vm5 =	vgt.s32 v36, $0xC3FF  }
0x166: {  	v30 =	vadd.s32 v35, v30;
	v35 =	vsel vm5, $0xFFFF3C00, v0;
	vm3 =	vgt.s32 v37, $0xC3FF  }
0x167: {  	v35 =	vadd.s32 v36, v35;
	v36 =	vsel vm3, $0xFFFF3C00, v0;
	vm2 =	vgt.s32 v29, $0xC3FF  }
0x168: {  	v36 =	vadd.s32 v37, v36;
	v37 =	vsel vm2, $0xFFFF3C00, v0;
	vm8 =	vgt.s32 v40, $0xC3FF  }
0x169: {  	v37 =	vadd.s32 v29, v37;
	v29 =	vsel vm8, $0xFFFF3C00, v0;
	vm9 =	vgt.s32 v42, $0xC3FF;
	v33 =	vld.idx.msk [tilespmem:v33+s2+$0x0], $0xffff  }
0x16a: {  	v24 =	vsel vm1, v25, v24;
	v41 =	vld.idx.msk [tilespmem:v27+s2+$0x0], $0xffff;
	v40 =	vadd.s32 v40, v29;
	v27 =	vsel vm9, $0xFFFF3C00, v0  }
0x16b: {  	v22 =	vadd.f32 v31, v22;
	v28 =	vsel vm0, v39, v28;
	v29 =	vld.idx.msk [tilespmem:v30+s2+$0x0], $0xffff;
	v30 =	vadd.s32 v42, v27  }
.Ltmp4:
0x16c: {  	v20 =	vadd.f32 v34, v20;
	v21 =	vadd.f32 v32, v21;
	vm1 =	vmmov vm8;
	v27 =	vld.idx.msk [tilespmem:v35+s2+$0x0], $0xffff;
	(pc) =	sbr.rel @p0 .LBB2_10-.Ltmp4, $4  }
0x16d: {  	v17 =	vadd.f32 v38, v17;
	v23 =	vadd.f32 v26, v23;
	vm0 =	vmmov vm9;
	v25 =	vld.idx.msk [tilespmem:v36+s2+$0x0], $0xffff  }
0x16e: {  	v18 =	vadd.f32 v24, v18;
	v19 =	vadd.f32 v28, v19;
	v26 =	vld.idx.msk [tilespmem:v37+s2+$0x0], $0xffff  }
0x16f: {  	v34 =	vand.u32 $0xFFFF0000, v33;
	v33 =	vshll.u32 v33, $0x10;
	v24 =	vld.idx.msk [tilespmem:v40+s2+$0x0], $0xffff  }
0x170: {  	s28 =	sshra.s32 s26, $0x2;
	s26 =	sadd.s32 $0x200, s26;
	v31 =	vand.u32 $0xFFFF0000, v41;
	v32 =	vshll.u32 v41, $0x10;
	v28 =	vld.idx.msk [tilespmem:v30+s2+$0x0], $0xffff;
	v30 =	vsel vm7, v34, v33  }
0x171: {  	v33 =	vld [tilespmem:s28+$0xC470]  }
0x172: {  	v34 =	vld [tilespmem:s28+$0xC400]  }
0x173: {  	v35 =	vld [tilespmem:s28+$0xC410]  }
0x174: {  	v36 =	vld [tilespmem:s28+$0xC420]  }
0x175: {  	v37 =	vld [tilespmem:s28+$0xC430];
	v38 =	vand.u32 $0xFFFF0000, v29;
	v31 =	vsel vm6, v31, v32  }
0x176: {  	v39 =	vld [tilespmem:s28+$0xC440];
	v29 =	vshll.u32 v29, $0x10;
	v60 =	vand.u32 $0xFFFF0000, v27;
	vm11 =	vgt.s32 v33, $0xC3FF  }
0x177: {  	v53 =	vld [tilespmem:s28+$0xC450];
	v27 =	vshll.u32 v27, $0x10;
	vm7 =	vgt.s32 v34, $0xC3FF;
	v40 =	vsel vm11, $0xFFFF3C00, v0  }
0x178: {  	v42 =	vld [tilespmem:s28+$0xC460];
	vm8 =	vgt.s32 v35, $0xC3FF;
	v41 =	vsel vm7, $0xFFFF3C00, v0;
	v33 =	vadd.s32 v33, v40  }
0x179: {  	vm10 =	vgt.s32 v36, $0xC3FF;
	v54 =	vsel vm8, $0xFFFF3C00, v0;
	v34 =	vadd.s32 v34, v41  }
0x17a: {  	vm9 =	vgt.s32 v37, $0xC3FF;
	v55 =	vsel vm10, $0xFFFF3C00, v0;
	v35 =	vadd.s32 v35, v54  }
0x17b: {  	vm6 =	vgt.s32 v39, $0xC3FF;
	v56 =	vsel vm9, $0xFFFF3C00, v0;
	v36 =	vadd.s32 v36, v55  }
0x17c: {  	vm13 =	vgt.s32 v53, $0xC3FF;
	v57 =	vsel vm6, $0xFFFF3C00, v0;
	v37 =	vadd.s32 v37, v56  }
0x17d: {  	vm12 =	vgt.s32 v42, $0xC3FF;
	v58 =	vsel vm13, $0xFFFF3C00, v0;
	v39 =	vadd.s32 v39, v57;
	v33 =	vld.idx.msk [tilespmem:v33+s2+$0x0], $0xffff  }
0x17e: {  	v16 =	vadd.f32 v30, v16;
	v59 =	vsel vm12, $0xFFFF3C00, v0;
	v32 =	vadd.s32 v53, v58;
	v34 =	vld.idx.msk [tilespmem:v34+s2+$0x0], $0xffff  }
0x17f: {  	v29 =	vsel vm4, v38, v29;
	v27 =	vsel vm5, v60, v27;
	v40 =	vadd.s32 v42, v59;
	v35 =	vld.idx.msk [tilespmem:v35+s2+$0x0], $0xffff  }
0x180: {  	v61 =	vand.u32 $0xFFFF0000, v25;
	v25 =	vshll.u32 v25, $0x10;
	v22 =	vadd.f32 v31, v22;
	v36 =	vld.idx.msk [tilespmem:v36+s2+$0x0], $0xffff  }
0x181: {  	v62 =	vand.u32 $0xFFFF0000, v26;
	v26 =	vshll.u32 v26, $0x10;
	v25 =	vsel vm3, v61, v25;
	v37 =	vld.idx.msk [tilespmem:v37+s2+$0x0], $0xffff  }
0x182: {  	v20 =	vadd.f32 v29, v20;
	v21 =	vadd.f32 v27, v21;
	v26 =	vsel vm2, v62, v26;
	v30 =	vld.idx.msk [tilespmem:v39+s2+$0x0], $0xffff  }
0x183: {  	v63 =	vand.u32 $0xFFFF0000, v24;
	v24 =	vshll.u32 v24, $0x10;
	v17 =	vadd.f32 v25, v17;
	v32 =	vld.idx.msk [tilespmem:v32+s2+$0x0], $0xffff  }
0x184: {  	v24 =	vsel vm1, v63, v24;
	v42 =	vand.u32 $0xFFFF0000, v28;
	v28 =	vshll.u32 v28, $0x10;
	v31 =	vld.idx.msk [tilespmem:v40+s2+$0x0], $0xffff;
	[tilespmem:s17], [sflag:$0x2] =	stream.strided.gather [hbm4b:s11+s15], $0x3400, s16, s15, $0x38  }
0x185: {  	v26 =	vadd.f32 v26, v23;
	v18 =	vadd.f32 v24, v18;
	v28 =	vsel vm0, v42, v28;
	_ =	swait.ge [sflag:s23], $0x3000  }
0x186: {  	vm1 =	vmmov vm12;
	vm0 =	vmmov vm13;
	v24 =	vadd.f32 v28, v19;
	[sflag:s23] =	ssyncset.done $0x0  }
0x187: {  	s26 =	simm.s32 $0x0;
	[sflag:s23] =	ssyncadd.s32 $0xFFFFD000;
	v19 =	vand.u32 $0xFFFF0000, v33;
	v23 =	vshll.u32 v33, $0x10;
	v25 =	vand.u32 $0xFFFF0000, v34  }
0x188: {  	v29 =	vld [tilespmem:s26+$0xF870];
	v27 =	vshll.u32 v34, $0x10;
	v28 =	vand.u32 $0xFFFF0000, v35;
	v19 =	vsel vm11, v19, v23  }
0x189: {  	v43 =	vshll.u32 v35, $0x10;
	v44 =	vand.u32 $0xFFFF0000, v37;
	v23 =	vadd.f32 v19, v16;
	v19 =	vld [tilespmem:s26+$0xF800]  }
0x18a: {  	v47 =	vld [tilespmem:s26+$0xF830];
	v45 =	vshll.u32 v37, $0x10;
	v46 =	vand.u32 $0xFFFF0000, v30;
	v33 =	vsel vm8, v28, v43  }
0x18b: {  	v28 =	vld [tilespmem:s26+$0xF810];
	v16 =	vsel vm7, v25, v27;
	v25 =	vand.u32 $0xFFFF0000, v36;
	v27 =	vshll.u32 v36, $0x10  }
0x18c: {  	v30 =	vshll.u32 v30, $0x10;
	v48 =	vand.u32 $0xFFFF0000, v32;
	v25 =	vsel vm10, v25, v27;
	v27 =	vld [tilespmem:s26+$0xF820]  }
0x18d: {  	v49 =	vld [tilespmem:s26+$0xF840];
	v32 =	vshll.u32 v32, $0x10;
	v59 =	vand.u32 $0xFFFF0000, v31;
	vm7 =	vgt.s32 v29, $0xC3FF  }
0x18e: {  	v50 =	vld [tilespmem:s26+$0xF850];
	v30 =	vsel vm6, v46, v30;
	v51 =	vsel vm7, $0xFFFF3C00, v0;
	vm3 =	vgt.s32 v19, $0xC3FF  }
0x18f: {  	v53 =	vld [tilespmem:s26+$0xF860];
	vm5 =	vgt.s32 v47, $0xC3FF;
	v29 =	vadd.s32 v29, v51;
	v52 =	vsel vm3, $0xFFFF3C00, v0  }
0x190: {  	v56 =	vsel vm5, $0xFFFF3C00, v0;
	vm4 =	vgt.s32 v28, $0xC3FF;
	v19 =	vadd.s32 v19, v52  }
0x191: {  	v35 =	vadd.s32 v47, v56;
	v54 =	vsel vm4, $0xFFFF3C00, v0;
	vm6 =	vgt.s32 v27, $0xC3FF  }
0x192: {  	vm2 =	vgt.s32 v49, $0xC3FF;
	v28 =	vadd.s32 v28, v54;
	v55 =	vsel vm6, $0xFFFF3C00, v0  }
0x193: {  	vm8 =	vgt.s32 v50, $0xC3FF;
	v57 =	vsel vm2, $0xFFFF3C00, v0;
	v27 =	vadd.s32 v27, v55  }
0x194: {  	vm15 =	vgt.s32 v53, $0xC3FF;
	v58 =	vsel vm8, $0xFFFF3C00, v0;
	v38 =	vadd.s32 v49, v57;
	v29 =	vld.idx.msk [tilespmem:v29+s2+$0x0], $0xffff  }
0x195: {  	v31 =	vshll.u32 v31, $0x10;
	v36 =	vadd.s32 v50, v58;
	v60 =	vld.idx.msk [tilespmem:v19+s2+$0x0], $0xffff;
	v19 =	vsel vm15, $0xFFFF3C00, v0  }
0x196: {  	v16 =	vadd.f32 v16, v22;
	v22 =	vadd.f32 v30, v26;
	v26 =	vld.idx.msk [tilespmem:v35+s2+$0x0], $0xffff;
	v61 =	vadd.s32 v53, v19  }
0x197: {  	v34 =	vsel vm9, v44, v45;
	v32 =	vsel vm0, v48, v32;
	v28 =	vld.idx.msk [tilespmem:v28+s2+$0x0], $0xffff;
	v19 =	vadd.f32 v33, v20  }
0x198: {  	v20 =	vadd.f32 v25, v21;
	v25 =	vld.idx.msk [tilespmem:v27+s2+$0x0], $0xffff;
	v27 =	vsel vm1, v59, v31;
	v21 =	vadd.f32 v34, v17  }
0x199: {  	vm0 =	vmmov vm15;
	v17 =	vadd.f32 v32, v18;
	v18 =	vadd.f32 v27, v24;
	v27 =	vld.idx.msk [tilespmem:v38+s2+$0x0], $0xffff  }
0x19a: {  	vm1 =	vmmov vm8;
	v24 =	vld.idx.msk [tilespmem:v36+s2+$0x0], $0xffff;
	v62 =	vand.u32 $0xFFFF0000, v29;
	v63 =	vshll.u32 v29, $0x10  }
0x19b: {  	s28 =	simm.s32 $0x80;
	s26 =	simm.s32 $0x400;
	v32 =	vsel vm7, v62, v63;
	v30 =	vand.u32 $0xFFFF0000, v60;
	v31 =	vshll.u32 v60, $0x10;
	v29 =	vld.idx.msk [tilespmem:v61+s2+$0x0], $0xffff  }
.LBB2_12:
0x19c: {  	p0 =	sne.s32 s26, $0xBE00;
	v33 =	vld [tilespmem:s28+$0xF870];
	v34 =	vand.u32 $0xFFFF0000, v28;
	v28 =	vshll.u32 v28, $0x10;
	v23 =	vadd.f32 v32, v23  }
0x19d: {  	v30 =	vsel vm3, v30, v31;
	v31 =	vand.u32 $0xFFFF0000, v25;
	v25 =	vshll.u32 v25, $0x10;
	v32 =	vld [tilespmem:s28+$0xF800]  }
0x19e: {  	v34 =	vsel vm4, v34, v28;
	v28 =	vand.u32 $0xFFFF0000, v26;
	v26 =	vshll.u32 v26, $0x10;
	v35 =	vld [tilespmem:s28+$0xF810]  }
0x19f: {  	v31 =	vsel vm6, v31, v25;
	v25 =	vand.u32 $0xFFFF0000, v27;
	v27 =	vshll.u32 v27, $0x10;
	v36 =	vld [tilespmem:s28+$0xF820]  }
0x1a0: {  	v38 =	vsel vm5, v28, v26;
	v26 =	vand.u32 $0xFFFF0000, v24;
	v24 =	vshll.u32 v24, $0x10;
	v37 =	vld [tilespmem:s28+$0xF830]  }
0x1a1: {  	v39 =	vand.u32 $0xFFFF0000, v29;
	v29 =	vshll.u32 v29, $0x10;
	v28 =	vld [tilespmem:s28+$0xF840];
	vm7 =	vgt.s32 v33, $0xC3FF  }
0x1a2: {  	v27 =	vsel vm2, v25, v27;
	vm3 =	vgt.s32 v32, $0xC3FF;
	v40 =	vld [tilespmem:s28+$0xF850];
	v41 =	vsel vm7, $0xFFFF3C00, v0  }
0x1a3: {  	v25 =	vsel vm3, $0xFFFF3C00, v0;
	vm4 =	vgt.s32 v35, $0xC3FF;
	v42 =	vld [tilespmem:s28+$0xF860];
	v33 =	vadd.s32 v33, v41  }
0x1a4: {  	v25 =	vadd.s32 v32, v25;
	v32 =	vsel vm4, $0xFFFF3C00, v0;
	vm6 =	vgt.s32 v36, $0xC3FF  }
0x1a5: {  	v32 =	vadd.s32 v35, v32;
	v35 =	vsel vm6, $0xFFFF3C00, v0;
	vm5 =	vgt.s32 v37, $0xC3FF  }
0x1a6: {  	v35 =	vadd.s32 v36, v35;
	v36 =	vsel vm5, $0xFFFF3C00, v0;
	vm2 =	vgt.s32 v28, $0xC3FF  }
0x1a7: {  	v36 =	vadd.s32 v37, v36;
	v37 =	vsel vm2, $0xFFFF3C00, v0;
	vm8 =	vgt.s32 v40, $0xC3FF  }
0x1a8: {  	v37 =	vadd.s32 v28, v37;
	v28 =	vsel vm8, $0xFFFF3C00, v0;
	vm9 =	vgt.s32 v42, $0xC3FF;
	v33 =	vld.idx.msk [tilespmem:v33+s2+$0x0], $0xffff  }
0x1a9: {  	v24 =	vsel vm1, v26, v24;
	v41 =	vld.idx.msk [tilespmem:v25+s2+$0x0], $0xffff;
	v40 =	vadd.s32 v40, v28;
	v25 =	vsel vm9, $0xFFFF3C00, v0  }
0x1aa: {  	v16 =	vadd.f32 v30, v16;
	v29 =	vsel vm0, v39, v29;
	v28 =	vld.idx.msk [tilespmem:v32+s2+$0x0], $0xffff;
	v32 =	vadd.s32 v42, v25  }
.Ltmp5:
0x1ab: {  	v19 =	vadd.f32 v34, v19;
	v20 =	vadd.f32 v31, v20;
	vm1 =	vmmov vm8;
	v25 =	vld.idx.msk [tilespmem:v35+s2+$0x0], $0xffff;
	(pc) =	sbr.rel @p0 .LBB2_12-.Ltmp5, $4  }
0x1ac: {  	v21 =	vadd.f32 v38, v21;
	v22 =	vadd.f32 v27, v22;
	vm0 =	vmmov vm9;
	v26 =	vld.idx.msk [tilespmem:v36+s2+$0x0], $0xffff  }
0x1ad: {  	v17 =	vadd.f32 v24, v17;
	v18 =	vadd.f32 v29, v18;
	v27 =	vld.idx.msk [tilespmem:v37+s2+$0x0], $0xffff  }
0x1ae: {  	v34 =	vand.u32 $0xFFFF0000, v33;
	v33 =	vshll.u32 v33, $0x10;
	v24 =	vld.idx.msk [tilespmem:v40+s2+$0x0], $0xffff  }
0x1af: {  	s28 =	sshra.s32 s26, $0x2;
	s26 =	sadd.s32 $0x200, s26;
	v30 =	vand.u32 $0xFFFF0000, v41;
	v31 =	vshll.u32 v41, $0x10;
	v29 =	vld.idx.msk [tilespmem:v32+s2+$0x0], $0xffff;
	v32 =	vsel vm7, v34, v33  }
0x1b0: {  	v33 =	vld [tilespmem:s28+$0xF870]  }
0x1b1: {  	v34 =	vand.u32 $0xFFFF0000, v28;
	v28 =	vshll.u32 v28, $0x10;
	v23 =	vadd.f32 v32, v23;
	v63 =	vld [tilespmem:s28+$0xF800]  }
0x1b2: {  	v30 =	vsel vm3, v30, v31;
	v31 =	vand.u32 $0xFFFF0000, v25;
	v25 =	vshll.u32 v25, $0x10;
	v35 =	vld [tilespmem:s28+$0xF810]  }
0x1b3: {  	v36 =	vld [tilespmem:s28+$0xF820];
	v56 =	vor.u32 $0x200, v1;
	v58 =	vor.u32 $0x210, v1;
	v60 =	vor.u32 $0x290, v1  }
0x1b4: {  	v37 =	vld [tilespmem:s28+$0xF830];
	v62 =	vor.u32 $0x220, v1;
	v28 =	vsel vm4, v34, v28;
	v44 =	vand.u32 $0xFFFF0000, v26  }
0x1b5: {  	v42 =	vld [tilespmem:s28+$0xF860];
	v26 =	vshll.u32 v26, $0x10;
	v25 =	vsel vm6, v31, v25;
	v16 =	vadd.f32 v30, v16  }
0x1b6: {  	v31 =	vand.u32 $0xFFFF0000, v27;
	v27 =	vshll.u32 v27, $0x10;
	v26 =	vsel vm5, v44, v26  }
0x1b7: {  	v27 =	vsel vm2, v31, v27;
	vm3 =	vgt.s32 v33, $0xC3FF;
	vm4 =	vgt.s32 v63, $0xC3FF  }
0x1b8: {  	vm5 =	vgt.s32 v35, $0xC3FF;
	vm7 =	vgt.s32 v36, $0xC3FF;
	v41 =	vsel vm3, $0xFFFF3C00, v0  }
0x1b9: {  	vm6 =	vgt.s32 v37, $0xC3FF;
	v31 =	vsel vm4, $0xFFFF3C00, v0;
	v33 =	vadd.s32 v33, v41  }
0x1ba: {  	v38 =	vld [tilespmem:s28+$0xF840];
	vm9 =	vgt.s32 v42, $0xC3FF;
	v46 =	vsel vm5, $0xFFFF3C00, v0;
	v31 =	vadd.s32 v63, v31  }
0x1bb: {  	v47 =	vsel vm7, $0xFFFF3C00, v0;
	v48 =	vsel vm6, $0xFFFF3C00, v0;
	v32 =	vadd.s32 v35, v46  }
0x1bc: {  	v40 =	vld [tilespmem:s28+$0xF850];
	v51 =	vsel vm9, $0xFFFF3C00, v0;
	v35 =	vadd.s32 v36, v47;
	v36 =	vadd.s32 v37, v48  }
0x1bd: {  	v19 =	vadd.f32 v28, v19;
	v20 =	vadd.f32 v25, v20;
	v52 =	vadd.s32 v42, v51  }
0x1be: {  	v45 =	vand.u32 $0xFFFF0000, v24;
	v24 =	vshll.u32 v24, $0x10;
	v21 =	vadd.f32 v26, v21;
	v33 =	vld.idx.msk [tilespmem:v33+s2+$0x0], $0xffff  }
0x1bf: {  	v39 =	vand.u32 $0xFFFF0000, v29;
	v29 =	vshll.u32 v29, $0x10;
	vm2 =	vgt.s32 v38, $0xC3FF;
	v31 =	vld.idx.msk [tilespmem:v31+s2+$0x0], $0xffff  }
0x1c0: {  	v24 =	vsel vm1, v45, v24;
	v22 =	vadd.f32 v27, v22;
	v49 =	vsel vm2, $0xFFFF3C00, v0;
	v32 =	vld.idx.msk [tilespmem:v32+s2+$0x0], $0xffff  }
0x1c1: {  	vm8 =	vgt.s32 v40, $0xC3FF;
	v29 =	vsel vm0, v39, v29;
	v37 =	vadd.s32 v38, v49;
	v25 =	vld.idx.msk [tilespmem:v36+s2+$0x0], $0xffff  }
0x1c2: {  	v17 =	vadd.f32 v24, v17;
	v50 =	vsel vm8, $0xFFFF3C00, v0;
	vm1 =	vmmov vm8;
	v54 =	vld.idx.msk [tilespmem:v52+s2+$0x0], $0xffff  }
0x1c3: {  	vm0 =	vmmov vm9;
	v18 =	vadd.f32 v29, v18;
	v38 =	vadd.s32 v40, v50;
	v30 =	vld.idx.msk [tilespmem:v35+s2+$0x0], $0xffff  }
0x1c4: {  	v63 =	vor.u32 $0x2A0, v1;
	v24 =	vand.u32 $0xFFFF0000, v33;
	v27 =	vshll.u32 v33, $0x10  }
0x1c5: {  	v28 =	vand.u32 $0xFFFF0000, v31;
	v29 =	vshll.u32 v31, $0x10;
	v53 =	vand.u32 $0xFFFF0000, v32  }
0x1c6: {  	v26 =	vld.idx.msk [tilespmem:v37+s2+$0x0], $0xffff;
	v32 =	vshll.u32 v32, $0x10;
	v55 =	vand.u32 $0xFFFF0000, v25;
	v25 =	vshll.u32 v25, $0x10  }
0x1c7: {  	v61 =	vand.u32 $0xFFFF0000, v54;
	v33 =	vshll.u32 v54, $0x10;
	v28 =	vsel vm4, v28, v29  }
0x1c8: {  	v29 =	vand.u32 $0xFFFF0000, v30;
	v16 =	vadd.f32 v28, v16;
	v28 =	vor.u32 $0x280, v1  }
0x1c9: {  	v30 =	vshll.u32 v30, $0x10;
	v32 =	vsel vm5, v53, v32;
	v25 =	vsel vm6, v55, v25  }
0x1ca: {  	v29 =	vsel vm7, v29, v30;
	v19 =	vadd.f32 v32, v19;
	v59 =	vmul.f32 v16, v14  }
0x1cb: {  	v31 =	vld.idx.msk [tilespmem:v38+s2+$0x0], $0xffff;
	[tilespmem:s18], [sflag:$0x3] =	stream.strided.gather [hbm4b:s12+s15], $0x3000, s16, s15, $0x38;
	v30 =	vand.u32 $0xFFFF0000, v26;
	v21 =	vadd.f32 v25, v21;
	v16 =	vmul.f32 v16, v15  }
0x1cc: {  	v26 =	vshll.u32 v26, $0x10;
	v20 =	vadd.f32 v29, v20;
	v29 =	vmul.f32 v19, v14;
	[tilespmem:v56+s24+$0x0] =	vst.idx.msk $0xffff, v59  }
0x1cd: {  	v26 =	vsel vm2, v30, v26;
	[tilespmem:v28+s24+$0x0] =	vst.idx.msk $0xffff, v16;
	v16 =	vmul.f32 v19, v15;
	v19 =	vor.u32 $0x230, v1  }
0x1ce: {  	v22 =	vadd.f32 v26, v22;
	v25 =	vmul.f32 v20, v14;
	v28 =	vor.u32 $0x2B0, v1;
	[tilespmem:v58+s24+$0x0] =	vst.idx.msk $0xffff, v29  }
0x1cf: {  	v26 =	vor.u32 $0x2C0, v1;
	[tilespmem:v60+s24+$0x0] =	vst.idx.msk $0xffff, v16;
	v16 =	vmul.f32 v20, v15;
	v20 =	vor.u32 $0x240, v1  }
0x1d0: {  	v57 =	vand.u32 $0xFFFF0000, v31;
	v31 =	vshll.u32 v31, $0x10;
	[tilespmem:v62+s24+$0x0] =	vst.idx.msk $0xffff, v25;
	v25 =	vmul.f32 v21, v14  }
0x1d1: {  	v29 =	vsel vm1, v57, v31;
	[tilespmem:v63+s24+$0x0] =	vst.idx.msk $0xffff, v16;
	v16 =	vmul.f32 v21, v15;
	v21 =	vor.u32 $0x250, v1  }
0x1d2: {  	v17 =	vadd.f32 v29, v17;
	[tilespmem:v19+s24+$0x0] =	vst.idx.msk $0xffff, v25;
	v19 =	vmul.f32 v22, v14;
	v25 =	vor.u32 $0x2D0, v1  }
0x1d3: {  	v29 =	vsel vm0, v61, v33;
	[tilespmem:v28+s24+$0x0] =	vst.idx.msk $0xffff, v16;
	v16 =	vmul.f32 v22, v15;
	v22 =	vor.u32 $0x260, v1  }
0x1d4: {  	v18 =	vadd.f32 v29, v18;
	[tilespmem:v20+s24+$0x0] =	vst.idx.msk $0xffff, v19;
	v19 =	vmul.f32 v17, v14;
	v20 =	vor.u32 $0x2E0, v1  }
0x1d5: {  	v24 =	vsel vm3, v24, v27;
	[tilespmem:v26+s24+$0x0] =	vst.idx.msk $0xffff, v16;
	v16 =	vmul.f32 v17, v15;
	v17 =	vor.u32 $0x270, v1  }
0x1d6: {  	v23 =	vadd.f32 v24, v23;
	[tilespmem:v21+s24+$0x0] =	vst.idx.msk $0xffff, v19;
	v19 =	vmul.f32 v18, v14;
	v21 =	vor.u32 $0x2F0, v1  }
0x1d7: {  	[tilespmem:v25+s24+$0x0] =	vst.idx.msk $0xffff, v16;
	v16 =	vmul.f32 v18, v15  }
0x1d8: {  	v18 =	vmul.f32 v23, v14;
	[tilespmem:v22+s24+$0x0] =	vst.idx.msk $0xffff, v19  }
0x1d9: {  	[tilespmem:v20+s24+$0x0] =	vst.idx.msk $0xffff, v16;
	v16 =	vmul.f32 v23, v15  }
0x1da: {  	[tilespmem:v17+s24+$0x0] =	vst.idx.msk $0xffff, v18  }
0x1db: {  	[tilespmem:v21+s24+$0x0] =	vst.idx.msk $0xffff, v16  }
0x1dc: {  	_ =	swait.ge [sflag:s22], $0x3400  }
0x1dd: {  	[sflag:s22] =	ssyncset.done $0x0  }
0x1de: {  	s26 =	simm.s32 $0x0;
	[sflag:s22] =	ssyncadd.s32 $0xFFFFCC00  }
0x1df: {  	v16 =	vld [tilespmem:s26+$0xC470]  }
0x1e0: {  	v17 =	vld [tilespmem:s26+$0xC400];
	_ =	sdelay $0x1  }
0x1e1: {  	v18 =	vld [tilespmem:s26+$0xC410]  }
0x1e2: {  	v19 =	vld [tilespmem:s26+$0xC420]  }
0x1e3: {  	v20 =	vld [tilespmem:s26+$0xC430];
	vm7 =	vgt.s32 v16, $0xC3FF  }
0x1e4: {  	v22 =	vld [tilespmem:s26+$0xC440];
	vm5 =	vgt.s32 v17, $0xC3FF;
	v21 =	vsel vm7, $0xFFFF3C00, v0  }
0x1e5: {  	v23 =	vsel vm5, $0xFFFF3C00, v0;
	v16 =	vadd.s32 v16, v21;
	v21 =	vld [tilespmem:s26+$0xC450]  }
0x1e6: {  	vm6 =	vgt.s32 v18, $0xC3FF;
	v17 =	vadd.s32 v17, v23;
	v23 =	vld [tilespmem:s26+$0xC460]  }
0x1e7: {  	vm4 =	vgt.s32 v19, $0xC3FF;
	v24 =	vsel vm6, $0xFFFF3C00, v0  }
0x1e8: {  	vm3 =	vgt.s32 v20, $0xC3FF;
	v18 =	vadd.s32 v18, v24;
	v24 =	vsel vm4, $0xFFFF3C00, v0  }
0x1e9: {  	vm2 =	vgt.s32 v22, $0xC3FF;
	v19 =	vadd.s32 v19, v24;
	v24 =	vsel vm3, $0xFFFF3C00, v0  }
0x1ea: {  	v20 =	vadd.s32 v20, v24;
	v26 =	vld.idx.msk [tilespmem:v16+s2+$0x0], $0xffff;
	v16 =	vsel vm2, $0xFFFF3C00, v0;
	vm0 =	vgt.s32 v21, $0xC3FF  }
0x1eb: {  	v17 =	vld.idx.msk [tilespmem:v17+s2+$0x0], $0xffff;
	vm8 =	vgt.s32 v23, $0xC3FF;
	v22 =	vadd.s32 v22, v16;
	v16 =	vsel vm0, $0xFFFF3C00, v0  }
0x1ec: {  	v21 =	vadd.s32 v21, v16;
	v16 =	vsel vm8, $0xFFFF3C00, v0  }
0x1ed: {  	v30 =	vld.idx.msk [tilespmem:v18+s2+$0x0], $0xffff;
	v18 =	vadd.s32 v23, v16  }
0x1ee: {  	v28 =	vld.idx.msk [tilespmem:v19+s2+$0x0], $0xffff;
	vm1 =	vmmov vm0;
	vm0 =	vmmov vm8;
	v16 =	vimm.f32 $0.0e+00  }
0x1ef: {  	v25 =	vld.idx.msk [tilespmem:v20+s2+$0x0], $0xffff;
	v23 =	vimm.f32 $0.0e+00;
	v19 =	vand.u32 $0xFFFF0000, v26;
	v20 =	vshll.u32 v26, $0x10  }
0x1f0: {  	v31 =	vand.u32 $0xFFFF0000, v17;
	v32 =	vshll.u32 v17, $0x10;
	v17 =	vimm.f32 $0.0e+00;
	v26 =	vld.idx.msk [tilespmem:v22+s2+$0x0], $0xffff  }
0x1f1: {  	v29 =	vsel vm7, v19, v20;
	v22 =	vimm.f32 $0.0e+00;
	v20 =	vimm.f32 $0.0e+00;
	v24 =	vld.idx.msk [tilespmem:v21+s2+$0x0], $0xffff  }
0x1f2: {  	s28 =	simm.s32 $0x80;
	s26 =	simm.s32 $0x400;
	v19 =	vimm.f32 $0.0e+00;
	v21 =	vimm.f32 $0.0e+00;
	v27 =	vld.idx.msk [tilespmem:v18+s2+$0x0], $0xffff;
	v18 =	vimm.f32 $0.0e+00  }
.LBB2_14:
0x1f3: {  	p0 =	sne.s32 s26, $0xCE00;
	v33 =	vld [tilespmem:s28+$0xC470];
	v34 =	vand.u32 $0xFFFF0000, v30;
	v30 =	vshll.u32 v30, $0x10;
	v16 =	vadd.f32 v29, v16  }
0x1f4: {  	v31 =	vsel vm5, v31, v32;
	v32 =	vand.u32 $0xFFFF0000, v28;
	v28 =	vshll.u32 v28, $0x10;
	v29 =	vld [tilespmem:s28+$0xC400]  }
0x1f5: {  	v34 =	vsel vm6, v34, v30;
	v30 =	vand.u32 $0xFFFF0000, v25;
	v25 =	vshll.u32 v25, $0x10;
	v35 =	vld [tilespmem:s28+$0xC410]  }
0x1f6: {  	v32 =	vsel vm4, v32, v28;
	v28 =	vand.u32 $0xFFFF0000, v26;
	v26 =	vshll.u32 v26, $0x10;
	v36 =	vld [tilespmem:s28+$0xC420]  }
0x1f7: {  	v38 =	vsel vm3, v30, v25;
	v25 =	vand.u32 $0xFFFF0000, v24;
	v24 =	vshll.u32 v24, $0x10;
	v37 =	vld [tilespmem:s28+$0xC430]  }
0x1f8: {  	v39 =	vand.u32 $0xFFFF0000, v27;
	v27 =	vshll.u32 v27, $0x10;
	v30 =	vld [tilespmem:s28+$0xC440];
	vm7 =	vgt.s32 v33, $0xC3FF  }
0x1f9: {  	v26 =	vsel vm2, v28, v26;
	vm5 =	vgt.s32 v29, $0xC3FF;
	v40 =	vld [tilespmem:s28+$0xC450];
	v41 =	vsel vm7, $0xFFFF3C00, v0  }
0x1fa: {  	v28 =	vsel vm5, $0xFFFF3C00, v0;
	vm6 =	vgt.s32 v35, $0xC3FF;
	v42 =	vld [tilespmem:s28+$0xC460];
	v33 =	vadd.s32 v33, v41  }
0x1fb: {  	v28 =	vadd.s32 v29, v28;
	v29 =	vsel vm6, $0xFFFF3C00, v0;
	vm4 =	vgt.s32 v36, $0xC3FF  }
0x1fc: {  	v29 =	vadd.s32 v35, v29;
	v35 =	vsel vm4, $0xFFFF3C00, v0;
	vm3 =	vgt.s32 v37, $0xC3FF  }
0x1fd: {  	v35 =	vadd.s32 v36, v35;
	v36 =	vsel vm3, $0xFFFF3C00, v0;
	vm2 =	vgt.s32 v30, $0xC3FF  }
0x1fe: {  	v36 =	vadd.s32 v37, v36;
	v37 =	vsel vm2, $0xFFFF3C00, v0;
	vm8 =	vgt.s32 v40, $0xC3FF  }
0x1ff: {  	v37 =	vadd.s32 v30, v37;
	v30 =	vsel vm8, $0xFFFF3C00, v0;
	vm9 =	vgt.s32 v42, $0xC3FF;
	v33 =	vld.idx.msk [tilespmem:v33+s2+$0x0], $0xffff  }
0x200: {  	v24 =	vsel vm1, v25, v24;
	v41 =	vld.idx.msk [tilespmem:v28+s2+$0x0], $0xffff;
	v40 =	vadd.s32 v40, v30;
	v28 =	vsel vm9, $0xFFFF3C00, v0  }
0x201: {  	v22 =	vadd.f32 v31, v22;
	v27 =	vsel vm0, v39, v27;
	v30 =	vld.idx.msk [tilespmem:v29+s2+$0x0], $0xffff;
	v29 =	vadd.s32 v42, v28  }
.Ltmp6:
0x202: {  	v20 =	vadd.f32 v34, v20;
	v21 =	vadd.f32 v32, v21;
	vm1 =	vmmov vm8;
	v28 =	vld.idx.msk [tilespmem:v35+s2+$0x0], $0xffff;
	(pc) =	sbr.rel @p0 .LBB2_14-.Ltmp6, $4  }
0x203: {  	v17 =	vadd.f32 v38, v17;
	v23 =	vadd.f32 v26, v23;
	vm0 =	vmmov vm9;
	v25 =	vld.idx.msk [tilespmem:v36+s2+$0x0], $0xffff  }
0x204: {  	v18 =	vadd.f32 v24, v18;
	v19 =	vadd.f32 v27, v19;
	v26 =	vld.idx.msk [tilespmem:v37+s2+$0x0], $0xffff  }
0x205: {  	v34 =	vand.u32 $0xFFFF0000, v33;
	v33 =	vshll.u32 v33, $0x10;
	v24 =	vld.idx.msk [tilespmem:v40+s2+$0x0], $0xffff  }
0x206: {  	s28 =	sshra.s32 s26, $0x2;
	s26 =	sadd.s32 $0x200, s26;
	v31 =	vand.u32 $0xFFFF0000, v41;
	v32 =	vshll.u32 v41, $0x10;
	v27 =	vld.idx.msk [tilespmem:v29+s2+$0x0], $0xffff;
	v29 =	vsel vm7, v34, v33  }
0x207: {  	v33 =	vld [tilespmem:s28+$0xC470]  }
0x208: {  	v34 =	vld [tilespmem:s28+$0xC400]  }
0x209: {  	v35 =	vld [tilespmem:s28+$0xC410]  }
0x20a: {  	v36 =	vld [tilespmem:s28+$0xC420];
	v37 =	vand.u32 $0xFFFF0000, v30;
	v30 =	vshll.u32 v30, $0x10  }
0x20b: {  	v38 =	vld [tilespmem:s28+$0xC430];
	v31 =	vsel vm5, v31, v32;
	v51 =	vand.u32 $0xFFFF0000, v28;
	v28 =	vshll.u32 v28, $0x10  }
0x20c: {  	v39 =	vld [tilespmem:s28+$0xC440];
	v16 =	vadd.f32 v29, v16;
	v30 =	vsel vm6, v37, v30;
	vm10 =	vgt.s32 v33, $0xC3FF  }
0x20d: {  	v52 =	vld [tilespmem:s28+$0xC450];
	v28 =	vsel vm4, v51, v28;
	vm6 =	vgt.s32 v34, $0xC3FF;
	v40 =	vsel vm10, $0xFFFF3C00, v0  }
0x20e: {  	v42 =	vld [tilespmem:s28+$0xC460];
	vm7 =	vgt.s32 v35, $0xC3FF;
	v41 =	vsel vm6, $0xFFFF3C00, v0;
	v33 =	vadd.s32 v33, v40  }
0x20f: {  	vm9 =	vgt.s32 v36, $0xC3FF;
	v53 =	vsel vm7, $0xFFFF3C00, v0;
	v34 =	vadd.s32 v34, v41  }
0x210: {  	vm8 =	vgt.s32 v38, $0xC3FF;
	v54 =	vsel vm9, $0xFFFF3C00, v0;
	v35 =	vadd.s32 v35, v53  }
0x211: {  	vm5 =	vgt.s32 v39, $0xC3FF;
	v55 =	vsel vm8, $0xFFFF3C00, v0;
	v36 =	vadd.s32 v36, v54  }
0x212: {  	vm12 =	vgt.s32 v52, $0xC3FF;
	v56 =	vsel vm5, $0xFFFF3C00, v0;
	v38 =	vadd.s32 v38, v55  }
0x213: {  	vm11 =	vgt.s32 v42, $0xC3FF;
	v57 =	vsel vm12, $0xFFFF3C00, v0;
	v39 =	vadd.s32 v39, v56;
	v33 =	vld.idx.msk [tilespmem:v33+s2+$0x0], $0xffff  }
0x214: {  	v59 =	vand.u32 $0xFFFF0000, v25;
	v58 =	vsel vm11, $0xFFFF3C00, v0;
	v37 =	vadd.s32 v52, v57;
	v34 =	vld.idx.msk [tilespmem:v34+s2+$0x0], $0xffff  }
0x215: {  	v25 =	vshll.u32 v25, $0x10;
	v22 =	vadd.f32 v31, v22;
	v40 =	vadd.s32 v42, v58;
	v35 =	vld.idx.msk [tilespmem:v35+s2+$0x0], $0xffff  }
0x216: {  	v60 =	vand.u32 $0xFFFF0000, v26;
	v26 =	vshll.u32 v26, $0x10;
	v25 =	vsel vm3, v59, v25;
	v36 =	vld.idx.msk [tilespmem:v36+s2+$0x0], $0xffff  }
0x217: {  	v20 =	vadd.f32 v30, v20;
	v21 =	vadd.f32 v28, v21;
	v26 =	vsel vm2, v60, v26;
	v29 =	vld.idx.msk [tilespmem:v38+s2+$0x0], $0xffff  }
0x218: {  	v61 =	vand.u32 $0xFFFF0000, v24;
	v24 =	vshll.u32 v24, $0x10;
	v17 =	vadd.f32 v25, v17;
	v39 =	vld.idx.msk [tilespmem:v39+s2+$0x0], $0xffff  }
0x219: {  	v62 =	vand.u32 $0xFFFF0000, v27;
	v27 =	vshll.u32 v27, $0x10;
	v24 =	vsel vm1, v61, v24;
	v31 =	vld.idx.msk [tilespmem:v37+s2+$0x0], $0xffff  }
0x21a: {  	v26 =	vadd.f32 v26, v23;
	v27 =	vsel vm0, v62, v27;
	v18 =	vadd.f32 v24, v18;
	v28 =	vld.idx.msk [tilespmem:v40+s2+$0x0], $0xffff;
	_ =	swait.ge [sflag:s23], $0x3000  }
0x21b: {  	vm0 =	vmmov vm12;
	vm1 =	vmmov vm11;
	v24 =	vadd.f32 v27, v19;
	[sflag:s23] =	ssyncset.done $0x0  }
0x21c: {  	s26 =	simm.s32 $0x0;
	[sflag:s23] =	ssyncadd.s32 $0xFFFFD000;
	v19 =	vand.u32 $0xFFFF0000, v33;
	v23 =	vshll.u32 v33, $0x10;
	v25 =	vand.u32 $0xFFFF0000, v34  }
0x21d: {  	v63 =	vld [tilespmem:s26+$0xF870];
	v27 =	vshll.u32 v34, $0x10;
	v30 =	vand.u32 $0xFFFF0000, v35;
	v19 =	vsel vm10, v19, v23  }
0x21e: {  	v43 =	vshll.u32 v35, $0x10;
	v45 =	vand.u32 $0xFFFF0000, v29;
	v23 =	vadd.f32 v19, v16;
	v19 =	vld [tilespmem:s26+$0xF800]  }
0x21f: {  	v44 =	vld [tilespmem:s26+$0xF810];
	v29 =	vshll.u32 v29, $0x10;
	v46 =	vand.u32 $0xFFFF0000, v39;
	v47 =	vshll.u32 v39, $0x10  }
0x220: {  	v48 =	vld [tilespmem:s26+$0xF830];
	v16 =	vsel vm6, v25, v27;
	v25 =	vand.u32 $0xFFFF0000, v36;
	v27 =	vshll.u32 v36, $0x10  }
0x221: {  	v37 =	vand.u32 $0xFFFF0000, v31;
	v31 =	vshll.u32 v31, $0x10;
	v25 =	vsel vm9, v25, v27;
	v27 =	vld [tilespmem:s26+$0xF820]  }
0x222: {  	v49 =	vld [tilespmem:s26+$0xF840];
	v30 =	vsel vm7, v30, v43;
	v29 =	vsel vm8, v45, v29;
	vm7 =	vgt.s32 v63, $0xC3FF  }
0x223: {  	v50 =	vld [tilespmem:s26+$0xF850];
	v35 =	vsel vm5, v46, v47;
	v51 =	vsel vm7, $0xFFFF3C00, v0;
	vm3 =	vgt.s32 v19, $0xC3FF  }
0x224: {  	v53 =	vld [tilespmem:s26+$0xF860];
	vm4 =	vgt.s32 v44, $0xC3FF;
	v32 =	vadd.s32 v63, v51;
	v52 =	vsel vm3, $0xFFFF3C00, v0  }
0x225: {  	vm5 =	vgt.s32 v48, $0xC3FF;
	v54 =	vsel vm4, $0xFFFF3C00, v0;
	v19 =	vadd.s32 v19, v52  }
0x226: {  	v56 =	vsel vm5, $0xFFFF3C00, v0;
	v33 =	vadd.s32 v44, v54;
	vm6 =	vgt.s32 v27, $0xC3FF  }
0x227: {  	vm2 =	vgt.s32 v49, $0xC3FF;
	v34 =	vadd.s32 v48, v56;
	v55 =	vsel vm6, $0xFFFF3C00, v0  }
0x228: {  	vm8 =	vgt.s32 v50, $0xC3FF;
	v57 =	vsel vm2, $0xFFFF3C00, v0;
	v27 =	vadd.s32 v27, v55  }
0x229: {  	vm15 =	vgt.s32 v53, $0xC3FF;
	v58 =	vsel vm8, $0xFFFF3C00, v0;
	v38 =	vadd.s32 v49, v57;
	v32 =	vld.idx.msk [tilespmem:v32+s2+$0x0], $0xffff  }
0x22a: {  	v59 =	vand.u32 $0xFFFF0000, v28;
	v36 =	vadd.s32 v50, v58;
	v60 =	vld.idx.msk [tilespmem:v19+s2+$0x0], $0xffff;
	v19 =	vsel vm15, $0xFFFF3C00, v0  }
0x22b: {  	v61 =	vshll.u32 v28, $0x10;
	v16 =	vadd.f32 v16, v22;
	v28 =	vld.idx.msk [tilespmem:v33+s2+$0x0], $0xffff;
	v62 =	vadd.s32 v53, v19  }
0x22c: {  	v31 =	vsel vm0, v37, v31;
	v22 =	vadd.f32 v35, v26;
	v26 =	vld.idx.msk [tilespmem:v34+s2+$0x0], $0xffff;
	v19 =	vadd.f32 v30, v20  }
0x22d: {  	v20 =	vadd.f32 v25, v21;
	v25 =	vld.idx.msk [tilespmem:v27+s2+$0x0], $0xffff;
	v27 =	vsel vm1, v59, v61;
	v21 =	vadd.f32 v29, v17  }
0x22e: {  	vm0 =	vmmov vm15;
	v17 =	vadd.f32 v31, v18;
	v18 =	vadd.f32 v27, v24;
	v27 =	vld.idx.msk [tilespmem:v38+s2+$0x0], $0xffff  }
0x22f: {  	vm1 =	vmmov vm8;
	v63 =	vand.u32 $0xFFFF0000, v32;
	v32 =	vshll.u32 v32, $0x10;
	v24 =	vld.idx.msk [tilespmem:v36+s2+$0x0], $0xffff  }
0x230: {  	s28 =	simm.s32 $0x80;
	s26 =	simm.s32 $0x400;
	v32 =	vsel vm7, v63, v32;
	v30 =	vand.u32 $0xFFFF0000, v60;
	v31 =	vshll.u32 v60, $0x10;
	v29 =	vld.idx.msk [tilespmem:v62+s2+$0x0], $0xffff  }
.LBB2_16:
0x231: {  	p0 =	sne.s32 s26, $0xBE00;
	v33 =	vld [tilespmem:s28+$0xF870];
	v34 =	vand.u32 $0xFFFF0000, v28;
	v28 =	vshll.u32 v28, $0x10;
	v23 =	vadd.f32 v32, v23  }
0x232: {  	v30 =	vsel vm3, v30, v31;
	v31 =	vand.u32 $0xFFFF0000, v25;
	v25 =	vshll.u32 v25, $0x10;
	v32 =	vld [tilespmem:s28+$0xF800]  }
0x233: {  	v34 =	vsel vm4, v34, v28;
	v28 =	vand.u32 $0xFFFF0000, v26;
	v26 =	vshll.u32 v26, $0x10;
	v35 =	vld [tilespmem:s28+$0xF810]  }
0x234: {  	v31 =	vsel vm6, v31, v25;
	v25 =	vand.u32 $0xFFFF0000, v27;
	v27 =	vshll.u32 v27, $0x10;
	v36 =	vld [tilespmem:s28+$0xF820]  }
0x235: {  	v38 =	vsel vm5, v28, v26;
	v26 =	vand.u32 $0xFFFF0000, v24;
	v24 =	vshll.u32 v24, $0x10;
	v37 =	vld [tilespmem:s28+$0xF830]  }
0x236: {  	v39 =	vand.u32 $0xFFFF0000, v29;
	v29 =	vshll.u32 v29, $0x10;
	v28 =	vld [tilespmem:s28+$0xF840];
	vm7 =	vgt.s32 v33, $0xC3FF  }
0x237: {  	v27 =	vsel vm2, v25, v27;
	vm3 =	vgt.s32 v32, $0xC3FF;
	v40 =	vld [tilespmem:s28+$0xF850];
	v41 =	vsel vm7, $0xFFFF3C00, v0  }
0x238: {  	v25 =	vsel vm3, $0xFFFF3C00, v0;
	vm4 =	vgt.s32 v35, $0xC3FF;
	v42 =	vld [tilespmem:s28+$0xF860];
	v33 =	vadd.s32 v33, v41  }
0x239: {  	v25 =	vadd.s32 v32, v25;
	v32 =	vsel vm4, $0xFFFF3C00, v0;
	vm6 =	vgt.s32 v36, $0xC3FF  }
0x23a: {  	v32 =	vadd.s32 v35, v32;
	v35 =	vsel vm6, $0xFFFF3C00, v0;
	vm5 =	vgt.s32 v37, $0xC3FF  }
0x23b: {  	v35 =	vadd.s32 v36, v35;
	v36 =	vsel vm5, $0xFFFF3C00, v0;
	vm2 =	vgt.s32 v28, $0xC3FF  }
0x23c: {  	v36 =	vadd.s32 v37, v36;
	v37 =	vsel vm2, $0xFFFF3C00, v0;
	vm8 =	vgt.s32 v40, $0xC3FF  }
0x23d: {  	v37 =	vadd.s32 v28, v37;
	v28 =	vsel vm8, $0xFFFF3C00, v0;
	vm9 =	vgt.s32 v42, $0xC3FF;
	v33 =	vld.idx.msk [tilespmem:v33+s2+$0x0], $0xffff  }
0x23e: {  	v24 =	vsel vm1, v26, v24;
	v41 =	vld.idx.msk [tilespmem:v25+s2+$0x0], $0xffff;
	v40 =	vadd.s32 v40, v28;
	v25 =	vsel vm9, $0xFFFF3C00, v0  }
0x23f: {  	v16 =	vadd.f32 v30, v16;
	v29 =	vsel vm0, v39, v29;
	v28 =	vld.idx.msk [tilespmem:v32+s2+$0x0], $0xffff;
	v32 =	vadd.s32 v42, v25  }
.Ltmp7:
0x240: {  	v19 =	vadd.f32 v34, v19;
	v20 =	vadd.f32 v31, v20;
	vm1 =	vmmov vm8;
	v25 =	vld.idx.msk [tilespmem:v35+s2+$0x0], $0xffff;
	(pc) =	sbr.rel @p0 .LBB2_16-.Ltmp7, $4  }
0x241: {  	v21 =	vadd.f32 v38, v21;
	v22 =	vadd.f32 v27, v22;
	vm0 =	vmmov vm9;
	v26 =	vld.idx.msk [tilespmem:v36+s2+$0x0], $0xffff  }
0x242: {  	v17 =	vadd.f32 v24, v17;
	v18 =	vadd.f32 v29, v18;
	v27 =	vld.idx.msk [tilespmem:v37+s2+$0x0], $0xffff  }
0x243: {  	v34 =	vand.u32 $0xFFFF0000, v33;
	v33 =	vshll.u32 v33, $0x10;
	v24 =	vld.idx.msk [tilespmem:v40+s2+$0x0], $0xffff  }
0x244: {  	s28 =	sshra.s32 s26, $0x2;
	s26 =	sadd.s32 $0x200, s26;
	v30 =	vand.u32 $0xFFFF0000, v41;
	v31 =	vshll.u32 v41, $0x10;
	v29 =	vld.idx.msk [tilespmem:v32+s2+$0x0], $0xffff;
	v32 =	vsel vm7, v34, v33  }
0x245: {  	v34 =	vand.u32 $0xFFFF0000, v28;
	v46 =	vshll.u32 v28, $0x10;
	v23 =	vadd.f32 v32, v23  }
0x246: {  	v30 =	vsel vm3, v30, v31;
	v48 =	vand.u32 $0xFFFF0000, v25;
	v49 =	vshll.u32 v25, $0x10  }
0x247: {  	v33 =	vld [tilespmem:s28+$0xF870];
	v28 =	vsel vm4, v34, v46;
	v50 =	vand.u32 $0xFFFF0000, v26;
	v51 =	vshll.u32 v26, $0x10  }
0x248: {  	v47 =	vld [tilespmem:s28+$0xF800];
	v25 =	vsel vm6, v48, v49;
	v16 =	vadd.f32 v30, v16;
	v52 =	vand.u32 $0xFFFF0000, v27  }
0x249: {  	v35 =	vld [tilespmem:s28+$0xF810];
	v53 =	vshll.u32 v27, $0x10;
	v26 =	vsel vm5, v50, v51;
	v19 =	vadd.f32 v28, v19  }
0x24a: {  	v36 =	vld [tilespmem:s28+$0xF820];
	v20 =	vadd.f32 v25, v20;
	v54 =	vand.u32 $0xFFFF0000, v24;
	v55 =	vshll.u32 v24, $0x10  }
0x24b: {  	v37 =	vld [tilespmem:s28+$0xF830];
	v27 =	vsel vm2, v52, v53;
	v21 =	vadd.f32 v26, v21;
	v39 =	vand.u32 $0xFFFF0000, v29  }
0x24c: {  	v38 =	vld [tilespmem:s28+$0xF840];
	v56 =	vshll.u32 v29, $0x10;
	v24 =	vsel vm1, v54, v55;
	vm3 =	vgt.s32 v33, $0xC3FF  }
0x24d: {  	v40 =	vld [tilespmem:s28+$0xF850];
	v22 =	vadd.f32 v27, v22;
	vm4 =	vgt.s32 v47, $0xC3FF;
	v41 =	vsel vm3, $0xFFFF3C00, v0  }
0x24e: {  	vm5 =	vgt.s32 v35, $0xC3FF;
	v57 =	vsel vm4, $0xFFFF3C00, v0;
	v33 =	vadd.s32 v33, v41  }
0x24f: {  	v42 =	vld [tilespmem:s28+$0xF860];
	vm7 =	vgt.s32 v36, $0xC3FF;
	v58 =	vsel vm5, $0xFFFF3C00, v0;
	v31 =	vadd.s32 v47, v57  }
0x250: {  	vm12 =	vgt.s32 v37, $0xC3FF;
	v59 =	vsel vm7, $0xFFFF3C00, v0;
	v32 =	vadd.s32 v35, v58  }
0x251: {  	vm13 =	vgt.s32 v38, $0xC3FF;
	v60 =	vsel vm12, $0xFFFF3C00, v0;
	v35 =	vadd.s32 v36, v59  }
0x252: {  	vm8 =	vgt.s32 v40, $0xC3FF;
	v61 =	vsel vm13, $0xFFFF3C00, v0;
	v36 =	vadd.s32 v37, v60  }
0x253: {  	v55 =	vor.u32 $0x300, v1;
	v62 =	vsel vm8, $0xFFFF3C00, v0;
	v37 =	vadd.s32 v38, v61;
	v33 =	vld.idx.msk [tilespmem:v33+s2+$0x0], $0xffff  }
0x254: {  	vm9 =	vgt.s32 v42, $0xC3FF;
	v29 =	vsel vm0, v39, v56;
	v38 =	vadd.s32 v40, v62;
	v31 =	vld.idx.msk [tilespmem:v31+s2+$0x0], $0xffff  }
0x255: {  	v17 =	vadd.f32 v24, v17;
	v56 =	vor.u32 $0x380, v1;
	v63 =	vsel vm9, $0xFFFF3C00, v0;
	v32 =	vld.idx.msk [tilespmem:v32+s2+$0x0], $0xffff  }
0x256: {  	vm14 =	vmmov vm8;
	vm15 =	vmmov vm9;
	v43 =	vadd.s32 v42, v63;
	v44 =	vld.idx.msk [tilespmem:v35+s2+$0x0], $0xffff  }
0x257: {  	v18 =	vadd.f32 v29, v18;
	v58 =	vor.u32 $0x310, v1;
	v60 =	vor.u32 $0x390, v1;
	v45 =	vld.idx.msk [tilespmem:v36+s2+$0x0], $0xffff  }
0x258: {  	v62 =	vor.u32 $0x320, v1;
	v40 =	vor.u32 $0x3A0, v1;
	v42 =	vor.u32 $0x330, v1;
	v46 =	vld.idx.msk [tilespmem:v37+s2+$0x0], $0xffff  }
0x259: {  	v49 =	vld.idx.msk [tilespmem:v38+s2+$0x0], $0xffff;
	v24 =	vand.u32 $0xFFFF0000, v33;
	v27 =	vshll.u32 v33, $0x10;
	v47 =	vand.u32 $0xFFFF0000, v31  }
0x25a: {  	v48 =	vshll.u32 v31, $0x10;
	v50 =	vand.u32 $0xFFFF0000, v32;
	v32 =	vshll.u32 v32, $0x10  }
0x25b: {  	v52 =	vld.idx.msk [tilespmem:v43+s2+$0x0], $0xffff;
	v51 =	vand.u32 $0xFFFF0000, v44;
	v30 =	vshll.u32 v44, $0x10;
	v28 =	vsel vm4, v47, v48  }
0x25c: {  	v53 =	vand.u32 $0xFFFF0000, v45;
	v25 =	vshll.u32 v45, $0x10;
	v16 =	vadd.f32 v28, v16  }
0x25d: {  	v54 =	vand.u32 $0xFFFF0000, v46;
	v26 =	vshll.u32 v46, $0x10;
	v32 =	vsel vm5, v50, v32  }
0x25e: {  	v57 =	vand.u32 $0xFFFF0000, v49;
	v19 =	vadd.f32 v32, v19;
	v59 =	vmul.f32 v16, v14  }
0x25f: {  	v31 =	vshll.u32 v49, $0x10;
	v29 =	vsel vm7, v51, v30;
	v16 =	vmul.f32 v16, v15  }
0x260: {  	v61 =	vand.u32 $0xFFFF0000, v52;
	v20 =	vadd.f32 v29, v20;
	v63 =	vmul.f32 v19, v14;
	[tilespmem:v55+s24+$0x0] =	vst.idx.msk $0xffff, v59  }
0x261: {  	v33 =	vshll.u32 v52, $0x10;
	v25 =	vsel vm12, v53, v25;
	v41 =	vmul.f32 v19, v15;
	[tilespmem:v56+s24+$0x0] =	vst.idx.msk $0xffff, v16  }
0x262: {  	v44 =	vor.u32 $0x3B0, v1;
	v21 =	vadd.f32 v25, v21;
	v43 =	vmul.f32 v20, v14;
	[tilespmem:v58+s24+$0x0] =	vst.idx.msk $0xffff, v63  }
0x263: {  	v46 =	vor.u32 $0x340, v1;
	v26 =	vsel vm13, v54, v26;
	v45 =	vmul.f32 v20, v15;
	[tilespmem:v60+s24+$0x0] =	vst.idx.msk $0xffff, v41  }
0x264: {  	v48 =	vor.u32 $0x3C0, v1;
	v22 =	vadd.f32 v26, v22;
	v47 =	vmul.f32 v21, v14;
	[tilespmem:v62+s24+$0x0] =	vst.idx.msk $0xffff, v43  }
0x265: {  	v49 =	vsel vm14, v57, v31;
	v51 =	vor.u32 $0x350, v1;
	v50 =	vmul.f32 v21, v15;
	[tilespmem:v40+s24+$0x0] =	vst.idx.msk $0xffff, v45  }
0x266: {  	v53 =	vor.u32 $0x3D0, v1;
	v17 =	vadd.f32 v49, v17;
	v52 =	vmul.f32 v22, v14;
	[tilespmem:v42+s24+$0x0] =	vst.idx.msk $0xffff, v47  }
0x267: {  	v54 =	vsel vm15, v61, v33;
	v55 =	vmul.f32 v22, v15;
	v56 =	vor.u32 $0x360, v1;
	[tilespmem:v44+s24+$0x0] =	vst.idx.msk $0xffff, v50  }
0x268: {  	v18 =	vadd.f32 v54, v18;
	v57 =	vmul.f32 v17, v14;
	v58 =	vor.u32 $0x3E0, v1;
	[tilespmem:v46+s24+$0x0] =	vst.idx.msk $0xffff, v52  }
0x269: {  	v24 =	vsel vm3, v24, v27;
	v59 =	vmul.f32 v17, v15;
	v60 =	vor.u32 $0x370, v1;
	[tilespmem:v48+s24+$0x0] =	vst.idx.msk $0xffff, v55  }
0x26a: {  	v23 =	vadd.f32 v24, v23;
	v61 =	vmul.f32 v18, v14;
	v62 =	vor.u32 $0x3F0, v1;
	[tilespmem:v51+s24+$0x0] =	vst.idx.msk $0xffff, v57  }
0x26b: {  	v63 =	vmul.f32 v18, v15;
	[tilespmem:v53+s24+$0x0] =	vst.idx.msk $0xffff, v59  }
0x26c: {  	v14 =	vmul.f32 v23, v14;
	[tilespmem:v56+s24+$0x0] =	vst.idx.msk $0xffff, v61  }
0x26d: {  	s25 =	sadd.s32 $0x1, s25;
	v15 =	vmul.f32 v23, v15;
	[tilespmem:v58+s24+$0x0] =	vst.idx.msk $0xffff, v63  }
0x26e: {  	p0 =	sne.s32 s25, s14;
	[tilespmem:v60+s24+$0x0] =	vst.idx.msk $0xffff, v14  }
.Ltmp8:
0x26f: {  	[tilespmem:v62+s24+$0x0] =	vst.idx.msk $0xffff, v15;
	(pc) =	sbr.rel @p0 .LBB2_1-.Ltmp8, $4  }
0x270: {  	[hbm4b:s13+s2] =	stream.linear.scatter [tilespmem:s24], [sflag:$0x4], $0x400, $0x38;
	[tilespmem:$0x13080] =	vst v63  }
0x271: {  	_ =	swait.ge [sflag:s20], $0x400  }
0x272: {  	[sflag:s20] =	ssyncset.done $0x0  }
0x273: {  	[sflag:s20] =	ssyncadd.s32 $0xFFFFFC00  }
0x274: {  	_ =	sfence.sel $0x180000  }
0x275: {  	[bflag:$0x0] =	sbarrier.arrive $0xFFFF  }
0x276: {  	p0 =	sne.s32 s1, $0x0;
	_ =	strace $0x90000047  }
0x277: {  	s0 =	sadd.s32 @!p0 $0x100000, s0;
	[bflag:$0x2] =	sbarrier.arrive $0xFFFF  }
0x278: {  	[sflag:s0] =	ssyncadd.tile.s32 @!p0 $0x1;
	_ =	shalt  }
.Lfunc_end2:
_tile_overlayer_lowered:
.L_overlay_start_2:
0x279: {  	(tag) =	ssettag $0x2  }
0x27a: {  	s0 =	rddreg [dreg:$0x0];
	s2 =	stileid.u32  }
0x27b: {  	s1 =	rddreg [dreg:$0x1];
	p0 =	sne.s32 s2, $0x0  }
0x27c: {  	s3 =	rddreg [dreg:$0x2];
	[bflag:$0x3] =	sbarrier.arrive $0xFFFF;
	s2 =	simm.s32 @!p0 $0x1C04  }
0x27d: {  	[timem:s3], [sflag:s2] =	dma.local @!p0 [hbm:s0], s1  }
0x27e: {  	s0 =	simm.s32 @!p0 $0x4  }
0x27f: {  	_ =	swait.ge @!p0 [sflag:s0], s1  }
0x280: {  	s1 =	ssub.s32 @!p0 $0x0, s1;
	[sflag:s0] =	ssyncset.done @!p0 $0x0  }
0x281: {  	[sflag:s0] =	ssyncadd.s32 @!p0 s1  }
0x282: {  	[bflag:$0x3] =	sbarrier.arrive $0xFFFF  }
0x283: {  	_ =	shalt  }

</sc_bundles>
